<compile_context>
chip_gen: v7x
topology: tpu7x:2x2x1
jax: 0.10.2.dev20260603
libtpu: 0.0.44.dev20260713+nightly
codegen_flags: <defaults>
</compile_context>

<pallas_src>
import functools

import jax
import jax.numpy as jnp
from jax import lax
from jax.experimental import pallas as pl
from jax.experimental.pallas import tpu as pltpu
from jax.experimental.pallas import tpu_sc as plsc

_NUM_CORES = 2
_NUM_SUBCORES = 16
_LANES = 16
_NW = _NUM_CORES * _NUM_SUBCORES

_CHUNK = 128
_GSUB = 128
_NSUB = _CHUNK // _GSUB
_NBUF = 4


def _concat_tables_body(tt_ref, dt_ref, out_ref):
  half = tt_ref.shape[-1]
  rows = tt_ref.shape[0]
  out_ref[0, :, 0:half] = tt_ref[...]
  out_ref[0, :, half:2 * half] = jnp.broadcast_to(dt_ref[0, 0, :],
                                                  (rows, half))


def _concat_tables(tau_table, d_table):
  n_tau, half = tau_table.shape
  n_d = d_table.shape[0]
  ct = pl.pallas_call(
      _concat_tables_body,
      grid=(n_d,),
      in_specs=[
          pl.BlockSpec((n_tau, half), lambda j: (0, 0)),
          pl.BlockSpec((1, 1, half), lambda j: (j, 0, 0)),
      ],
      out_specs=pl.BlockSpec((1, n_tau, 2 * half), lambda j: (j, 0, 0)),
      out_shape=jax.ShapeDtypeStruct((n_d, n_tau, 2 * half), jnp.float32),
  )(tau_table, d_table.reshape(n_d, 1, half))
  return ct.reshape(n_d * n_tau, 2 * half)


def _tau_d_embed_body(n_tau, n_chunks,
                      tau_hbm, d_hbm, ctab_hbm, out_hbm,
                      tau_v, d_v, cidx_v, rows_v, ctab_sp,
                      in_sems, g_sems, out_sems):
  cid = lax.axis_index("c")
  sid = lax.axis_index("s")
  wid = sid * _NUM_CORES + cid
  per_w = n_chunks * _CHUNK
  base = wid * per_w
  n_outer = n_chunks // _NBUF

  @pl.when(sid == 0)
  def _():
    pltpu.sync_copy(ctab_hbm, ctab_sp)
  plsc.subcore_barrier()

  def start_inputs(ci, s):
    off = base + ci * _CHUNK
    pltpu.async_copy(tau_hbm.at[pl.ds(off, _CHUNK)], tau_v.at[s], in_sems[s])
    pltpu.async_copy(d_hbm.at[pl.ds(off, _CHUNK)], d_v.at[s], in_sems[s])

  def wait_inputs(s):
    pltpu.make_async_copy(tau_hbm.at[pl.ds(0, _CHUNK)], tau_v.at[s],
                          in_sems[s]).wait()
    pltpu.make_async_copy(d_hbm.at[pl.ds(0, _CHUNK)], d_v.at[s],
                          in_sems[s]).wait()

  def wait_output(s):
    pltpu.make_async_copy(rows_v.at[s], out_hbm.at[pl.ds(0, _CHUNK)],
                          out_sems[s]).wait()

  for s in range(_NBUF):
    start_inputs(s, s)

  def outer_body(co, _):
    for s in range(_NBUF):
      ci = co * _NBUF + s
      wait_inputs(s)

      for k in range(_CHUNK // _LANES):
        j = k // (_GSUB // _LANES)
        col = (k % (_GSUB // _LANES)) * _LANES
        t = tau_v[s, pl.ds(k * _LANES, _LANES)]
        ti = (t * float(n_tau - 1)).astype(jnp.int32)
        ti = jnp.minimum(jnp.maximum(ti, 0), n_tau - 1)

        dv = d_v[s, pl.ds(k * _LANES, _LANES)]
        bits = lax.bitcast_convert_type(dv, jnp.int32)
        expo = lax.shift_right_logical(bits, 23) & 0xFF
        mant = bits & 0x7FFFFF
        di = jnp.where(mant == 0, 127 - expo, 126 - expo)
        di = jnp.minimum(jnp.maximum(di, 0), 6)

        cidx_v[s, j, pl.ds(col, _LANES)] = di * n_tau + ti

      @pl.when(co > 0)
      def _():
        wait_output(s)

      for j in range(_NSUB):
        pltpu.async_copy(
            ctab_sp.at[cidx_v.at[s, j]],
            rows_v.at[s, pl.ds(j * _GSUB, _GSUB)], g_sems[s])

      @pl.when(co < n_outer - 1)
      def _():
        start_inputs(ci + _NBUF, s)

      ps = (s - 1) % _NBUF

      def finish_prev():
        for j in range(_NSUB):
          pltpu.make_async_copy(
              ctab_sp.at[cidx_v.at[ps, j]],
              rows_v.at[ps, pl.ds(j * _GSUB, _GSUB)], g_sems[ps]).wait()
        poff = base + (ci - 1) * _CHUNK
        pltpu.async_copy(rows_v.at[ps], out_hbm.at[pl.ds(poff, _CHUNK)],
                         out_sems[ps])

      if s == 0:
        @pl.when(co > 0)
        def _():
          finish_prev()
      else:
        finish_prev()
    return 0

  lax.fori_loop(0, n_outer, outer_body, 0)

  last_s = (n_chunks - 1) % _NBUF
  for j in range(_NSUB):
    pltpu.make_async_copy(
        ctab_sp.at[cidx_v.at[last_s, j]],
        rows_v.at[last_s, pl.ds(j * _GSUB, _GSUB)], g_sems[last_s]).wait()
  pltpu.async_copy(rows_v.at[last_s],
                   out_hbm.at[pl.ds(base + (n_chunks - 1) * _CHUNK, _CHUNK)],
                   out_sems[last_s])
  for s in range(_NBUF):
    wait_output(s)


@functools.lru_cache(maxsize=None)
def _build_call(bt, n_tau, n_d, width, n_chunks):
  mesh = plsc.VectorSubcoreMesh(core_axis_name="c", subcore_axis_name="s",
                                num_cores=_NUM_CORES,
                                num_subcores=_NUM_SUBCORES)
  return pl.kernel(
      functools.partial(_tau_d_embed_body, n_tau, n_chunks),
      out_type=jax.ShapeDtypeStruct((bt, width), jnp.float32),
      mesh=mesh,
      scratch_types=[
          pltpu.VMEM((_NBUF, _CHUNK), jnp.float32),
          pltpu.VMEM((_NBUF, _CHUNK), jnp.float32),
          pltpu.VMEM((_NBUF, _NSUB, _GSUB), jnp.int32),
          pltpu.VMEM((_NBUF, _CHUNK, width), jnp.float32),
          pltpu.VMEM_SHARED((n_d * n_tau, width), jnp.float32),
          [pltpu.SemaphoreType.DMA] * _NBUF,
          [pltpu.SemaphoreType.DMA] * _NBUF,
          [pltpu.SemaphoreType.DMA] * _NBUF,
      ],
  )


@jax.jit
def kernel(tau, d, tau_table, d_table):
  b, t = tau.shape
  bt = b * t
  n_tau, half = tau_table.shape
  ct = _concat_tables(tau_table, d_table)
  n_chunks = bt // (_NW * _CHUNK)
  call = _build_call(bt, n_tau, d_table.shape[0], 2 * half, n_chunks)
  out = call(tau.reshape(bt), d.reshape(bt), ct)
  return out.reshape(b, t, 2 * half)

# --- scband reference (transcript-rebuilt; emitter-appended) ---
"""Pipeline reference for scband-tau-dembedding-46514495816420 (READ-ONLY COPY).

The authoritative reference and input builder live on the scoring server;
editing this copy changes nothing except your own understanding.
"""

import jax, jax.numpy as jnp
import numpy as np

B = 4096
T = 200
EMBED_DIM = 128
NUM_TAU_BINS = 256
NUM_D_BINS = 7


def setup_inputs(seed: int = 0) -> dict:
    key = jax.random.key(seed)
    k1, k2, k3, k4 = jax.random.split(key, 4)
    tau = jax.random.uniform(k1, (B, T), dtype=jnp.float32)
    d = jax.random.uniform(k2, (B, T), dtype=jnp.float32)
    tau_table = jax.random.normal(k3, (NUM_TAU_BINS, EMBED_DIM // 2), dtype=jnp.float32)
    d_table = jax.random.normal(k4, (NUM_D_BINS, EMBED_DIM // 2), dtype=jnp.float32)
    return {"tau": tau, "d": d, "tau_table": tau_table, "d_table": d_table}


def reference(tau, d, tau_table, d_table):
    # tau -> discretize to bins -> embedding lookup
    tau_idx = jnp.clip((tau * (NUM_TAU_BINS - 1)).astype(jnp.int32), 0, NUM_TAU_BINS - 1)
    # d -> index via -log2(d) -> embedding lookup
    d_idx = jnp.clip((-jnp.log2(d)).astype(jnp.int32), 0, NUM_D_BINS - 1)
    tau_emb = jnp.take(tau_table, tau_idx, axis=0)  # (B, T, EMBED_DIM//2)
    d_emb = jnp.take(d_table, d_idx, axis=0)        # (B, T, EMBED_DIM//2)
    combined = jnp.concatenate([tau_emb, d_emb], axis=-1)  # (B, T, EMBED_DIM)
    return combined

if __name__ == "__main__":
    import jax
    _d = setup_inputs()
    print(jax.jit(kernel)(*tuple(_d.values())))

</pallas_src>

<mosaic_0001>
#map = affine_map<(d0, d1) -> (0)>
#map1 = affine_map<(d0, d1) -> (0, 0)>
module attributes {stable_mosaic.version = 14 : i64} {
  func.func @_tau_d_embed_body(%arg0: i32, %arg1: i32, %arg2: memref<819200xf32, #tpu.memory_space<hbm>>, %arg3: memref<819200xf32, #tpu.memory_space<hbm>>, %arg4: memref<1792x128xf32, #tpu.memory_space<hbm>>, %arg5: memref<819200x128xf32, #tpu.memory_space<hbm>>, %arg6: memref<4x128xf32, #tpu.memory_space<vmem>>, %arg7: memref<4x128xf32, #tpu.memory_space<vmem>>, %arg8: memref<4x1x128xi32, #tpu.memory_space<vmem>>, %arg9: memref<4x128x128xf32, #tpu.memory_space<vmem>>, %arg10: memref<1792x128xf32, #tpu.memory_space<vmem_shared>>, %arg11: memref<!tpu.dma_semaphore, #tpu.memory_space<semaphore_mem>>, %arg12: memref<!tpu.dma_semaphore, #tpu.memory_space<semaphore_mem>>, %arg13: memref<!tpu.dma_semaphore, #tpu.memory_space<semaphore_mem>>, %arg14: memref<!tpu.dma_semaphore, #tpu.memory_space<semaphore_mem>>, %arg15: memref<!tpu.dma_semaphore, #tpu.memory_space<semaphore_mem>>, %arg16: memref<!tpu.dma_semaphore, #tpu.memory_space<semaphore_mem>>, %arg17: memref<!tpu.dma_semaphore, #tpu.memory_space<semaphore_mem>>, %arg18: memref<!tpu.dma_semaphore, #tpu.memory_space<semaphore_mem>>, %arg19: memref<!tpu.dma_semaphore, #tpu.memory_space<semaphore_mem>>, %arg20: memref<!tpu.dma_semaphore, #tpu.memory_space<semaphore_mem>>, %arg21: memref<!tpu.dma_semaphore, #tpu.memory_space<semaphore_mem>>, %arg22: memref<!tpu.dma_semaphore, #tpu.memory_space<semaphore_mem>>) attributes {dimension_semantics = [#tpu.dimension_semantics<core_parallel>, #tpu.dimension_semantics<subcore_parallel>], iteration_bounds = array<i64: 2, 16>, scalar_prefetch = 0 : i64, scratch_operands = 17 : i64, tpu.core_type = #tpu.core_type<sc_vector_subcore>, window_params = [{transform_indices = #map}, {transform_indices = #map}, {transform_indices = #map1}, {transform_indices = #map1}]} {
    %mul3A = arith.constant 2 : i32
    %mul3A_0 = arith.muli %arg1, %mul3A : i32
    %add3A = arith.addi %mul3A_0, %arg0 : i32
    %mul3A_1 = arith.constant 25600 : i32
    %mul3A_2 = arith.muli %add3A, %mul3A_1 : i32
    %eq3A = arith.constant 0 : i32
    %eq3A_3 = arith.cmpi eq, %arg1, %eq3A : i32
    %convert_element_type3A = arith.extui %eq3A_3 : i1 to i32
    %cond3A = arith.constant 0 : i32
    %cond3A_4 = arith.cmpi ne, %convert_element_type3A, %cond3A : i32
    scf.if %cond3A_4 {
      "tpu.region"() ({
        %run_scoped3A = tpu.sem_alloc : memref<!tpu.dma_semaphore, #tpu.memory_space<semaphore_mem>>
        tpu.enqueue_dma source(%arg4 : memref<1792x128xf32, #tpu.memory_space<hbm>>) target(%arg10 : memref<1792x128xf32, #tpu.memory_space<vmem_shared>>) target_semaphore(%run_scoped3A : memref<!tpu.dma_semaphore, #tpu.memory_space<semaphore_mem>>)
        tpu.wait_dma2 semaphore(%run_scoped3A : memref<!tpu.dma_semaphore, #tpu.memory_space<semaphore_mem>>) src(%arg4 : memref<1792x128xf32, #tpu.memory_space<hbm>>) dst(%arg10 : memref<1792x128xf32, #tpu.memory_space<vmem_shared>>)
        tpu.yield
      }) : () -> ()
    } else {
    }
    %barrier3A = arith.constant 0 : index
    tpu.barrier barrier_id(%barrier3A)
    %add3A_5 = arith.constant 0 : i32
    %add3A_6 = arith.addi %mul3A_2, %add3A_5 : i32
    %dma_start3A = arith.constant 0 : i32
    %dma_start3A_7 = arith.constant 0 : i32
    %dma_start3A_8 = tpu.memref_slice %arg6[%dma_start3A, %dma_start3A_7] : memref<4x128xf32, #tpu.memory_space<vmem>> -> memref<1x128xf32, #tpu.memory_space<vmem>>
    %dma_start3A_9 = tpu.memref_squeeze %dma_start3A_8 : memref<1x128xf32, #tpu.memory_space<vmem>> -> memref<128xf32, #tpu.memory_space<vmem>>
    %dma_start3A_10 = tpu.memref_slice %arg2[%add3A_6] : memref<819200xf32, #tpu.memory_space<hbm>> -> memref<128xf32, #tpu.memory_space<hbm>>
    %dma_start3A_11 = arith.constant 0 : i32
    %dma_start3A_12 = tpu.memref_slice %arg6[%dma_start3A, %dma_start3A_11] : memref<4x128xf32, #tpu.memory_space<vmem>> -> memref<1x128xf32, #tpu.memory_space<vmem>>
    %dma_start3A_13 = tpu.memref_squeeze %dma_start3A_12 : memref<1x128xf32, #tpu.memory_space<vmem>> -> memref<128xf32, #tpu.memory_space<vmem>>
    %dma_start3A_14 = tpu.memref_slice %arg2[%add3A_6] : memref<819200xf32, #tpu.memory_space<hbm>> -> memref<128xf32, #tpu.memory_space<hbm>>
    tpu.enqueue_dma source(%dma_start3A_14 : memref<128xf32, #tpu.memory_space<hbm>>) target(%dma_start3A_13 : memref<128xf32, #tpu.memory_space<vmem>>) target_semaphore(%arg11 : memref<!tpu.dma_semaphore, #tpu.memory_space<semaphore_mem>>)
    %dma_start3A_15 = arith.constant 0 : i32
    %dma_start3A_16 = arith.constant 0 : i32
    %dma_start3A_17 = tpu.memref_slice %arg7[%dma_start3A_15, %dma_start3A_16] : memref<4x128xf32, #tpu.memory_space<vmem>> -> memref<1x128xf32, #tpu.memory_space<vmem>>
    %dma_start3A_18 = tpu.memref_squeeze %dma_start3A_17 : memref<1x128xf32, #tpu.memory_space<vmem>> -> memref<128xf32, #tpu.memory_space<vmem>>
    %dma_start3A_19 = tpu.memref_slice %arg3[%add3A_6] : memref<819200xf32, #tpu.memory_space<hbm>> -> memref<128xf32, #tpu.memory_space<hbm>>
    %dma_start3A_20 = arith.constant 0 : i32
    %dma_start3A_21 = tpu.memref_slice %arg7[%dma_start3A_15, %dma_start3A_20] : memref<4x128xf32, #tpu.memory_space<vmem>> -> memref<1x128xf32, #tpu.memory_space<vmem>>
    %dma_start3A_22 = tpu.memref_squeeze %dma_start3A_21 : memref<1x128xf32, #tpu.memory_space<vmem>> -> memref<128xf32, #tpu.memory_space<vmem>>
    %dma_start3A_23 = tpu.memref_slice %arg3[%add3A_6] : memref<819200xf32, #tpu.memory_space<hbm>> -> memref<128xf32, #tpu.memory_space<hbm>>
    tpu.enqueue_dma source(%dma_start3A_23 : memref<128xf32, #tpu.memory_space<hbm>>) target(%dma_start3A_22 : memref<128xf32, #tpu.memory_space<vmem>>) target_semaphore(%arg11 : memref<!tpu.dma_semaphore, #tpu.memory_space<semaphore_mem>>)
    %add3A_24 = arith.constant 128 : i32
    %add3A_25 = arith.addi %mul3A_2, %add3A_24 : i32
    %dma_start3A_26 = arith.constant 1 : i32
    %dma_start3A_27 = arith.constant 0 : i32
    %dma_start3A_28 = tpu.memref_slice %arg6[%dma_start3A_26, %dma_start3A_27] : memref<4x128xf32, #tpu.memory_space<vmem>> -> memref<1x128xf32, #tpu.memory_space<vmem>>
    %dma_start3A_29 = tpu.memref_squeeze %dma_start3A_28 : memref<1x128xf32, #tpu.memory_space<vmem>> -> memref<128xf32, #tpu.memory_space<vmem>>
    %dma_start3A_30 = tpu.memref_slice %arg2[%add3A_25] : memref<819200xf32, #tpu.memory_space<hbm>> -> memref<128xf32, #tpu.memory_space<hbm>>
    %dma_start3A_31 = arith.constant 0 : i32
    %dma_start3A_32 = tpu.memref_slice %arg6[%dma_start3A_26, %dma_start3A_31] : memref<4x128xf32, #tpu.memory_space<vmem>> -> memref<1x128xf32, #tpu.memory_space<vmem>>
    %dma_start3A_33 = tpu.memref_squeeze %dma_start3A_32 : memref<1x128xf32, #tpu.memory_space<vmem>> -> memref<128xf32, #tpu.memory_space<vmem>>
    %dma_start3A_34 = tpu.memref_slice %arg2[%add3A_25] : memref<819200xf32, #tpu.memory_space<hbm>> -> memref<128xf32, #tpu.memory_space<hbm>>
    tpu.enqueue_dma source(%dma_start3A_34 : memref<128xf32, #tpu.memory_space<hbm>>) target(%dma_start3A_33 : memref<128xf32, #tpu.memory_space<vmem>>) target_semaphore(%arg12 : memref<!tpu.dma_semaphore, #tpu.memory_space<semaphore_mem>>)
    %dma_start3A_35 = arith.constant 1 : i32
    %dma_start3A_36 = arith.constant 0 : i32
    %dma_start3A_37 = tpu.memref_slice %arg7[%dma_start3A_35, %dma_start3A_36] : memref<4x128xf32, #tpu.memory_space<vmem>> -> memref<1x128xf32, #tpu.memory_space<vmem>>
    %dma_start3A_38 = tpu.memref_squeeze %dma_start3A_37 : memref<1x128xf32, #tpu.memory_space<vmem>> -> memref<128xf32, #tpu.memory_space<vmem>>
    %dma_start3A_39 = tpu.memref_slice %arg3[%add3A_25] : memref<819200xf32, #tpu.memory_space<hbm>> -> memref<128xf32, #tpu.memory_space<hbm>>
    %dma_start3A_40 = arith.constant 0 : i32
    %dma_start3A_41 = tpu.memref_slice %arg7[%dma_start3A_35, %dma_start3A_40] : memref<4x128xf32, #tpu.memory_space<vmem>> -> memref<1x128xf32, #tpu.memory_space<vmem>>
    %dma_start3A_42 = tpu.memref_squeeze %dma_start3A_41 : memref<1x128xf32, #tpu.memory_space<vmem>> -> memref<128xf32, #tpu.memory_space<vmem>>
    %dma_start3A_43 = tpu.memref_slice %arg3[%add3A_25] : memref<819200xf32, #tpu.memory_space<hbm>> -> memref<128xf32, #tpu.memory_space<hbm>>
    tpu.enqueue_dma source(%dma_start3A_43 : memref<128xf32, #tpu.memory_space<hbm>>) target(%dma_start3A_42 : memref<128xf32, #tpu.memory_space<vmem>>) target_semaphore(%arg12 : memref<!tpu.dma_semaphore, #tpu.memory_space<semaphore_mem>>)
    %add3A_44 = arith.constant 256 : i32
    %add3A_45 = arith.addi %mul3A_2, %add3A_44 : i32
    %dma_start3A_46 = arith.constant 2 : i32
    %dma_start3A_47 = arith.constant 0 : i32
    %dma_start3A_48 = tpu.memref_slice %arg6[%dma_start3A_46, %dma_start3A_47] : memref<4x128xf32, #tpu.memory_space<vmem>> -> memref<1x128xf32, #tpu.memory_space<vmem>>
    %dma_start3A_49 = tpu.memref_squeeze %dma_start3A_48 : memref<1x128xf32, #tpu.memory_space<vmem>> -> memref<128xf32, #tpu.memory_space<vmem>>
    %dma_start3A_50 = tpu.memref_slice %arg2[%add3A_45] : memref<819200xf32, #tpu.memory_space<hbm>> -> memref<128xf32, #tpu.memory_space<hbm>>
    %dma_start3A_51 = arith.constant 0 : i32
    %dma_start3A_52 = tpu.memref_slice %arg6[%dma_start3A_46, %dma_start3A_51] : memref<4x128xf32, #tpu.memory_space<vmem>> -> memref<1x128xf32, #tpu.memory_space<vmem>>
    %dma_start3A_53 = tpu.memref_squeeze %dma_start3A_52 : memref<1x128xf32, #tpu.memory_space<vmem>> -> memref<128xf32, #tpu.memory_space<vmem>>
    %dma_start3A_54 = tpu.memref_slice %arg2[%add3A_45] : memref<819200xf32, #tpu.memory_space<hbm>> -> memref<128xf32, #tpu.memory_space<hbm>>
    tpu.enqueue_dma source(%dma_start3A_54 : memref<128xf32, #tpu.memory_space<hbm>>) target(%dma_start3A_53 : memref<128xf32, #tpu.memory_space<vmem>>) target_semaphore(%arg13 : memref<!tpu.dma_semaphore, #tpu.memory_space<semaphore_mem>>)
    %dma_start3A_55 = arith.constant 2 : i32
    %dma_start3A_56 = arith.constant 0 : i32
    %dma_start3A_57 = tpu.memref_slice %arg7[%dma_start3A_55, %dma_start3A_56] : memref<4x128xf32, #tpu.memory_space<vmem>> -> memref<1x128xf32, #tpu.memory_space<vmem>>
    %dma_start3A_58 = tpu.memref_squeeze %dma_start3A_57 : memref<1x128xf32, #tpu.memory_space<vmem>> -> memref<128xf32, #tpu.memory_space<vmem>>
    %dma_start3A_59 = tpu.memref_slice %arg3[%add3A_45] : memref<819200xf32, #tpu.memory_space<hbm>> -> memref<128xf32, #tpu.memory_space<hbm>>
    %dma_start3A_60 = arith.constant 0 : i32
    %dma_start3A_61 = tpu.memref_slice %arg7[%dma_start3A_55, %dma_start3A_60] : memref<4x128xf32, #tpu.memory_space<vmem>> -> memref<1x128xf32, #tpu.memory_space<vmem>>
    %dma_start3A_62 = tpu.memref_squeeze %dma_start3A_61 : memref<1x128xf32, #tpu.memory_space<vmem>> -> memref<128xf32, #tpu.memory_space<vmem>>
    %dma_start3A_63 = tpu.memref_slice %arg3[%add3A_45] : memref<819200xf32, #tpu.memory_space<hbm>> -> memref<128xf32, #tpu.memory_space<hbm>>
    tpu.enqueue_dma source(%dma_start3A_63 : memref<128xf32, #tpu.memory_space<hbm>>) target(%dma_start3A_62 : memref<128xf32, #tpu.memory_space<vmem>>) target_semaphore(%arg13 : memref<!tpu.dma_semaphore, #tpu.memory_space<semaphore_mem>>)
    %add3A_64 = arith.constant 384 : i32
    %add3A_65 = arith.addi %mul3A_2, %add3A_64 : i32
    %dma_start3A_66 = arith.constant 3 : i32
    %dma_start3A_67 = arith.constant 0 : i32
    %dma_start3A_68 = tpu.memref_slice %arg6[%dma_start3A_66, %dma_start3A_67] : memref<4x128xf32, #tpu.memory_space<vmem>> -> memref<1x128xf32, #tpu.memory_space<vmem>>
    %dma_start3A_69 = tpu.memref_squeeze %dma_start3A_68 : memref<1x128xf32, #tpu.memory_space<vmem>> -> memref<128xf32, #tpu.memory_space<vmem>>
    %dma_start3A_70 = tpu.memref_slice %arg2[%add3A_65] : memref<819200xf32, #tpu.memory_space<hbm>> -> memref<128xf32, #tpu.memory_space<hbm>>
    %dma_start3A_71 = arith.constant 0 : i32
    %dma_start3A_72 = tpu.memref_slice %arg6[%dma_start3A_66, %dma_start3A_71] : memref<4x128xf32, #tpu.memory_space<vmem>> -> memref<1x128xf32, #tpu.memory_space<vmem>>
    %dma_start3A_73 = tpu.memref_squeeze %dma_start3A_72 : memref<1x128xf32, #tpu.memory_space<vmem>> -> memref<128xf32, #tpu.memory_space<vmem>>
    %dma_start3A_74 = tpu.memref_slice %arg2[%add3A_65] : memref<819200xf32, #tpu.memory_space<hbm>> -> memref<128xf32, #tpu.memory_space<hbm>>
    tpu.enqueue_dma source(%dma_start3A_74 : memref<128xf32, #tpu.memory_space<hbm>>) target(%dma_start3A_73 : memref<128xf32, #tpu.memory_space<vmem>>) target_semaphore(%arg14 : memref<!tpu.dma_semaphore, #tpu.memory_space<semaphore_mem>>)
    %dma_start3A_75 = arith.constant 3 : i32
    %dma_start3A_76 = arith.constant 0 : i32
    %dma_start3A_77 = tpu.memref_slice %arg7[%dma_start3A_75, %dma_start3A_76] : memref<4x128xf32, #tpu.memory_space<vmem>> -> memref<1x128xf32, #tpu.memory_space<vmem>>
    %dma_start3A_78 = tpu.memref_squeeze %dma_start3A_77 : memref<1x128xf32, #tpu.memory_space<vmem>> -> memref<128xf32, #tpu.memory_space<vmem>>
    %dma_start3A_79 = tpu.memref_slice %arg3[%add3A_65] : memref<819200xf32, #tpu.memory_space<hbm>> -> memref<128xf32, #tpu.memory_space<hbm>>
    %dma_start3A_80 = arith.constant 0 : i32
    %dma_start3A_81 = tpu.memref_slice %arg7[%dma_start3A_75, %dma_start3A_80] : memref<4x128xf32, #tpu.memory_space<vmem>> -> memref<1x128xf32, #tpu.memory_space<vmem>>
    %dma_start3A_82 = tpu.memref_squeeze %dma_start3A_81 : memref<1x128xf32, #tpu.memory_space<vmem>> -> memref<128xf32, #tpu.memory_space<vmem>>
    %dma_start3A_83 = tpu.memref_slice %arg3[%add3A_65] : memref<819200xf32, #tpu.memory_space<hbm>> -> memref<128xf32, #tpu.memory_space<hbm>>
    tpu.enqueue_dma source(%dma_start3A_83 : memref<128xf32, #tpu.memory_space<hbm>>) target(%dma_start3A_82 : memref<128xf32, #tpu.memory_space<vmem>>) target_semaphore(%arg14 : memref<!tpu.dma_semaphore, #tpu.memory_space<semaphore_mem>>)
    %scan3A = arith.constant 0 : i32
    %scan3A_84 = arith.constant 0 : i32
    %scan3A_85 = arith.constant 50 : i32
    %scan3A_86 = arith.addi %scan3A_84, %scan3A_85 : i32
    %scan3A_87 = arith.constant 1 : i32
    %scan3A_88 = scf.for %scan3A_177 = %scan3A_84 to %scan3A_86 step %scan3A_87 iter_args(%scan3A_178 = %scan3A) -> (i32)  : i32 {
      %mul3A_179 = arith.constant 4 : i32
      %mul3A_180 = arith.muli %scan3A_177, %mul3A_179 : i32
      %add3A_181 = arith.constant 0 : i32
      %add3A_182 = arith.addi %mul3A_180, %add3A_181 : i32
      %dma_wait3A_183 = arith.constant 0 : i32
      %dma_wait3A_184 = arith.constant 0 : i32
      %dma_wait3A_185 = tpu.memref_slice %arg6[%dma_wait3A_183, %dma_wait3A_184] : memref<4x128xf32, #tpu.memory_space<vmem>> -> memref<1x128xf32, #tpu.memory_space<vmem>>
      %dma_wait3A_186 = tpu.memref_squeeze %dma_wait3A_185 : memref<1x128xf32, #tpu.memory_space<vmem>> -> memref<128xf32, #tpu.memory_space<vmem>>
      %dma_wait3A_187 = arith.constant 0 : i32
      %dma_wait3A_188 = tpu.memref_slice %arg2[%dma_wait3A_187] : memref<819200xf32, #tpu.memory_space<hbm>> -> memref<128xf32, #tpu.memory_space<hbm>>
      %dma_wait3A_189 = arith.constant 0 : i32
      %dma_wait3A_190 = tpu.memref_slice %arg6[%dma_wait3A_183, %dma_wait3A_189] : memref<4x128xf32, #tpu.memory_space<vmem>> -> memref<1x128xf32, #tpu.memory_space<vmem>>
      %dma_wait3A_191 = tpu.memref_squeeze %dma_wait3A_190 : memref<1x128xf32, #tpu.memory_space<vmem>> -> memref<128xf32, #tpu.memory_space<vmem>>
      %dma_wait3A_192 = arith.constant 0 : i32
      %dma_wait3A_193 = tpu.memref_slice %arg2[%dma_wait3A_192] : memref<819200xf32, #tpu.memory_space<hbm>> -> memref<128xf32, #tpu.memory_space<hbm>>
      tpu.wait_dma2 semaphore(%arg11 : memref<!tpu.dma_semaphore, #tpu.memory_space<semaphore_mem>>) src(%dma_wait3A_193 : memref<128xf32, #tpu.memory_space<hbm>>) dst(%dma_wait3A_191 : memref<128xf32, #tpu.memory_space<vmem>>)
      %dma_wait3A_194 = arith.constant 0 : i32
      %dma_wait3A_195 = arith.constant 0 : i32
      %dma_wait3A_196 = tpu.memref_slice %arg7[%dma_wait3A_194, %dma_wait3A_195] : memref<4x128xf32, #tpu.memory_space<vmem>> -> memref<1x128xf32, #tpu.memory_space<vmem>>
      %dma_wait3A_197 = tpu.memref_squeeze %dma_wait3A_196 : memref<1x128xf32, #tpu.memory_space<vmem>> -> memref<128xf32, #tpu.memory_space<vmem>>
      %dma_wait3A_198 = arith.constant 0 : i32
      %dma_wait3A_199 = tpu.memref_slice %arg3[%dma_wait3A_198] : memref<819200xf32, #tpu.memory_space<hbm>> -> memref<128xf32, #tpu.memory_space<hbm>>
      %dma_wait3A_200 = arith.constant 0 : i32
      %dma_wait3A_201 = tpu.memref_slice %arg7[%dma_wait3A_194, %dma_wait3A_200] : memref<4x128xf32, #tpu.memory_space<vmem>> -> memref<1x128xf32, #tpu.memory_space<vmem>>
      %dma_wait3A_202 = tpu.memref_squeeze %dma_wait3A_201 : memref<1x128xf32, #tpu.memory_space<vmem>> -> memref<128xf32, #tpu.memory_space<vmem>>
      %dma_wait3A_203 = arith.constant 0 : i32
      %dma_wait3A_204 = tpu.memref_slice %arg3[%dma_wait3A_203] : memref<819200xf32, #tpu.memory_space<hbm>> -> memref<128xf32, #tpu.memory_space<hbm>>
      tpu.wait_dma2 semaphore(%arg11 : memref<!tpu.dma_semaphore, #tpu.memory_space<semaphore_mem>>) src(%dma_wait3A_204 : memref<128xf32, #tpu.memory_space<hbm>>) dst(%dma_wait3A_202 : memref<128xf32, #tpu.memory_space<vmem>>)
      %get3A = arith.constant 0 : i32
      %get3A_205 = arith.index_cast %get3A : i32 to index
      %get3A_206 = arith.constant 0 : index
      %get3A_207 = tpu.vector_load %arg6[%get3A_205, %get3A_206] {strides = array<i32>} : memref<4x128xf32, #tpu.memory_space<vmem>>, vector<1x16xf32>,
      %get3A_208 = vector.shape_cast %get3A_207 : vector<1x16xf32> to vector<16xf32>
      %mul3A_209 = arith.constant 2.550000e+02 : f32
      %mul3A_210 = vector.broadcast %mul3A_209 : f32 to vector<16xf32>
      %mul3A_211 = arith.mulf %get3A_208, %mul3A_210 : vector<16xf32>
      %convert_element_type3A_212 = arith.fptosi %mul3A_211 : vector<16xf32> to vector<16xi32>
      %max3A = arith.constant 0 : i32
      %max3A_213 = vector.broadcast %max3A : i32 to vector<16xi32>
      %max3A_214 = arith.maxsi %convert_element_type3A_212, %max3A_213 : vector<16xi32>
      %min3A = arith.constant 255 : i32
      %min3A_215 = vector.broadcast %min3A : i32 to vector<16xi32>
      %min3A_216 = arith.minsi %max3A_214, %min3A_215 : vector<16xi32>
      %get3A_217 = arith.constant 0 : i32
      %get3A_218 = arith.index_cast %get3A_217 : i32 to index
      %get3A_219 = arith.constant 0 : index
      %get3A_220 = tpu.vector_load %arg7[%get3A_218, %get3A_219] {strides = array<i32>} : memref<4x128xf32, #tpu.memory_space<vmem>>, vector<1x16xf32>,
      %get3A_221 = vector.shape_cast %get3A_220 : vector<1x16xf32> to vector<16xf32>
      %bitcast_convert_type3A = tpu.bitcast %get3A_221 : vector<16xf32> -> vector<16xi32>
      %shift_right_logical3A = arith.constant 23 : i32
      %shift_right_logical3A_222 = vector.broadcast %shift_right_logical3A : i32 to vector<16xi32>
      %shift_right_logical3A_223 = arith.shrui %bitcast_convert_type3A, %shift_right_logical3A_222 : vector<16xi32>
      %and3A = arith.constant 255 : i32
      %and3A_224 = vector.broadcast %and3A : i32 to vector<16xi32>
      %and3A_225 = arith.andi %shift_right_logical3A_223, %and3A_224 : vector<16xi32>
      %and3A_226 = arith.constant 8388607 : i32
      %and3A_227 = vector.broadcast %and3A_226 : i32 to vector<16xi32>
      %and3A_228 = arith.andi %bitcast_convert_type3A, %and3A_227 : vector<16xi32>
      %eq3A_229 = arith.constant 0 : i32
      %eq3A_230 = vector.broadcast %eq3A_229 : i32 to vector<16xi32>
      %eq3A_231 = arith.cmpi eq, %and3A_228, %eq3A_230 : vector<16xi32>
      %sub3A = arith.constant 127 : i32
      %sub3A_232 = vector.broadcast %sub3A : i32 to vector<16xi32>
      %sub3A_233 = arith.subi %sub3A_232, %and3A_225 : vector<16xi32>
      %sub3A_234 = arith.constant 126 : i32
      %sub3A_235 = vector.broadcast %sub3A_234 : i32 to vector<16xi32>
      %sub3A_236 = arith.subi %sub3A_235, %and3A_225 : vector<16xi32>
      %select_n3A = arith.select %eq3A_231, %sub3A_233, %sub3A_236 : vector<16xi1>, vector<16xi32>
      %max3A_237 = arith.constant 0 : i32
      %max3A_238 = vector.broadcast %max3A_237 : i32 to vector<16xi32>
      %max3A_239 = arith.maxsi %select_n3A, %max3A_238 : vector<16xi32>
      %min3A_240 = arith.constant 6 : i32
      %min3A_241 = vector.broadcast %min3A_240 : i32 to vector<16xi32>
      %min3A_242 = arith.minsi %max3A_239, %min3A_241 : vector<16xi32>
      %mul3A_243 = arith.constant 256 : i32
      %mul3A_244 = vector.broadcast %mul3A_243 : i32 to vector<16xi32>
      %mul3A_245 = arith.muli %min3A_242, %mul3A_244 : vector<16xi32>
      %add3A_246 = arith.addi %mul3A_245, %min3A_216 : vector<16xi32>
      %swap3A = arith.constant 0 : i32
      %swap3A_247 = arith.constant 0 : i32
      %swap3A_248 = arith.index_cast %swap3A : i32 to index
      %swap3A_249 = arith.index_cast %swap3A_247 : i32 to index
      %swap3A_250 = arith.constant 0 : index
      %swap3A_251 = tpu.vector_load %arg8[%swap3A_248, %swap3A_249, %swap3A_250] {strides = array<i32>} : memref<4x1x128xi32, #tpu.memory_space<vmem>>, vector<1x1x16xi32>,
      %swap3A_252 = vector.shape_cast %swap3A_251 : vector<1x1x16xi32> to vector<16xi32>
      %swap3A_253 = vector.shape_cast %add3A_246 : vector<16xi32> to vector<1x1x16xi32>
      tpu.vector_store %arg8[%swap3A_248, %swap3A_249, %swap3A_250], %swap3A_253 {strides = array<i32>} : memref<4x1x128xi32, #tpu.memory_space<vmem>>, vector<1x1x16xi32>,
      %get3A_254 = arith.constant 0 : i32
      %get3A_255 = arith.index_cast %get3A_254 : i32 to index
      %get3A_256 = arith.constant 16 : index
      %get3A_257 = tpu.vector_load %arg6[%get3A_255, %get3A_256] {strides = array<i32>} : memref<4x128xf32, #tpu.memory_space<vmem>>, vector<1x16xf32>,
      %get3A_258 = vector.shape_cast %get3A_257 : vector<1x16xf32> to vector<16xf32>
      %mul3A_259 = arith.constant 2.550000e+02 : f32
      %mul3A_260 = vector.broadcast %mul3A_259 : f32 to vector<16xf32>
      %mul3A_261 = arith.mulf %get3A_258, %mul3A_260 : vector<16xf32>
      %convert_element_type3A_262 = arith.fptosi %mul3A_261 : vector<16xf32> to vector<16xi32>
      %max3A_263 = arith.constant 0 : i32
      %max3A_264 = vector.broadcast %max3A_263 : i32 to vector<16xi32>
      %max3A_265 = arith.maxsi %convert_element_type3A_262, %max3A_264 : vector<16xi32>
      %min3A_266 = arith.constant 255 : i32
      %min3A_267 = vector.broadcast %min3A_266 : i32 to vector<16xi32>
      %min3A_268 = arith.minsi %max3A_265, %min3A_267 : vector<16xi32>
      %get3A_269 = arith.constant 0 : i32
      %get3A_270 = arith.index_cast %get3A_269 : i32 to index
      %get3A_271 = arith.constant 16 : index
      %get3A_272 = tpu.vector_load %arg7[%get3A_270, %get3A_271] {strides = array<i32>} : memref<4x128xf32, #tpu.memory_space<vmem>>, vector<1x16xf32>,
      %get3A_273 = vector.shape_cast %get3A_272 : vector<1x16xf32> to vector<16xf32>
      %bitcast_convert_type3A_274 = tpu.bitcast %get3A_273 : vector<16xf32> -> vector<16xi32>
      %shift_right_logical3A_275 = arith.constant 23 : i32
      %shift_right_logical3A_276 = vector.broadcast %shift_right_logical3A_275 : i32 to vector<16xi32>
      %shift_right_logical3A_277 = arith.shrui %bitcast_convert_type3A_274, %shift_right_logical3A_276 : vector<16xi32>
      %and3A_278 = arith.constant 255 : i32
      %and3A_279 = vector.broadcast %and3A_278 : i32 to vector<16xi32>
      %and3A_280 = arith.andi %shift_right_logical3A_277, %and3A_279 : vector<16xi32>
      %and3A_281 = arith.constant 8388607 : i32
      %and3A_282 = vector.broadcast %and3A_281 : i32 to vector<16xi32>
      %and3A_283 = arith.andi %bitcast_convert_type3A_274, %and3A_282 : vector<16xi32>
      %eq3A_284 = arith.constant 0 : i32
      %eq3A_285 = vector.broadcast %eq3A_284 : i32 to vector<16xi32>
      %eq3A_286 = arith.cmpi eq, %and3A_283, %eq3A_285 : vector<16xi32>
      %sub3A_287 = arith.constant 127 : i32
      %sub3A_288 = vector.broadcast %sub3A_287 : i32 to vector<16xi32>
      %sub3A_289 = arith.subi %sub3A_288, %and3A_280 : vector<16xi32>
      %sub3A_290 = arith.constant 126 : i32
      %sub3A_291 = vector.broadcast %sub3A_290 : i32 to vector<16xi32>
      %sub3A_292 = arith.subi %sub3A_291, %and3A_280 : vector<16xi32>
      %select_n3A_293 = arith.select %eq3A_286, %sub3A_289, %sub3A_292 : vector<16xi1>, vector<16xi32>
      %max3A_294 = arith.constant 0 : i32
      %max3A_295 = vector.broadcast %max3A_294 : i32 to vector<16xi32>
      %max3A_296 = arith.maxsi %select_n3A_293, %max3A_295 : vector<16xi32>
      %min3A_297 = arith.constant 6 : i32
      %min3A_298 = vector.broadcast %min3A_297 : i32 to vector<16xi32>
      %min3A_299 = arith.minsi %max3A_296, %min3A_298 : vector<16xi32>
      %mul3A_300 = arith.constant 256 : i32
      %mul3A_301 = vector.broadcast %mul3A_300 : i32 to vector<16xi32>
      %mul3A_302 = arith.muli %min3A_299, %mul3A_301 : vector<16xi32>
      %add3A_303 = arith.addi %mul3A_302, %min3A_268 : vector<16xi32>
      %swap3A_304 = arith.constant 0 : i32
      %swap3A_305 = arith.constant 0 : i32
      %swap3A_306 = arith.index_cast %swap3A_304 : i32 to index
      %swap3A_307 = arith.index_cast %swap3A_305 : i32 to index
      %swap3A_308 = arith.constant 16 : index
      %swap3A_309 = tpu.vector_load %arg8[%swap3A_306, %swap3A_307, %swap3A_308] {strides = array<i32>} : memref<4x1x128xi32, #tpu.memory_space<vmem>>, vector<1x1x16xi32>,
      %swap3A_310 = vector.shape_cast %swap3A_309 : vector<1x1x16xi32> to vector<16xi32>
      %swap3A_311 = vector.shape_cast %add3A_303 : vector<16xi32> to vector<1x1x16xi32>
      tpu.vector_store %arg8[%swap3A_306, %swap3A_307, %swap3A_308], %swap3A_311 {strides = array<i32>} : memref<4x1x128xi32, #tpu.memory_space<vmem>>, vector<1x1x16xi32>,
      %get3A_312 = arith.constant 0 : i32
      %get3A_313 = arith.index_cast %get3A_312 : i32 to index
      %get3A_314 = arith.constant 32 : index
      %get3A_315 = tpu.vector_load %arg6[%get3A_313, %get3A_314] {strides = array<i32>} : memref<4x128xf32, #tpu.memory_space<vmem>>, vector<1x16xf32>,
      %get3A_316 = vector.shape_cast %get3A_315 : vector<1x16xf32> to vector<16xf32>
      %mul3A_317 = arith.constant 2.550000e+02 : f32
      %mul3A_318 = vector.broadcast %mul3A_317 : f32 to vector<16xf32>
      %mul3A_319 = arith.mulf %get3A_316, %mul3A_318 : vector<16xf32>
      %convert_element_type3A_320 = arith.fptosi %mul3A_319 : vector<16xf32> to vector<16xi32>
      %max3A_321 = arith.constant 0 : i32
      %max3A_322 = vector.broadcast %max3A_321 : i32 to vector<16xi32>
      %max3A_323 = arith.maxsi %convert_element_type3A_320, %max3A_322 : vector<16xi32>
      %min3A_324 = arith.constant 255 : i32
      %min3A_325 = vector.broadcast %min3A_324 : i32 to vector<16xi32>
      %min3A_326 = arith.minsi %max3A_323, %min3A_325 : vector<16xi32>
      %get3A_327 = arith.constant 0 : i32
      %get3A_328 = arith.index_cast %get3A_327 : i32 to index
      %get3A_329 = arith.constant 32 : index
      %get3A_330 = tpu.vector_load %arg7[%get3A_328, %get3A_329] {strides = array<i32>} : memref<4x128xf32, #tpu.memory_space<vmem>>, vector<1x16xf32>,
      %get3A_331 = vector.shape_cast %get3A_330 : vector<1x16xf32> to vector<16xf32>
      %bitcast_convert_type3A_332 = tpu.bitcast %get3A_331 : vector<16xf32> -> vector<16xi32>
      %shift_right_logical3A_333 = arith.constant 23 : i32
      %shift_right_logical3A_334 = vector.broadcast %shift_right_logical3A_333 : i32 to vector<16xi32>
      %shift_right_logical3A_335 = arith.shrui %bitcast_convert_type3A_332, %shift_right_logical3A_334 : vector<16xi32>
      %and3A_336 = arith.constant 255 : i32
      %and3A_337 = vector.broadcast %and3A_336 : i32 to vector<16xi32>
      %and3A_338 = arith.andi %shift_right_logical3A_335, %and3A_337 : vector<16xi32>
      %and3A_339 = arith.constant 8388607 : i32
      %and3A_340 = vector.broadcast %and3A_339 : i32 to vector<16xi32>
      %and3A_341 = arith.andi %bitcast_convert_type3A_332, %and3A_340 : vector<16xi32>
      %eq3A_342 = arith.constant 0 : i32
      %eq3A_343 = vector.broadcast %eq3A_342 : i32 to vector<16xi32>
      %eq3A_344 = arith.cmpi eq, %and3A_341, %eq3A_343 : vector<16xi32>
      %sub3A_345 = arith.constant 127 : i32
      %sub3A_346 = vector.broadcast %sub3A_345 : i32 to vector<16xi32>
      %sub3A_347 = arith.subi %sub3A_346, %and3A_338 : vector<16xi32>
      %sub3A_348 = arith.constant 126 : i32
      %sub3A_349 = vector.broadcast %sub3A_348 : i32 to vector<16xi32>
      %sub3A_350 = arith.subi %sub3A_349, %and3A_338 : vector<16xi32>
      %select_n3A_351 = arith.select %eq3A_344, %sub3A_347, %sub3A_350 : vector<16xi1>, vector<16xi32>
      %max3A_352 = arith.constant 0 : i32
      %max3A_353 = vector.broadcast %max3A_352 : i32 to vector<16xi32>
      %max3A_354 = arith.maxsi %select_n3A_351, %max3A_353 : vector<16xi32>
      %min3A_355 = arith.constant 6 : i32
      %min3A_356 = vector.broadcast %min3A_355 : i32 to vector<16xi32>
      %min3A_357 = arith.minsi %max3A_354, %min3A_356 : vector<16xi32>
      %mul3A_358 = arith.constant 256 : i32
      %mul3A_359 = vector.broadcast %mul3A_358 : i32 to vector<16xi32>
      %mul3A_360 = arith.muli %min3A_357, %mul3A_359 : vector<16xi32>
      %add3A_361 = arith.addi %mul3A_360, %min3A_326 : vector<16xi32>
      %swap3A_362 = arith.constant 0 : i32
      %swap3A_363 = arith.constant 0 : i32
      %swap3A_364 = arith.index_cast %swap3A_362 : i32 to index
      %swap3A_365 = arith.index_cast %swap3A_363 : i32 to index
      %swap3A_366 = arith.constant 32 : index
      %swap3A_367 = tpu.vector_load %arg8[%swap3A_364, %swap3A_365, %swap3A_366] {strides = array<i32>} : memref<4x1x128xi32, #tpu.memory_space<vmem>>, vector<1x1x16xi32>,
      %swap3A_368 = vector.shape_cast %swap3A_367 : vector<1x1x16xi32> to vector<16xi32>
      %swap3A_369 = vector.shape_cast %add3A_361 : vector<16xi32> to vector<1x1x16xi32>
      tpu.vector_store %arg8[%swap3A_364, %swap3A_365, %swap3A_366], %swap3A_369 {strides = array<i32>} : memref<4x1x128xi32, #tpu.memory_space<vmem>>, vector<1x1x16xi32>,
      %get3A_370 = arith.constant 0 : i32
      %get3A_371 = arith.index_cast %get3A_370 : i32 to index
      %get3A_372 = arith.constant 48 : index
      %get3A_373 = tpu.vector_load %arg6[%get3A_371, %get3A_372] {strides = array<i32>} : memref<4x128xf32, #tpu.memory_space<vmem>>, vector<1x16xf32>,
      %get3A_374 = vector.shape_cast %get3A_373 : vector<1x16xf32> to vector<16xf32>
      %mul3A_375 = arith.constant 2.550000e+02 : f32
      %mul3A_376 = vector.broadcast %mul3A_375 : f32 to vector<16xf32>
      %mul3A_377 = arith.mulf %get3A_374, %mul3A_376 : vector<16xf32>
      %convert_element_type3A_378 = arith.fptosi %mul3A_377 : vector<16xf32> to vector<16xi32>
      %max3A_379 = arith.constant 0 : i32
      %max3A_380 = vector.broadcast %max3A_379 : i32 to vector<16xi32>
      %max3A_381 = arith.maxsi %convert_element_type3A_378, %max3A_380 : vector<16xi32>
      %min3A_382 = arith.constant 255 : i32
      %min3A_383 = vector.broadcast %min3A_382 : i32 to vector<16xi32>
      %min3A_384 = arith.minsi %max3A_381, %min3A_383 : vector<16xi32>
      %get3A_385 = arith.constant 0 : i32
      %get3A_386 = arith.index_cast %get3A_385 : i32 to index
      %get3A_387 = arith.constant 48 : index
      %get3A_388 = tpu.vector_load %arg7[%get3A_386, %get3A_387] {strides = array<i32>} : memref<4x128xf32, #tpu.memory_space<vmem>>, vector<1x16xf32>,
      %get3A_389 = vector.shape_cast %get3A_388 : vector<1x16xf32> to vector<16xf32>
      %bitcast_convert_type3A_390 = tpu.bitcast %get3A_389 : vector<16xf32> -> vector<16xi32>
      %shift_right_logical3A_391 = arith.constant 23 : i32
      %shift_right_logical3A_392 = vector.broadcast %shift_right_logical3A_391 : i32 to vector<16xi32>
      %shift_right_logical3A_393 = arith.shrui %bitcast_convert_type3A_390, %shift_right_logical3A_392 : vector<16xi32>
      %and3A_394 = arith.constant 255 : i32
      %and3A_395 = vector.broadcast %and3A_394 : i32 to vector<16xi32>
      %and3A_396 = arith.andi %shift_right_logical3A_393, %and3A_395 : vector<16xi32>
      %and3A_397 = arith.constant 8388607 : i32
      %and3A_398 = vector.broadcast %and3A_397 : i32 to vector<16xi32>
      %and3A_399 = arith.andi %bitcast_convert_type3A_390, %and3A_398 : vector<16xi32>
      %eq3A_400 = arith.constant 0 : i32
      %eq3A_401 = vector.broadcast %eq3A_400 : i32 to vector<16xi32>
      %eq3A_402 = arith.cmpi eq, %and3A_399, %eq3A_401 : vector<16xi32>
      %sub3A_403 = arith.constant 127 : i32
      %sub3A_404 = vector.broadcast %sub3A_403 : i32 to vector<16xi32>
      %sub3A_405 = arith.subi %sub3A_404, %and3A_396 : vector<16xi32>
      %sub3A_406 = arith.constant 126 : i32
      %sub3A_407 = vector.broadcast %sub3A_406 : i32 to vector<16xi32>
      %sub3A_408 = arith.subi %sub3A_407, %and3A_396 : vector<16xi32>
      %select_n3A_409 = arith.select %eq3A_402, %sub3A_405, %sub3A_408 : vector<16xi1>, vector<16xi32>
      %max3A_410 = arith.constant 0 : i32
      %max3A_411 = vector.broadcast %max3A_410 : i32 to vector<16xi32>
      %max3A_412 = arith.maxsi %select_n3A_409, %max3A_411 : vector<16xi32>
      %min3A_413 = arith.constant 6 : i32
      %min3A_414 = vector.broadcast %min3A_413 : i32 to vector<16xi32>
      %min3A_415 = arith.minsi %max3A_412, %min3A_414 : vector<16xi32>
      %mul3A_416 = arith.constant 256 : i32
      %mul3A_417 = vector.broadcast %mul3A_416 : i32 to vector<16xi32>
      %mul3A_418 = arith.muli %min3A_415, %mul3A_417 : vector<16xi32>
      %add3A_419 = arith.addi %mul3A_418, %min3A_384 : vector<16xi32>
      %swap3A_420 = arith.constant 0 : i32
      %swap3A_421 = arith.constant 0 : i32
      %swap3A_422 = arith.index_cast %swap3A_420 : i32 to index
      %swap3A_423 = arith.index_cast %swap3A_421 : i32 to index
      %swap3A_424 = arith.constant 48 : index
      %swap3A_425 = tpu.vector_load %arg8[%swap3A_422, %swap3A_423, %swap3A_424] {strides = array<i32>} : memref<4x1x128xi32, #tpu.memory_space<vmem>>, vector<1x1x16xi32>,
      %swap3A_426 = vector.shape_cast %swap3A_425 : vector<1x1x16xi32> to vector<16xi32>
      %swap3A_427 = vector.shape_cast %add3A_419 : vector<16xi32> to vector<1x1x16xi32>
      tpu.vector_store %arg8[%swap3A_422, %swap3A_423, %swap3A_424], %swap3A_427 {strides = array<i32>} : memref<4x1x128xi32, #tpu.memory_space<vmem>>, vector<1x1x16xi32>,
      %get3A_428 = arith.constant 0 : i32
      %get3A_429 = arith.index_cast %get3A_428 : i32 to index
      %get3A_430 = arith.constant 64 : index
      %get3A_431 = tpu.vector_load %arg6[%get3A_429, %get3A_430] {strides = array<i32>} : memref<4x128xf32, #tpu.memory_space<vmem>>, vector<1x16xf32>,
      %get3A_432 = vector.shape_cast %get3A_431 : vector<1x16xf32> to vector<16xf32>
      %mul3A_433 = arith.constant 2.550000e+02 : f32
      %mul3A_434 = vector.broadcast %mul3A_433 : f32 to vector<16xf32>
      %mul3A_435 = arith.mulf %get3A_432, %mul3A_434 : vector<16xf32>
      %convert_element_type3A_436 = arith.fptosi %mul3A_435 : vector<16xf32> to vector<16xi32>
      %max3A_437 = arith.constant 0 : i32
      %max3A_438 = vector.broadcast %max3A_437 : i32 to vector<16xi32>
      %max3A_439 = arith.maxsi %convert_element_type3A_436, %max3A_438 : vector<16xi32>
      %min3A_440 = arith.constant 255 : i32
      %min3A_441 = vector.broadcast %min3A_440 : i32 to vector<16xi32>
      %min3A_442 = arith.minsi %max3A_439, %min3A_441 : vector<16xi32>
      %get3A_443 = arith.constant 0 : i32
      %get3A_444 = arith.index_cast %get3A_443 : i32 to index
      %get3A_445 = arith.constant 64 : index
      %get3A_446 = tpu.vector_load %arg7[%get3A_444, %get3A_445] {strides = array<i32>} : memref<4x128xf32, #tpu.memory_space<vmem>>, vector<1x16xf32>,
      %get3A_447 = vector.shape_cast %get3A_446 : vector<1x16xf32> to vector<16xf32>
      %bitcast_convert_type3A_448 = tpu.bitcast %get3A_447 : vector<16xf32> -> vector<16xi32>
      %shift_right_logical3A_449 = arith.constant 23 : i32
      %shift_right_logical3A_450 = vector.broadcast %shift_right_logical3A_449 : i32 to vector<16xi32>
      %shift_right_logical3A_451 = arith.shrui %bitcast_convert_type3A_448, %shift_right_logical3A_450 : vector<16xi32>
      %and3A_452 = arith.constant 255 : i32
      %and3A_453 = vector.broadcast %and3A_452 : i32 to vector<16xi32>
      %and3A_454 = arith.andi %shift_right_logical3A_451, %and3A_453 : vector<16xi32>
      %and3A_455 = arith.constant 8388607 : i32
      %and3A_456 = vector.broadcast %and3A_455 : i32 to vector<16xi32>
      %and3A_457 = arith.andi %bitcast_convert_type3A_448, %and3A_456 : vector<16xi32>
      %eq3A_458 = arith.constant 0 : i32
      %eq3A_459 = vector.broadcast %eq3A_458 : i32 to vector<16xi32>
      %eq3A_460 = arith.cmpi eq, %and3A_457, %eq3A_459 : vector<16xi32>
      %sub3A_461 = arith.constant 127 : i32
      %sub3A_462 = vector.broadcast %sub3A_461 : i32 to vector<16xi32>
      %sub3A_463 = arith.subi %sub3A_462, %and3A_454 : vector<16xi32>
      %sub3A_464 = arith.constant 126 : i32
      %sub3A_465 = vector.broadcast %sub3A_464 : i32 to vector<16xi32>
      %sub3A_466 = arith.subi %sub3A_465, %and3A_454 : vector<16xi32>
      %select_n3A_467 = arith.select %eq3A_460, %sub3A_463, %sub3A_466 : vector<16xi1>, vector<16xi32>
      %max3A_468 = arith.constant 0 : i32
      %max3A_469 = vector.broadcast %max3A_468 : i32 to vector<16xi32>
      %max3A_470 = arith.maxsi %select_n3A_467, %max3A_469 : vector<16xi32>
      %min3A_471 = arith.constant 6 : i32
      %min3A_472 = vector.broadcast %min3A_471 : i32 to vector<16xi32>
      %min3A_473 = arith.minsi %max3A_470, %min3A_472 : vector<16xi32>
      %mul3A_474 = arith.constant 256 : i32
      %mul3A_475 = vector.broadcast %mul3A_474 : i32 to vector<16xi32>
      %mul3A_476 = arith.muli %min3A_473, %mul3A_475 : vector<16xi32>
      %add3A_477 = arith.addi %mul3A_476, %min3A_442 : vector<16xi32>
      %swap3A_478 = arith.constant 0 : i32
      %swap3A_479 = arith.constant 0 : i32
      %swap3A_480 = arith.index_cast %swap3A_478 : i32 to index
      %swap3A_481 = arith.index_cast %swap3A_479 : i32 to index
      %swap3A_482 = arith.constant 64 : index
      %swap3A_483 = tpu.vector_load %arg8[%swap3A_480, %swap3A_481, %swap3A_482] {strides = array<i32>} : memref<4x1x128xi32, #tpu.memory_space<vmem>>, vector<1x1x16xi32>,
      %swap3A_484 = vector.shape_cast %swap3A_483 : vector<1x1x16xi32> to vector<16xi32>
      %swap3A_485 = vector.shape_cast %add3A_477 : vector<16xi32> to vector<1x1x16xi32>
      tpu.vector_store %arg8[%swap3A_480, %swap3A_481, %swap3A_482], %swap3A_485 {strides = array<i32>} : memref<4x1x128xi32, #tpu.memory_space<vmem>>, vector<1x1x16xi32>,
      %get3A_486 = arith.constant 0 : i32
      %get3A_487 = arith.index_cast %get3A_486 : i32 to index
      %get3A_488 = arith.constant 80 : index
      %get3A_489 = tpu.vector_load %arg6[%get3A_487, %get3A_488] {strides = array<i32>} : memref<4x128xf32, #tpu.memory_space<vmem>>, vector<1x16xf32>,
      %get3A_490 = vector.shape_cast %get3A_489 : vector<1x16xf32> to vector<16xf32>
      %mul3A_491 = arith.constant 2.550000e+02 : f32
      %mul3A_492 = vector.broadcast %mul3A_491 : f32 to vector<16xf32>
      %mul3A_493 = arith.mulf %get3A_490, %mul3A_492 : vector<16xf32>
      %convert_element_type3A_494 = arith.fptosi %mul3A_493 : vector<16xf32> to vector<16xi32>
      %max3A_495 = arith.constant 0 : i32
      %max3A_496 = vector.broadcast %max3A_495 : i32 to vector<16xi32>
      %max3A_497 = arith.maxsi %convert_element_type3A_494, %max3A_496 : vector<16xi32>
      %min3A_498 = arith.constant 255 : i32
      %min3A_499 = vector.broadcast %min3A_498 : i32 to vector<16xi32>
      %min3A_500 = arith.minsi %max3A_497, %min3A_499 : vector<16xi32>
      %get3A_501 = arith.constant 0 : i32
      %get3A_502 = arith.index_cast %get3A_501 : i32 to index
      %get3A_503 = arith.constant 80 : index
      %get3A_504 = tpu.vector_load %arg7[%get3A_502, %get3A_503] {strides = array<i32>} : memref<4x128xf32, #tpu.memory_space<vmem>>, vector<1x16xf32>,
      %get3A_505 = vector.shape_cast %get3A_504 : vector<1x16xf32> to vector<16xf32>
      %bitcast_convert_type3A_506 = tpu.bitcast %get3A_505 : vector<16xf32> -> vector<16xi32>
      %shift_right_logical3A_507 = arith.constant 23 : i32
      %shift_right_logical3A_508 = vector.broadcast %shift_right_logical3A_507 : i32 to vector<16xi32>
      %shift_right_logical3A_509 = arith.shrui %bitcast_convert_type3A_506, %shift_right_logical3A_508 : vector<16xi32>
      %and3A_510 = arith.constant 255 : i32
      %and3A_511 = vector.broadcast %and3A_510 : i32 to vector<16xi32>
      %and3A_512 = arith.andi %shift_right_logical3A_509, %and3A_511 : vector<16xi32>
      %and3A_513 = arith.constant 8388607 : i32
      %and3A_514 = vector.broadcast %and3A_513 : i32 to vector<16xi32>
      %and3A_515 = arith.andi %bitcast_convert_type3A_506, %and3A_514 : vector<16xi32>
      %eq3A_516 = arith.constant 0 : i32
      %eq3A_517 = vector.broadcast %eq3A_516 : i32 to vector<16xi32>
      %eq3A_518 = arith.cmpi eq, %and3A_515, %eq3A_517 : vector<16xi32>
      %sub3A_519 = arith.constant 127 : i32
      %sub3A_520 = vector.broadcast %sub3A_519 : i32 to vector<16xi32>
      %sub3A_521 = arith.subi %sub3A_520, %and3A_512 : vector<16xi32>
      %sub3A_522 = arith.constant 126 : i32
      %sub3A_523 = vector.broadcast %sub3A_522 : i32 to vector<16xi32>
      %sub3A_524 = arith.subi %sub3A_523, %and3A_512 : vector<16xi32>
      %select_n3A_525 = arith.select %eq3A_518, %sub3A_521, %sub3A_524 : vector<16xi1>, vector<16xi32>
      %max3A_526 = arith.constant 0 : i32
      %max3A_527 = vector.broadcast %max3A_526 : i32 to vector<16xi32>
      %max3A_528 = arith.maxsi %select_n3A_525, %max3A_527 : vector<16xi32>
      %min3A_529 = arith.constant 6 : i32
      %min3A_530 = vector.broadcast %min3A_529 : i32 to vector<16xi32>
      %min3A_531 = arith.minsi %max3A_528, %min3A_530 : vector<16xi32>
      %mul3A_532 = arith.constant 256 : i32
      %mul3A_533 = vector.broadcast %mul3A_532 : i32 to vector<16xi32>
      %mul3A_534 = arith.muli %min3A_531, %mul3A_533 : vector<16xi32>
      %add3A_535 = arith.addi %mul3A_534, %min3A_500 : vector<16xi32>
      %swap3A_536 = arith.constant 0 : i32
      %swap3A_537 = arith.constant 0 : i32
      %swap3A_538 = arith.index_cast %swap3A_536 : i32 to index
      %swap3A_539 = arith.index_cast %swap3A_537 : i32 to index
      %swap3A_540 = arith.constant 80 : index
      %swap3A_541 = tpu.vector_load %arg8[%swap3A_538, %swap3A_539, %swap3A_540] {strides = array<i32>} : memref<4x1x128xi32, #tpu.memory_space<vmem>>, vector<1x1x16xi32>,
      %swap3A_542 = vector.shape_cast %swap3A_541 : vector<1x1x16xi32> to vector<16xi32>
      %swap3A_543 = vector.shape_cast %add3A_535 : vector<16xi32> to vector<1x1x16xi32>
      tpu.vector_store %arg8[%swap3A_538, %swap3A_539, %swap3A_540], %swap3A_543 {strides = array<i32>} : memref<4x1x128xi32, #tpu.memory_space<vmem>>, vector<1x1x16xi32>,
      %get3A_544 = arith.constant 0 : i32
      %get3A_545 = arith.index_cast %get3A_544 : i32 to index
      %get3A_546 = arith.constant 96 : index
      %get3A_547 = tpu.vector_load %arg6[%get3A_545, %get3A_546] {strides = array<i32>} : memref<4x128xf32, #tpu.memory_space<vmem>>, vector<1x16xf32>,
      %get3A_548 = vector.shape_cast %get3A_547 : vector<1x16xf32> to vector<16xf32>
      %mul3A_549 = arith.constant 2.550000e+02 : f32
      %mul3A_550 = vector.broadcast %mul3A_549 : f32 to vector<16xf32>
      %mul3A_551 = arith.mulf %get3A_548, %mul3A_550 : vector<16xf32>
      %convert_element_type3A_552 = arith.fptosi %mul3A_551 : vector<16xf32> to vector<16xi32>
      %max3A_553 = arith.constant 0 : i32
      %max3A_554 = vector.broadcast %max3A_553 : i32 to vector<16xi32>
      %max3A_555 = arith.maxsi %convert_element_type3A_552, %max3A_554 : vector<16xi32>
      %min3A_556 = arith.constant 255 : i32
      %min3A_557 = vector.broadcast %min3A_556 : i32 to vector<16xi32>
      %min3A_558 = arith.minsi %max3A_555, %min3A_557 : vector<16xi32>
      %get3A_559 = arith.constant 0 : i32
      %get3A_560 = arith.index_cast %get3A_559 : i32 to index
      %get3A_561 = arith.constant 96 : index
      %get3A_562 = tpu.vector_load %arg7[%get3A_560, %get3A_561] {strides = array<i32>} : memref<4x128xf32, #tpu.memory_space<vmem>>, vector<1x16xf32>,
      %get3A_563 = vector.shape_cast %get3A_562 : vector<1x16xf32> to vector<16xf32>
      %bitcast_convert_type3A_564 = tpu.bitcast %get3A_563 : vector<16xf32> -> vector<16xi32>
      %shift_right_logical3A_565 = arith.constant 23 : i32
      %shift_right_logical3A_566 = vector.broadcast %shift_right_logical3A_565 : i32 to vector<16xi32>
      %shift_right_logical3A_567 = arith.shrui %bitcast_convert_type3A_564, %shift_right_logical3A_566 : vector<16xi32>
      %and3A_568 = arith.constant 255 : i32
      %and3A_569 = vector.broadcast %and3A_568 : i32 to vector<16xi32>
      %and3A_570 = arith.andi %shift_right_logical3A_567, %and3A_569 : vector<16xi32>
      %and3A_571 = arith.constant 8388607 : i32
      %and3A_572 = vector.broadcast %and3A_571 : i32 to vector<16xi32>
      %and3A_573 = arith.andi %bitcast_convert_type3A_564, %and3A_572 : vector<16xi32>
      %eq3A_574 = arith.constant 0 : i32
      %eq3A_575 = vector.broadcast %eq3A_574 : i32 to vector<16xi32>
      %eq3A_576 = arith.cmpi eq, %and3A_573, %eq3A_575 : vector<16xi32>
      %sub3A_577 = arith.constant 127 : i32
      %sub3A_578 = vector.broadcast %sub3A_577 : i32 to vector<16xi32>
      %sub3A_579 = arith.subi %sub3A_578, %and3A_570 : vector<16xi32>
      %sub3A_580 = arith.constant 126 : i32
      %sub3A_581 = vector.broadcast %sub3A_580 : i32 to vector<16xi32>
      %sub3A_582 = arith.subi %sub3A_581, %and3A_570 : vector<16xi32>
      %select_n3A_583 = arith.select %eq3A_576, %sub3A_579, %sub3A_582 : vector<16xi1>, vector<16xi32>
      %max3A_584 = arith.constant 0 : i32
      %max3A_585 = vector.broadcast %max3A_584 : i32 to vector<16xi32>
      %max3A_586 = arith.maxsi %select_n3A_583, %max3A_585 : vector<16xi32>
      %min3A_587 = arith.constant 6 : i32
      %min3A_588 = vector.broadcast %min3A_587 : i32 to vector<16xi32>
      %min3A_589 = arith.minsi %max3A_586, %min3A_588 : vector<16xi32>
      %mul3A_590 = arith.constant 256 : i32
      %mul3A_591 = vector.broadcast %mul3A_590 : i32 to vector<16xi32>
      %mul3A_592 = arith.muli %min3A_589, %mul3A_591 : vector<16xi32>
      %add3A_593 = arith.addi %mul3A_592, %min3A_558 : vector<16xi32>
      %swap3A_594 = arith.constant 0 : i32
      %swap3A_595 = arith.constant 0 : i32
      %swap3A_596 = arith.index_cast %swap3A_594 : i32 to index
      %swap3A_597 = arith.index_cast %swap3A_595 : i32 to index
      %swap3A_598 = arith.constant 96 : index
      %swap3A_599 = tpu.vector_load %arg8[%swap3A_596, %swap3A_597, %swap3A_598] {strides = array<i32>} : memref<4x1x128xi32, #tpu.memory_space<vmem>>, vector<1x1x16xi32>,
      %swap3A_600 = vector.shape_cast %swap3A_599 : vector<1x1x16xi32> to vector<16xi32>
      %swap3A_601 = vector.shape_cast %add3A_593 : vector<16xi32> to vector<1x1x16xi32>
      tpu.vector_store %arg8[%swap3A_596, %swap3A_597, %swap3A_598], %swap3A_601 {strides = array<i32>} : memref<4x1x128xi32, #tpu.memory_space<vmem>>, vector<1x1x16xi32>,
      %get3A_602 = arith.constant 0 : i32
      %get3A_603 = arith.index_cast %get3A_602 : i32 to index
      %get3A_604 = arith.constant 112 : index
      %get3A_605 = tpu.vector_load %arg6[%get3A_603, %get3A_604] {strides = array<i32>} : memref<4x128xf32, #tpu.memory_space<vmem>>, vector<1x16xf32>,
      %get3A_606 = vector.shape_cast %get3A_605 : vector<1x16xf32> to vector<16xf32>
      %mul3A_607 = arith.constant 2.550000e+02 : f32
      %mul3A_608 = vector.broadcast %mul3A_607 : f32 to vector<16xf32>
      %mul3A_609 = arith.mulf %get3A_606, %mul3A_608 : vector<16xf32>
      %convert_element_type3A_610 = arith.fptosi %mul3A_609 : vector<16xf32> to vector<16xi32>
      %max3A_611 = arith.constant 0 : i32
      %max3A_612 = vector.broadcast %max3A_611 : i32 to vector<16xi32>
      %max3A_613 = arith.maxsi %convert_element_type3A_610, %max3A_612 : vector<16xi32>
      %min3A_614 = arith.constant 255 : i32
      %min3A_615 = vector.broadcast %min3A_614 : i32 to vector<16xi32>
      %min3A_616 = arith.minsi %max3A_613, %min3A_615 : vector<16xi32>
      %get3A_617 = arith.constant 0 : i32
      %get3A_618 = arith.index_cast %get3A_617 : i32 to index
      %get3A_619 = arith.constant 112 : index
      %get3A_620 = tpu.vector_load %arg7[%get3A_618, %get3A_619] {strides = array<i32>} : memref<4x128xf32, #tpu.memory_space<vmem>>, vector<1x16xf32>,
      %get3A_621 = vector.shape_cast %get3A_620 : vector<1x16xf32> to vector<16xf32>
      %bitcast_convert_type3A_622 = tpu.bitcast %get3A_621 : vector<16xf32> -> vector<16xi32>
      %shift_right_logical3A_623 = arith.constant 23 : i32
      %shift_right_logical3A_624 = vector.broadcast %shift_right_logical3A_623 : i32 to vector<16xi32>
      %shift_right_logical3A_625 = arith.shrui %bitcast_convert_type3A_622, %shift_right_logical3A_624 : vector<16xi32>
      %and3A_626 = arith.constant 255 : i32
      %and3A_627 = vector.broadcast %and3A_626 : i32 to vector<16xi32>
      %and3A_628 = arith.andi %shift_right_logical3A_625, %and3A_627 : vector<16xi32>
      %and3A_629 = arith.constant 8388607 : i32
      %and3A_630 = vector.broadcast %and3A_629 : i32 to vector<16xi32>
      %and3A_631 = arith.andi %bitcast_convert_type3A_622, %and3A_630 : vector<16xi32>
      %eq3A_632 = arith.constant 0 : i32
      %eq3A_633 = vector.broadcast %eq3A_632 : i32 to vector<16xi32>
      %eq3A_634 = arith.cmpi eq, %and3A_631, %eq3A_633 : vector<16xi32>
      %sub3A_635 = arith.constant 127 : i32
      %sub3A_636 = vector.broadcast %sub3A_635 : i32 to vector<16xi32>
      %sub3A_637 = arith.subi %sub3A_636, %and3A_628 : vector<16xi32>
      %sub3A_638 = arith.constant 126 : i32
      %sub3A_639 = vector.broadcast %sub3A_638 : i32 to vector<16xi32>
      %sub3A_640 = arith.subi %sub3A_639, %and3A_628 : vector<16xi32>
      %select_n3A_641 = arith.select %eq3A_634, %sub3A_637, %sub3A_640 : vector<16xi1>, vector<16xi32>
      %max3A_642 = arith.constant 0 : i32
      %max3A_643 = vector.broadcast %max3A_642 : i32 to vector<16xi32>
      %max3A_644 = arith.maxsi %select_n3A_641, %max3A_643 : vector<16xi32>
      %min3A_645 = arith.constant 6 : i32
      %min3A_646 = vector.broadcast %min3A_645 : i32 to vector<16xi32>
      %min3A_647 = arith.minsi %max3A_644, %min3A_646 : vector<16xi32>
      %mul3A_648 = arith.constant 256 : i32
      %mul3A_649 = vector.broadcast %mul3A_648 : i32 to vector<16xi32>
      %mul3A_650 = arith.muli %min3A_647, %mul3A_649 : vector<16xi32>
      %add3A_651 = arith.addi %mul3A_650, %min3A_616 : vector<16xi32>
      %swap3A_652 = arith.constant 0 : i32
      %swap3A_653 = arith.constant 0 : i32
      %swap3A_654 = arith.index_cast %swap3A_652 : i32 to index
      %swap3A_655 = arith.index_cast %swap3A_653 : i32 to index
      %swap3A_656 = arith.constant 112 : index
      %swap3A_657 = tpu.vector_load %arg8[%swap3A_654, %swap3A_655, %swap3A_656] {strides = array<i32>} : memref<4x1x128xi32, #tpu.memory_space<vmem>>, vector<1x1x16xi32>,
      %swap3A_658 = vector.shape_cast %swap3A_657 : vector<1x1x16xi32> to vector<16xi32>
      %swap3A_659 = vector.shape_cast %add3A_651 : vector<16xi32> to vector<1x1x16xi32>
      tpu.vector_store %arg8[%swap3A_654, %swap3A_655, %swap3A_656], %swap3A_659 {strides = array<i32>} : memref<4x1x128xi32, #tpu.memory_space<vmem>>, vector<1x1x16xi32>,
      %gt3A = arith.constant 0 : i32
      %gt3A_660 = arith.cmpi sgt, %scan3A_177, %gt3A : i32
      %convert_element_type3A_661 = arith.extui %gt3A_660 : i1 to i32
      %cond3A_662 = arith.constant 0 : i32
      %cond3A_663 = arith.cmpi ne, %convert_element_type3A_661, %cond3A_662 : i32
      scf.if %cond3A_663 {
        %dma_wait3A_2319 = arith.constant 0 : i32
        %dma_wait3A_2320 = arith.constant 0 : i32
        %dma_wait3A_2321 = arith.constant 0 : i32
        %dma_wait3A_2322 = tpu.memref_slice %arg9[%dma_wait3A_2319, %dma_wait3A_2320, %dma_wait3A_2321] : memref<4x128x128xf32, #tpu.memory_space<vmem>> -> memref<1x128x128xf32, #tpu.memory_space<vmem>>
        %dma_wait3A_2323 = tpu.memref_squeeze %dma_wait3A_2322 : memref<1x128x128xf32, #tpu.memory_space<vmem>> -> memref<128x128xf32, #tpu.memory_space<vmem>>
        %dma_wait3A_2324 = arith.constant 0 : i32
        %dma_wait3A_2325 = arith.constant 0 : i32
        %dma_wait3A_2326 = tpu.memref_slice %arg5[%dma_wait3A_2324, %dma_wait3A_2325] : memref<819200x128xf32, #tpu.memory_space<hbm>> -> memref<128x128xf32, #tpu.memory_space<hbm>>
        %dma_wait3A_2327 = arith.constant 0 : i32
        %dma_wait3A_2328 = arith.constant 0 : i32
        %dma_wait3A_2329 = tpu.memref_slice %arg5[%dma_wait3A_2327, %dma_wait3A_2328] : memref<819200x128xf32, #tpu.memory_space<hbm>> -> memref<128x128xf32, #tpu.memory_space<hbm>>
        %dma_wait3A_2330 = arith.constant 0 : i32
        %dma_wait3A_2331 = arith.constant 0 : i32
        %dma_wait3A_2332 = tpu.memref_slice %arg9[%dma_wait3A_2319, %dma_wait3A_2330, %dma_wait3A_2331] : memref<4x128x128xf32, #tpu.memory_space<vmem>> -> memref<1x128x128xf32, #tpu.memory_space<vmem>>
        %dma_wait3A_2333 = tpu.memref_squeeze %dma_wait3A_2332 : memref<1x128x128xf32, #tpu.memory_space<vmem>> -> memref<128x128xf32, #tpu.memory_space<vmem>>
        tpu.wait_dma2 semaphore(%arg19 : memref<!tpu.dma_semaphore, #tpu.memory_space<semaphore_mem>>) src(%dma_wait3A_2333 : memref<128x128xf32, #tpu.memory_space<vmem>>) dst(%dma_wait3A_2329 : memref<128x128xf32, #tpu.memory_space<hbm>>)
      } else {
      }
      %dma_start3A_664 = arith.constant 0 : i32
      %dma_start3A_665 = arith.constant 0 : i32
      %dma_start3A_666 = arith.constant 0 : i32
      %dma_start3A_667 = arith.constant 0 : i32
      %dma_start3A_668 = arith.constant 0 : i32
      %dma_start3A_669 = tpu.memref_slice %arg9[%dma_start3A_666, %dma_start3A_667, %dma_start3A_668] : memref<4x128x128xf32, #tpu.memory_space<vmem>> -> memref<1x128x128xf32, #tpu.memory_space<vmem>>
      %dma_start3A_670 = tpu.memref_squeeze %dma_start3A_669 : memref<1x128x128xf32, #tpu.memory_space<vmem>> -> memref<128x128xf32, #tpu.memory_space<vmem>>
      %dma_start3A_671 = arith.constant 0 : i32
      %dma_start3A_672 = tpu.memref_slice %arg8[%dma_start3A_664, %dma_start3A_665, %dma_start3A_671] : memref<4x1x128xi32, #tpu.memory_space<vmem>> -> memref<1x1x128xi32, #tpu.memory_space<vmem>>
      %dma_start3A_673 = tpu.memref_squeeze %dma_start3A_672 : memref<1x1x128xi32, #tpu.memory_space<vmem>> -> memref<128xi32, #tpu.memory_space<vmem>>
      %dma_start3A_674 = arith.constant 0 : i32
      %dma_start3A_675 = arith.constant 0 : i32
      %dma_start3A_676 = tpu.memref_slice %arg10[%dma_start3A_674, %dma_start3A_675] : memref<1792x128xf32, #tpu.memory_space<vmem_shared>> -> memref<1792x128xf32, #tpu.memory_space<vmem_shared>>
      tpu.enqueue_indirect_dma source(%dma_start3A_676 : memref<1792x128xf32, #tpu.memory_space<vmem_shared>>) target(%dma_start3A_670 : memref<128x128xf32, #tpu.memory_space<vmem>>) offsets(%dma_start3A_673 : memref<128xi32, #tpu.memory_space<vmem>>) semaphore(%arg15 : memref<!tpu.dma_semaphore, #tpu.memory_space<semaphore_mem>>)
      %lt3A = arith.constant 49 : i32
      %lt3A_677 = arith.cmpi slt, %scan3A_177, %lt3A : i32
      %convert_element_type3A_678 = arith.extui %lt3A_677 : i1 to i32
      %cond3A_679 = arith.constant 0 : i32
      %cond3A_680 = arith.cmpi ne, %convert_element_type3A_678, %cond3A_679 : i32
      scf.if %cond3A_680 {
        %add3A_2319 = arith.constant 4 : i32
        %add3A_2320 = arith.addi %add3A_182, %add3A_2319 : i32
        %mul3A_2321 = arith.constant 128 : i32
        %mul3A_2322 = arith.muli %add3A_2320, %mul3A_2321 : i32
        %add3A_2323 = arith.addi %mul3A_2, %mul3A_2322 : i32
        %dma_start3A_2324 = arith.constant 0 : i32
        %dma_start3A_2325 = arith.constant 0 : i32
        %dma_start3A_2326 = tpu.memref_slice %arg6[%dma_start3A_2324, %dma_start3A_2325] : memref<4x128xf32, #tpu.memory_space<vmem>> -> memref<1x128xf32, #tpu.memory_space<vmem>>
        %dma_start3A_2327 = tpu.memref_squeeze %dma_start3A_2326 : memref<1x128xf32, #tpu.memory_space<vmem>> -> memref<128xf32, #tpu.memory_space<vmem>>
        %dma_start3A_2328 = tpu.memref_slice %arg2[%add3A_2323] : memref<819200xf32, #tpu.memory_space<hbm>> -> memref<128xf32, #tpu.memory_space<hbm>>
        %dma_start3A_2329 = arith.constant 0 : i32
        %dma_start3A_2330 = tpu.memref_slice %arg6[%dma_start3A_2324, %dma_start3A_2329] : memref<4x128xf32, #tpu.memory_space<vmem>> -> memref<1x128xf32, #tpu.memory_space<vmem>>
        %dma_start3A_2331 = tpu.memref_squeeze %dma_start3A_2330 : memref<1x128xf32, #tpu.memory_space<vmem>> -> memref<128xf32, #tpu.memory_space<vmem>>
        %dma_start3A_2332 = tpu.memref_slice %arg2[%add3A_2323] : memref<819200xf32, #tpu.memory_space<hbm>> -> memref<128xf32, #tpu.memory_space<hbm>>
        tpu.enqueue_dma source(%dma_start3A_2332 : memref<128xf32, #tpu.memory_space<hbm>>) target(%dma_start3A_2331 : memref<128xf32, #tpu.memory_space<vmem>>) target_semaphore(%arg11 : memref<!tpu.dma_semaphore, #tpu.memory_space<semaphore_mem>>)
        %dma_start3A_2333 = arith.constant 0 : i32
        %dma_start3A_2334 = arith.constant 0 : i32
        %dma_start3A_2335 = tpu.memref_slice %arg7[%dma_start3A_2333, %dma_start3A_2334] : memref<4x128xf32, #tpu.memory_space<vmem>> -> memref<1x128xf32, #tpu.memory_space<vmem>>
        %dma_start3A_2336 = tpu.memref_squeeze %dma_start3A_2335 : memref<1x128xf32, #tpu.memory_space<vmem>> -> memref<128xf32, #tpu.memory_space<vmem>>
        %dma_start3A_2337 = tpu.memref_slice %arg3[%add3A_2323] : memref<819200xf32, #tpu.memory_space<hbm>> -> memref<128xf32, #tpu.memory_space<hbm>>
        %dma_start3A_2338 = arith.constant 0 : i32
        %dma_start3A_2339 = tpu.memref_slice %arg7[%dma_start3A_2333, %dma_start3A_2338] : memref<4x128xf32, #tpu.memory_space<vmem>> -> memref<1x128xf32, #tpu.memory_space<vmem>>
        %dma_start3A_2340 = tpu.memref_squeeze %dma_start3A_2339 : memref<1x128xf32, #tpu.memory_space<vmem>> -> memref<128xf32, #tpu.memory_space<vmem>>
        %dma_start3A_2341 = tpu.memref_slice %arg3[%add3A_2323] : memref<819200xf32, #tpu.memory_space<hbm>> -> memref<128xf32, #tpu.memory_space<hbm>>
        tpu.enqueue_dma source(%dma_start3A_2341 : memref<128xf32, #tpu.memory_space<hbm>>) target(%dma_start3A_2340 : memref<128xf32, #tpu.memory_space<vmem>>) target_semaphore(%arg11 : memref<!tpu.dma_semaphore, #tpu.memory_space<semaphore_mem>>)
      } else {
      }
      %gt3A_681 = arith.constant 0 : i32
      %gt3A_682 = arith.cmpi sgt, %scan3A_177, %gt3A_681 : i32
      %convert_element_type3A_683 = arith.extui %gt3A_682 : i1 to i32
      %cond3A_684 = arith.constant 0 : i32
      %cond3A_685 = arith.cmpi ne, %convert_element_type3A_683, %cond3A_684 : i32
      scf.if %cond3A_685 {
        %dma_wait3A_2319 = arith.constant 3 : i32
        %dma_wait3A_2320 = arith.constant 0 : i32
        %dma_wait3A_2321 = arith.constant 3 : i32
        %dma_wait3A_2322 = arith.constant 0 : i32
        %dma_wait3A_2323 = arith.constant 0 : i32
        %dma_wait3A_2324 = tpu.memref_slice %arg9[%dma_wait3A_2321, %dma_wait3A_2322, %dma_wait3A_2323] : memref<4x128x128xf32, #tpu.memory_space<vmem>> -> memref<1x128x128xf32, #tpu.memory_space<vmem>>
        %dma_wait3A_2325 = tpu.memref_squeeze %dma_wait3A_2324 : memref<1x128x128xf32, #tpu.memory_space<vmem>> -> memref<128x128xf32, #tpu.memory_space<vmem>>
        %dma_wait3A_2326 = arith.constant 0 : i32
        %dma_wait3A_2327 = tpu.memref_slice %arg8[%dma_wait3A_2319, %dma_wait3A_2320, %dma_wait3A_2326] : memref<4x1x128xi32, #tpu.memory_space<vmem>> -> memref<1x1x128xi32, #tpu.memory_space<vmem>>
        %dma_wait3A_2328 = tpu.memref_squeeze %dma_wait3A_2327 : memref<1x1x128xi32, #tpu.memory_space<vmem>> -> memref<128xi32, #tpu.memory_space<vmem>>
        %dma_wait3A_2329 = arith.constant 0 : i32
        %dma_wait3A_2330 = arith.constant 0 : i32
        %dma_wait3A_2331 = tpu.memref_slice %arg10[%dma_wait3A_2329, %dma_wait3A_2330] : memref<1792x128xf32, #tpu.memory_space<vmem_shared>> -> memref<1792x128xf32, #tpu.memory_space<vmem_shared>>
        tpu.wait_indirect_dma semaphore(%arg18 : memref<!tpu.dma_semaphore, #tpu.memory_space<semaphore_mem>>) src(%dma_wait3A_2331 : memref<1792x128xf32, #tpu.memory_space<vmem_shared>>) dst(%dma_wait3A_2325 : memref<128x128xf32, #tpu.memory_space<vmem>>)
        %sub3A_2332 = arith.constant 1 : i32
        %sub3A_2333 = arith.subi %add3A_182, %sub3A_2332 : i32
        %mul3A_2334 = arith.constant 128 : i32
        %mul3A_2335 = arith.muli %sub3A_2333, %mul3A_2334 : i32
        %add3A_2336 = arith.addi %mul3A_2, %mul3A_2335 : i32
        %dma_start3A_2337 = arith.constant 3 : i32
        %dma_start3A_2338 = arith.constant 0 : i32
        %dma_start3A_2339 = arith.constant 0 : i32
        %dma_start3A_2340 = tpu.memref_slice %arg9[%dma_start3A_2337, %dma_start3A_2338, %dma_start3A_2339] : memref<4x128x128xf32, #tpu.memory_space<vmem>> -> memref<1x128x128xf32, #tpu.memory_space<vmem>>
        %dma_start3A_2341 = tpu.memref_squeeze %dma_start3A_2340 : memref<1x128x128xf32, #tpu.memory_space<vmem>> -> memref<128x128xf32, #tpu.memory_space<vmem>>
        %dma_start3A_2342 = arith.constant 0 : i32
        %dma_start3A_2343 = tpu.memref_slice %arg5[%add3A_2336, %dma_start3A_2342] : memref<819200x128xf32, #tpu.memory_space<hbm>> -> memref<128x128xf32, #tpu.memory_space<hbm>>
        %dma_start3A_2344 = arith.constant 0 : i32
        %dma_start3A_2345 = tpu.memref_slice %arg5[%add3A_2336, %dma_start3A_2344] : memref<819200x128xf32, #tpu.memory_space<hbm>> -> memref<128x128xf32, #tpu.memory_space<hbm>>
        %dma_start3A_2346 = arith.constant 0 : i32
        %dma_start3A_2347 = arith.constant 0 : i32
        %dma_start3A_2348 = tpu.memref_slice %arg9[%dma_start3A_2337, %dma_start3A_2346, %dma_start3A_2347] : memref<4x128x128xf32, #tpu.memory_space<vmem>> -> memref<1x128x128xf32, #tpu.memory_space<vmem>>
        %dma_start3A_2349 = tpu.memref_squeeze %dma_start3A_2348 : memref<1x128x128xf32, #tpu.memory_space<vmem>> -> memref<128x128xf32, #tpu.memory_space<vmem>>
        tpu.enqueue_dma source(%dma_start3A_2349 : memref<128x128xf32, #tpu.memory_space<vmem>>) target(%dma_start3A_2345 : memref<128x128xf32, #tpu.memory_space<hbm>>) target_semaphore(%arg22 : memref<!tpu.dma_semaphore, #tpu.memory_space<semaphore_mem>>)
      } else {
      }
      %mul3A_686 = arith.constant 4 : i32
      %mul3A_687 = arith.muli %scan3A_177, %mul3A_686 : i32
      %add3A_688 = arith.constant 1 : i32
      %add3A_689 = arith.addi %mul3A_687, %add3A_688 : i32
      %dma_wait3A_690 = arith.constant 1 : i32
      %dma_wait3A_691 = arith.constant 0 : i32
      %dma_wait3A_692 = tpu.memref_slice %arg6[%dma_wait3A_690, %dma_wait3A_691] : memref<4x128xf32, #tpu.memory_space<vmem>> -> memref<1x128xf32, #tpu.memory_space<vmem>>
      %dma_wait3A_693 = tpu.memref_squeeze %dma_wait3A_692 : memref<1x128xf32, #tpu.memory_space<vmem>> -> memref<128xf32, #tpu.memory_space<vmem>>
      %dma_wait3A_694 = arith.constant 0 : i32
      %dma_wait3A_695 = tpu.memref_slice %arg2[%dma_wait3A_694] : memref<819200xf32, #tpu.memory_space<hbm>> -> memref<128xf32, #tpu.memory_space<hbm>>
      %dma_wait3A_696 = arith.constant 0 : i32
      %dma_wait3A_697 = tpu.memref_slice %arg6[%dma_wait3A_690, %dma_wait3A_696] : memref<4x128xf32, #tpu.memory_space<vmem>> -> memref<1x128xf32, #tpu.memory_space<vmem>>
      %dma_wait3A_698 = tpu.memref_squeeze %dma_wait3A_697 : memref<1x128xf32, #tpu.memory_space<vmem>> -> memref<128xf32, #tpu.memory_space<vmem>>
      %dma_wait3A_699 = arith.constant 0 : i32
      %dma_wait3A_700 = tpu.memref_slice %arg2[%dma_wait3A_699] : memref<819200xf32, #tpu.memory_space<hbm>> -> memref<128xf32, #tpu.memory_space<hbm>>
      tpu.wait_dma2 semaphore(%arg12 : memref<!tpu.dma_semaphore, #tpu.memory_space<semaphore_mem>>) src(%dma_wait3A_700 : memref<128xf32, #tpu.memory_space<hbm>>) dst(%dma_wait3A_698 : memref<128xf32, #tpu.memory_space<vmem>>)
      %dma_wait3A_701 = arith.constant 1 : i32
      %dma_wait3A_702 = arith.constant 0 : i32
      %dma_wait3A_703 = tpu.memref_slice %arg7[%dma_wait3A_701, %dma_wait3A_702] : memref<4x128xf32, #tpu.memory_space<vmem>> -> memref<1x128xf32, #tpu.memory_space<vmem>>
      %dma_wait3A_704 = tpu.memref_squeeze %dma_wait3A_703 : memref<1x128xf32, #tpu.memory_space<vmem>> -> memref<128xf32, #tpu.memory_space<vmem>>
      %dma_wait3A_705 = arith.constant 0 : i32
      %dma_wait3A_706 = tpu.memref_slice %arg3[%dma_wait3A_705] : memref<819200xf32, #tpu.memory_space<hbm>> -> memref<128xf32, #tpu.memory_space<hbm>>
      %dma_wait3A_707 = arith.constant 0 : i32
      %dma_wait3A_708 = tpu.memref_slice %arg7[%dma_wait3A_701, %dma_wait3A_707] : memref<4x128xf32, #tpu.memory_space<vmem>> -> memref<1x128xf32, #tpu.memory_space<vmem>>
      %dma_wait3A_709 = tpu.memref_squeeze %dma_wait3A_708 : memref<1x128xf32, #tpu.memory_space<vmem>> -> memref<128xf32, #tpu.memory_space<vmem>>
      %dma_wait3A_710 = arith.constant 0 : i32
      %dma_wait3A_711 = tpu.memref_slice %arg3[%dma_wait3A_710] : memref<819200xf32, #tpu.memory_space<hbm>> -> memref<128xf32, #tpu.memory_space<hbm>>
      tpu.wait_dma2 semaphore(%arg12 : memref<!tpu.dma_semaphore, #tpu.memory_space<semaphore_mem>>) src(%dma_wait3A_711 : memref<128xf32, #tpu.memory_space<hbm>>) dst(%dma_wait3A_709 : memref<128xf32, #tpu.memory_space<vmem>>)
      %get3A_712 = arith.constant 1 : i32
      %get3A_713 = arith.index_cast %get3A_712 : i32 to index
      %get3A_714 = arith.constant 0 : index
      %get3A_715 = tpu.vector_load %arg6[%get3A_713, %get3A_714] {strides = array<i32>} : memref<4x128xf32, #tpu.memory_space<vmem>>, vector<1x16xf32>,
      %get3A_716 = vector.shape_cast %get3A_715 : vector<1x16xf32> to vector<16xf32>
      %mul3A_717 = arith.constant 2.550000e+02 : f32
      %mul3A_718 = vector.broadcast %mul3A_717 : f32 to vector<16xf32>
      %mul3A_719 = arith.mulf %get3A_716, %mul3A_718 : vector<16xf32>
      %convert_element_type3A_720 = arith.fptosi %mul3A_719 : vector<16xf32> to vector<16xi32>
      %max3A_721 = arith.constant 0 : i32
      %max3A_722 = vector.broadcast %max3A_721 : i32 to vector<16xi32>
      %max3A_723 = arith.maxsi %convert_element_type3A_720, %max3A_722 : vector<16xi32>
      %min3A_724 = arith.constant 255 : i32
      %min3A_725 = vector.broadcast %min3A_724 : i32 to vector<16xi32>
      %min3A_726 = arith.minsi %max3A_723, %min3A_725 : vector<16xi32>
      %get3A_727 = arith.constant 1 : i32
      %get3A_728 = arith.index_cast %get3A_727 : i32 to index
      %get3A_729 = arith.constant 0 : index
      %get3A_730 = tpu.vector_load %arg7[%get3A_728, %get3A_729] {strides = array<i32>} : memref<4x128xf32, #tpu.memory_space<vmem>>, vector<1x16xf32>,
      %get3A_731 = vector.shape_cast %get3A_730 : vector<1x16xf32> to vector<16xf32>
      %bitcast_convert_type3A_732 = tpu.bitcast %get3A_731 : vector<16xf32> -> vector<16xi32>
      %shift_right_logical3A_733 = arith.constant 23 : i32
      %shift_right_logical3A_734 = vector.broadcast %shift_right_logical3A_733 : i32 to vector<16xi32>
      %shift_right_logical3A_735 = arith.shrui %bitcast_convert_type3A_732, %shift_right_logical3A_734 : vector<16xi32>
      %and3A_736 = arith.constant 255 : i32
      %and3A_737 = vector.broadcast %and3A_736 : i32 to vector<16xi32>
      %and3A_738 = arith.andi %shift_right_logical3A_735, %and3A_737 : vector<16xi32>
      %and3A_739 = arith.constant 8388607 : i32
      %and3A_740 = vector.broadcast %and3A_739 : i32 to vector<16xi32>
      %and3A_741 = arith.andi %bitcast_convert_type3A_732, %and3A_740 : vector<16xi32>
      %eq3A_742 = arith.constant 0 : i32
      %eq3A_743 = vector.broadcast %eq3A_742 : i32 to vector<16xi32>
      %eq3A_744 = arith.cmpi eq, %and3A_741, %eq3A_743 : vector<16xi32>
      %sub3A_745 = arith.constant 127 : i32
      %sub3A_746 = vector.broadcast %sub3A_745 : i32 to vector<16xi32>
      %sub3A_747 = arith.subi %sub3A_746, %and3A_738 : vector<16xi32>
      %sub3A_748 = arith.constant 126 : i32
      %sub3A_749 = vector.broadcast %sub3A_748 : i32 to vector<16xi32>
      %sub3A_750 = arith.subi %sub3A_749, %and3A_738 : vector<16xi32>
      %select_n3A_751 = arith.select %eq3A_744, %sub3A_747, %sub3A_750 : vector<16xi1>, vector<16xi32>
      %max3A_752 = arith.constant 0 : i32
      %max3A_753 = vector.broadcast %max3A_752 : i32 to vector<16xi32>
      %max3A_754 = arith.maxsi %select_n3A_751, %max3A_753 : vector<16xi32>
      %min3A_755 = arith.constant 6 : i32
      %min3A_756 = vector.broadcast %min3A_755 : i32 to vector<16xi32>
      %min3A_757 = arith.minsi %max3A_754, %min3A_756 : vector<16xi32>
      %mul3A_758 = arith.constant 256 : i32
      %mul3A_759 = vector.broadcast %mul3A_758 : i32 to vector<16xi32>
      %mul3A_760 = arith.muli %min3A_757, %mul3A_759 : vector<16xi32>
      %add3A_761 = arith.addi %mul3A_760, %min3A_726 : vector<16xi32>
      %swap3A_762 = arith.constant 1 : i32
      %swap3A_763 = arith.constant 0 : i32
      %swap3A_764 = arith.index_cast %swap3A_762 : i32 to index
      %swap3A_765 = arith.index_cast %swap3A_763 : i32 to index
      %swap3A_766 = arith.constant 0 : index
      %swap3A_767 = tpu.vector_load %arg8[%swap3A_764, %swap3A_765, %swap3A_766] {strides = array<i32>} : memref<4x1x128xi32, #tpu.memory_space<vmem>>, vector<1x1x16xi32>,
      %swap3A_768 = vector.shape_cast %swap3A_767 : vector<1x1x16xi32> to vector<16xi32>
      %swap3A_769 = vector.shape_cast %add3A_761 : vector<16xi32> to vector<1x1x16xi32>
      tpu.vector_store %arg8[%swap3A_764, %swap3A_765, %swap3A_766], %swap3A_769 {strides = array<i32>} : memref<4x1x128xi32, #tpu.memory_space<vmem>>, vector<1x1x16xi32>,
      %get3A_770 = arith.constant 1 : i32
      %get3A_771 = arith.index_cast %get3A_770 : i32 to index
      %get3A_772 = arith.constant 16 : index
      %get3A_773 = tpu.vector_load %arg6[%get3A_771, %get3A_772] {strides = array<i32>} : memref<4x128xf32, #tpu.memory_space<vmem>>, vector<1x16xf32>,
      %get3A_774 = vector.shape_cast %get3A_773 : vector<1x16xf32> to vector<16xf32>
      %mul3A_775 = arith.constant 2.550000e+02 : f32
      %mul3A_776 = vector.broadcast %mul3A_775 : f32 to vector<16xf32>
      %mul3A_777 = arith.mulf %get3A_774, %mul3A_776 : vector<16xf32>
      %convert_element_type3A_778 = arith.fptosi %mul3A_777 : vector<16xf32> to vector<16xi32>
      %max3A_779 = arith.constant 0 : i32
      %max3A_780 = vector.broadcast %max3A_779 : i32 to vector<16xi32>
      %max3A_781 = arith.maxsi %convert_element_type3A_778, %max3A_780 : vector<16xi32>
      %min3A_782 = arith.constant 255 : i32
      %min3A_783 = vector.broadcast %min3A_782 : i32 to vector<16xi32>
      %min3A_784 = arith.minsi %max3A_781, %min3A_783 : vector<16xi32>
      %get3A_785 = arith.constant 1 : i32
      %get3A_786 = arith.index_cast %get3A_785 : i32 to index
      %get3A_787 = arith.constant 16 : index
      %get3A_788 = tpu.vector_load %arg7[%get3A_786, %get3A_787] {strides = array<i32>} : memref<4x128xf32, #tpu.memory_space<vmem>>, vector<1x16xf32>,
      %get3A_789 = vector.shape_cast %get3A_788 : vector<1x16xf32> to vector<16xf32>
      %bitcast_convert_type3A_790 = tpu.bitcast %get3A_789 : vector<16xf32> -> vector<16xi32>
      %shift_right_logical3A_791 = arith.constant 23 : i32
      %shift_right_logical3A_792 = vector.broadcast %shift_right_logical3A_791 : i32 to vector<16xi32>
      %shift_right_logical3A_793 = arith.shrui %bitcast_convert_type3A_790, %shift_right_logical3A_792 : vector<16xi32>
      %and3A_794 = arith.constant 255 : i32
      %and3A_795 = vector.broadcast %and3A_794 : i32 to vector<16xi32>
      %and3A_796 = arith.andi %shift_right_logical3A_793, %and3A_795 : vector<16xi32>
      %and3A_797 = arith.constant 8388607 : i32
      %and3A_798 = vector.broadcast %and3A_797 : i32 to vector<16xi32>
      %and3A_799 = arith.andi %bitcast_convert_type3A_790, %and3A_798 : vector<16xi32>
      %eq3A_800 = arith.constant 0 : i32
      %eq3A_801 = vector.broadcast %eq3A_800 : i32 to vector<16xi32>
      %eq3A_802 = arith.cmpi eq, %and3A_799, %eq3A_801 : vector<16xi32>
      %sub3A_803 = arith.constant 127 : i32
      %sub3A_804 = vector.broadcast %sub3A_803 : i32 to vector<16xi32>
      %sub3A_805 = arith.subi %sub3A_804, %and3A_796 : vector<16xi32>
      %sub3A_806 = arith.constant 126 : i32
      %sub3A_807 = vector.broadcast %sub3A_806 : i32 to vector<16xi32>
      %sub3A_808 = arith.subi %sub3A_807, %and3A_796 : vector<16xi32>
      %select_n3A_809 = arith.select %eq3A_802, %sub3A_805, %sub3A_808 : vector<16xi1>, vector<16xi32>
      %max3A_810 = arith.constant 0 : i32
      %max3A_811 = vector.broadcast %max3A_810 : i32 to vector<16xi32>
      %max3A_812 = arith.maxsi %select_n3A_809, %max3A_811 : vector<16xi32>
      %min3A_813 = arith.constant 6 : i32
      %min3A_814 = vector.broadcast %min3A_813 : i32 to vector<16xi32>
      %min3A_815 = arith.minsi %max3A_812, %min3A_814 : vector<16xi32>
      %mul3A_816 = arith.constant 256 : i32
      %mul3A_817 = vector.broadcast %mul3A_816 : i32 to vector<16xi32>
      %mul3A_818 = arith.muli %min3A_815, %mul3A_817 : vector<16xi32>
      %add3A_819 = arith.addi %mul3A_818, %min3A_784 : vector<16xi32>
      %swap3A_820 = arith.constant 1 : i32
      %swap3A_821 = arith.constant 0 : i32
      %swap3A_822 = arith.index_cast %swap3A_820 : i32 to index
      %swap3A_823 = arith.index_cast %swap3A_821 : i32 to index
      %swap3A_824 = arith.constant 16 : index
      %swap3A_825 = tpu.vector_load %arg8[%swap3A_822, %swap3A_823, %swap3A_824] {strides = array<i32>} : memref<4x1x128xi32, #tpu.memory_space<vmem>>, vector<1x1x16xi32>,
      %swap3A_826 = vector.shape_cast %swap3A_825 : vector<1x1x16xi32> to vector<16xi32>
      %swap3A_827 = vector.shape_cast %add3A_819 : vector<16xi32> to vector<1x1x16xi32>
      tpu.vector_store %arg8[%swap3A_822, %swap3A_823, %swap3A_824], %swap3A_827 {strides = array<i32>} : memref<4x1x128xi32, #tpu.memory_space<vmem>>, vector<1x1x16xi32>,
      %get3A_828 = arith.constant 1 : i32
      %get3A_829 = arith.index_cast %get3A_828 : i32 to index
      %get3A_830 = arith.constant 32 : index
      %get3A_831 = tpu.vector_load %arg6[%get3A_829, %get3A_830] {strides = array<i32>} : memref<4x128xf32, #tpu.memory_space<vmem>>, vector<1x16xf32>,
      %get3A_832 = vector.shape_cast %get3A_831 : vector<1x16xf32> to vector<16xf32>
      %mul3A_833 = arith.constant 2.550000e+02 : f32
      %mul3A_834 = vector.broadcast %mul3A_833 : f32 to vector<16xf32>
      %mul3A_835 = arith.mulf %get3A_832, %mul3A_834 : vector<16xf32>
      %convert_element_type3A_836 = arith.fptosi %mul3A_835 : vector<16xf32> to vector<16xi32>
      %max3A_837 = arith.constant 0 : i32
      %max3A_838 = vector.broadcast %max3A_837 : i32 to vector<16xi32>
      %max3A_839 = arith.maxsi %convert_element_type3A_836, %max3A_838 : vector<16xi32>
      %min3A_840 = arith.constant 255 : i32
      %min3A_841 = vector.broadcast %min3A_840 : i32 to vector<16xi32>
      %min3A_842 = arith.minsi %max3A_839, %min3A_841 : vector<16xi32>
      %get3A_843 = arith.constant 1 : i32
      %get3A_844 = arith.index_cast %get3A_843 : i32 to index
      %get3A_845 = arith.constant 32 : index
      %get3A_846 = tpu.vector_load %arg7[%get3A_844, %get3A_845] {strides = array<i32>} : memref<4x128xf32, #tpu.memory_space<vmem>>, vector<1x16xf32>,
      %get3A_847 = vector.shape_cast %get3A_846 : vector<1x16xf32> to vector<16xf32>
      %bitcast_convert_type3A_848 = tpu.bitcast %get3A_847 : vector<16xf32> -> vector<16xi32>
      %shift_right_logical3A_849 = arith.constant 23 : i32
      %shift_right_logical3A_850 = vector.broadcast %shift_right_logical3A_849 : i32 to vector<16xi32>
      %shift_right_logical3A_851 = arith.shrui %bitcast_convert_type3A_848, %shift_right_logical3A_850 : vector<16xi32>
      %and3A_852 = arith.constant 255 : i32
      %and3A_853 = vector.broadcast %and3A_852 : i32 to vector<16xi32>
      %and3A_854 = arith.andi %shift_right_logical3A_851, %and3A_853 : vector<16xi32>
      %and3A_855 = arith.constant 8388607 : i32
      %and3A_856 = vector.broadcast %and3A_855 : i32 to vector<16xi32>
      %and3A_857 = arith.andi %bitcast_convert_type3A_848, %and3A_856 : vector<16xi32>
      %eq3A_858 = arith.constant 0 : i32
      %eq3A_859 = vector.broadcast %eq3A_858 : i32 to vector<16xi32>
      %eq3A_860 = arith.cmpi eq, %and3A_857, %eq3A_859 : vector<16xi32>
      %sub3A_861 = arith.constant 127 : i32
      %sub3A_862 = vector.broadcast %sub3A_861 : i32 to vector<16xi32>
      %sub3A_863 = arith.subi %sub3A_862, %and3A_854 : vector<16xi32>
      %sub3A_864 = arith.constant 126 : i32
      %sub3A_865 = vector.broadcast %sub3A_864 : i32 to vector<16xi32>
      %sub3A_866 = arith.subi %sub3A_865, %and3A_854 : vector<16xi32>
      %select_n3A_867 = arith.select %eq3A_860, %sub3A_863, %sub3A_866 : vector<16xi1>, vector<16xi32>
      %max3A_868 = arith.constant 0 : i32
      %max3A_869 = vector.broadcast %max3A_868 : i32 to vector<16xi32>
      %max3A_870 = arith.maxsi %select_n3A_867, %max3A_869 : vector<16xi32>
      %min3A_871 = arith.constant 6 : i32
      %min3A_872 = vector.broadcast %min3A_871 : i32 to vector<16xi32>
      %min3A_873 = arith.minsi %max3A_870, %min3A_872 : vector<16xi32>
      %mul3A_874 = arith.constant 256 : i32
      %mul3A_875 = vector.broadcast %mul3A_874 : i32 to vector<16xi32>
      %mul3A_876 = arith.muli %min3A_873, %mul3A_875 : vector<16xi32>
      %add3A_877 = arith.addi %mul3A_876, %min3A_842 : vector<16xi32>
      %swap3A_878 = arith.constant 1 : i32
      %swap3A_879 = arith.constant 0 : i32
      %swap3A_880 = arith.index_cast %swap3A_878 : i32 to index
      %swap3A_881 = arith.index_cast %swap3A_879 : i32 to index
      %swap3A_882 = arith.constant 32 : index
      %swap3A_883 = tpu.vector_load %arg8[%swap3A_880, %swap3A_881, %swap3A_882] {strides = array<i32>} : memref<4x1x128xi32, #tpu.memory_space<vmem>>, vector<1x1x16xi32>,
      %swap3A_884 = vector.shape_cast %swap3A_883 : vector<1x1x16xi32> to vector<16xi32>
      %swap3A_885 = vector.shape_cast %add3A_877 : vector<16xi32> to vector<1x1x16xi32>
      tpu.vector_store %arg8[%swap3A_880, %swap3A_881, %swap3A_882], %swap3A_885 {strides = array<i32>} : memref<4x1x128xi32, #tpu.memory_space<vmem>>, vector<1x1x16xi32>,
      %get3A_886 = arith.constant 1 : i32
      %get3A_887 = arith.index_cast %get3A_886 : i32 to index
      %get3A_888 = arith.constant 48 : index
      %get3A_889 = tpu.vector_load %arg6[%get3A_887, %get3A_888] {strides = array<i32>} : memref<4x128xf32, #tpu.memory_space<vmem>>, vector<1x16xf32>,
      %get3A_890 = vector.shape_cast %get3A_889 : vector<1x16xf32> to vector<16xf32>
      %mul3A_891 = arith.constant 2.550000e+02 : f32
      %mul3A_892 = vector.broadcast %mul3A_891 : f32 to vector<16xf32>
      %mul3A_893 = arith.mulf %get3A_890, %mul3A_892 : vector<16xf32>
      %convert_element_type3A_894 = arith.fptosi %mul3A_893 : vector<16xf32> to vector<16xi32>
      %max3A_895 = arith.constant 0 : i32
      %max3A_896 = vector.broadcast %max3A_895 : i32 to vector<16xi32>
      %max3A_897 = arith.maxsi %convert_element_type3A_894, %max3A_896 : vector<16xi32>
      %min3A_898 = arith.constant 255 : i32
      %min3A_899 = vector.broadcast %min3A_898 : i32 to vector<16xi32>
      %min3A_900 = arith.minsi %max3A_897, %min3A_899 : vector<16xi32>
      %get3A_901 = arith.constant 1 : i32
      %get3A_902 = arith.index_cast %get3A_901 : i32 to index
      %get3A_903 = arith.constant 48 : index
      %get3A_904 = tpu.vector_load %arg7[%get3A_902, %get3A_903] {strides = array<i32>} : memref<4x128xf32, #tpu.memory_space<vmem>>, vector<1x16xf32>,
      %get3A_905 = vector.shape_cast %get3A_904 : vector<1x16xf32> to vector<16xf32>
      %bitcast_convert_type3A_906 = tpu.bitcast %get3A_905 : vector<16xf32> -> vector<16xi32>
      %shift_right_logical3A_907 = arith.constant 23 : i32
      %shift_right_logical3A_908 = vector.broadcast %shift_right_logical3A_907 : i32 to vector<16xi32>
      %shift_right_logical3A_909 = arith.shrui %bitcast_convert_type3A_906, %shift_right_logical3A_908 : vector<16xi32>
      %and3A_910 = arith.constant 255 : i32
      %and3A_911 = vector.broadcast %and3A_910 : i32 to vector<16xi32>
      %and3A_912 = arith.andi %shift_right_logical3A_909, %and3A_911 : vector<16xi32>
      %and3A_913 = arith.constant 8388607 : i32
      %and3A_914 = vector.broadcast %and3A_913 : i32 to vector<16xi32>
      %and3A_915 = arith.andi %bitcast_convert_type3A_906, %and3A_914 : vector<16xi32>
      %eq3A_916 = arith.constant 0 : i32
      %eq3A_917 = vector.broadcast %eq3A_916 : i32 to vector<16xi32>
      %eq3A_918 = arith.cmpi eq, %and3A_915, %eq3A_917 : vector<16xi32>
      %sub3A_919 = arith.constant 127 : i32
      %sub3A_920 = vector.broadcast %sub3A_919 : i32 to vector<16xi32>
      %sub3A_921 = arith.subi %sub3A_920, %and3A_912 : vector<16xi32>
      %sub3A_922 = arith.constant 126 : i32
      %sub3A_923 = vector.broadcast %sub3A_922 : i32 to vector<16xi32>
      %sub3A_924 = arith.subi %sub3A_923, %and3A_912 : vector<16xi32>
      %select_n3A_925 = arith.select %eq3A_918, %sub3A_921, %sub3A_924 : vector<16xi1>, vector<16xi32>
      %max3A_926 = arith.constant 0 : i32
      %max3A_927 = vector.broadcast %max3A_926 : i32 to vector<16xi32>
      %max3A_928 = arith.maxsi %select_n3A_925, %max3A_927 : vector<16xi32>
      %min3A_929 = arith.constant 6 : i32
      %min3A_930 = vector.broadcast %min3A_929 : i32 to vector<16xi32>
      %min3A_931 = arith.minsi %max3A_928, %min3A_930 : vector<16xi32>
      %mul3A_932 = arith.constant 256 : i32
      %mul3A_933 = vector.broadcast %mul3A_932 : i32 to vector<16xi32>
      %mul3A_934 = arith.muli %min3A_931, %mul3A_933 : vector<16xi32>
      %add3A_935 = arith.addi %mul3A_934, %min3A_900 : vector<16xi32>
      %swap3A_936 = arith.constant 1 : i32
      %swap3A_937 = arith.constant 0 : i32
      %swap3A_938 = arith.index_cast %swap3A_936 : i32 to index
      %swap3A_939 = arith.index_cast %swap3A_937 : i32 to index
      %swap3A_940 = arith.constant 48 : index
      %swap3A_941 = tpu.vector_load %arg8[%swap3A_938, %swap3A_939, %swap3A_940] {strides = array<i32>} : memref<4x1x128xi32, #tpu.memory_space<vmem>>, vector<1x1x16xi32>,
      %swap3A_942 = vector.shape_cast %swap3A_941 : vector<1x1x16xi32> to vector<16xi32>
      %swap3A_943 = vector.shape_cast %add3A_935 : vector<16xi32> to vector<1x1x16xi32>
      tpu.vector_store %arg8[%swap3A_938, %swap3A_939, %swap3A_940], %swap3A_943 {strides = array<i32>} : memref<4x1x128xi32, #tpu.memory_space<vmem>>, vector<1x1x16xi32>,
      %get3A_944 = arith.constant 1 : i32
      %get3A_945 = arith.index_cast %get3A_944 : i32 to index
      %get3A_946 = arith.constant 64 : index
      %get3A_947 = tpu.vector_load %arg6[%get3A_945, %get3A_946] {strides = array<i32>} : memref<4x128xf32, #tpu.memory_space<vmem>>, vector<1x16xf32>,
      %get3A_948 = vector.shape_cast %get3A_947 : vector<1x16xf32> to vector<16xf32>
      %mul3A_949 = arith.constant 2.550000e+02 : f32
      %mul3A_950 = vector.broadcast %mul3A_949 : f32 to vector<16xf32>
      %mul3A_951 = arith.mulf %get3A_948, %mul3A_950 : vector<16xf32>
      %convert_element_type3A_952 = arith.fptosi %mul3A_951 : vector<16xf32> to vector<16xi32>
      %max3A_953 = arith.constant 0 : i32
      %max3A_954 = vector.broadcast %max3A_953 : i32 to vector<16xi32>
      %max3A_955 = arith.maxsi %convert_element_type3A_952, %max3A_954 : vector<16xi32>
      %min3A_956 = arith.constant 255 : i32
      %min3A_957 = vector.broadcast %min3A_956 : i32 to vector<16xi32>
      %min3A_958 = arith.minsi %max3A_955, %min3A_957 : vector<16xi32>
      %get3A_959 = arith.constant 1 : i32
      %get3A_960 = arith.index_cast %get3A_959 : i32 to index
      %get3A_961 = arith.constant 64 : index
      %get3A_962 = tpu.vector_load %arg7[%get3A_960, %get3A_961] {strides = array<i32>} : memref<4x128xf32, #tpu.memory_space<vmem>>, vector<1x16xf32>,
      %get3A_963 = vector.shape_cast %get3A_962 : vector<1x16xf32> to vector<16xf32>
      %bitcast_convert_type3A_964 = tpu.bitcast %get3A_963 : vector<16xf32> -> vector<16xi32>
      %shift_right_logical3A_965 = arith.constant 23 : i32
      %shift_right_logical3A_966 = vector.broadcast %shift_right_logical3A_965 : i32 to vector<16xi32>
      %shift_right_logical3A_967 = arith.shrui %bitcast_convert_type3A_964, %shift_right_logical3A_966 : vector<16xi32>
      %and3A_968 = arith.constant 255 : i32
      %and3A_969 = vector.broadcast %and3A_968 : i32 to vector<16xi32>
      %and3A_970 = arith.andi %shift_right_logical3A_967, %and3A_969 : vector<16xi32>
      %and3A_971 = arith.constant 8388607 : i32
      %and3A_972 = vector.broadcast %and3A_971 : i32 to vector<16xi32>
      %and3A_973 = arith.andi %bitcast_convert_type3A_964, %and3A_972 : vector<16xi32>
      %eq3A_974 = arith.constant 0 : i32
      %eq3A_975 = vector.broadcast %eq3A_974 : i32 to vector<16xi32>
      %eq3A_976 = arith.cmpi eq, %and3A_973, %eq3A_975 : vector<16xi32>
      %sub3A_977 = arith.constant 127 : i32
      %sub3A_978 = vector.broadcast %sub3A_977 : i32 to vector<16xi32>
      %sub3A_979 = arith.subi %sub3A_978, %and3A_970 : vector<16xi32>
      %sub3A_980 = arith.constant 126 : i32
      %sub3A_981 = vector.broadcast %sub3A_980 : i32 to vector<16xi32>
      %sub3A_982 = arith.subi %sub3A_981, %and3A_970 : vector<16xi32>
      %select_n3A_983 = arith.select %eq3A_976, %sub3A_979, %sub3A_982 : vector<16xi1>, vector<16xi32>
      %max3A_984 = arith.constant 0 : i32
      %max3A_985 = vector.broadcast %max3A_984 : i32 to vector<16xi32>
      %max3A_986 = arith.maxsi %select_n3A_983, %max3A_985 : vector<16xi32>
      %min3A_987 = arith.constant 6 : i32
      %min3A_988 = vector.broadcast %min3A_987 : i32 to vector<16xi32>
      %min3A_989 = arith.minsi %max3A_986, %min3A_988 : vector<16xi32>
      %mul3A_990 = arith.constant 256 : i32
      %mul3A_991 = vector.broadcast %mul3A_990 : i32 to vector<16xi32>
      %mul3A_992 = arith.muli %min3A_989, %mul3A_991 : vector<16xi32>
      %add3A_993 = arith.addi %mul3A_992, %min3A_958 : vector<16xi32>
      %swap3A_994 = arith.constant 1 : i32
      %swap3A_995 = arith.constant 0 : i32
      %swap3A_996 = arith.index_cast %swap3A_994 : i32 to index
      %swap3A_997 = arith.index_cast %swap3A_995 : i32 to index
      %swap3A_998 = arith.constant 64 : index
      %swap3A_999 = tpu.vector_load %arg8[%swap3A_996, %swap3A_997, %swap3A_998] {strides = array<i32>} : memref<4x1x128xi32, #tpu.memory_space<vmem>>, vector<1x1x16xi32>,
      %swap3A_1000 = vector.shape_cast %swap3A_999 : vector<1x1x16xi32> to vector<16xi32>
      %swap3A_1001 = vector.shape_cast %add3A_993 : vector<16xi32> to vector<1x1x16xi32>
      tpu.vector_store %arg8[%swap3A_996, %swap3A_997, %swap3A_998], %swap3A_1001 {strides = array<i32>} : memref<4x1x128xi32, #tpu.memory_space<vmem>>, vector<1x1x16xi32>,
      %get3A_1002 = arith.constant 1 : i32
      %get3A_1003 = arith.index_cast %get3A_1002 : i32 to index
      %get3A_1004 = arith.constant 80 : index
      %get3A_1005 = tpu.vector_load %arg6[%get3A_1003, %get3A_1004] {strides = array<i32>} : memref<4x128xf32, #tpu.memory_space<vmem>>, vector<1x16xf32>,
      %get3A_1006 = vector.shape_cast %get3A_1005 : vector<1x16xf32> to vector<16xf32>
      %mul3A_1007 = arith.constant 2.550000e+02 : f32
      %mul3A_1008 = vector.broadcast %mul3A_1007 : f32 to vector<16xf32>
      %mul3A_1009 = arith.mulf %get3A_1006, %mul3A_1008 : vector<16xf32>
      %convert_element_type3A_1010 = arith.fptosi %mul3A_1009 : vector<16xf32> to vector<16xi32>
      %max3A_1011 = arith.constant 0 : i32
      %max3A_1012 = vector.broadcast %max3A_1011 : i32 to vector<16xi32>
      %max3A_1013 = arith.maxsi %convert_element_type3A_1010, %max3A_1012 : vector<16xi32>
      %min3A_1014 = arith.constant 255 : i32
      %min3A_1015 = vector.broadcast %min3A_1014 : i32 to vector<16xi32>
      %min3A_1016 = arith.minsi %max3A_1013, %min3A_1015 : vector<16xi32>
      %get3A_1017 = arith.constant 1 : i32
      %get3A_1018 = arith.index_cast %get3A_1017 : i32 to index
      %get3A_1019 = arith.constant 80 : index
      %get3A_1020 = tpu.vector_load %arg7[%get3A_1018, %get3A_1019] {strides = array<i32>} : memref<4x128xf32, #tpu.memory_space<vmem>>, vector<1x16xf32>,
      %get3A_1021 = vector.shape_cast %get3A_1020 : vector<1x16xf32> to vector<16xf32>
      %bitcast_convert_type3A_1022 = tpu.bitcast %get3A_1021 : vector<16xf32> -> vector<16xi32>
      %shift_right_logical3A_1023 = arith.constant 23 : i32
      %shift_right_logical3A_1024 = vector.broadcast %shift_right_logical3A_1023 : i32 to vector<16xi32>
      %shift_right_logical3A_1025 = arith.shrui %bitcast_convert_type3A_1022, %shift_right_logical3A_1024 : vector<16xi32>
      %and3A_1026 = arith.constant 255 : i32
      %and3A_1027 = vector.broadcast %and3A_1026 : i32 to vector<16xi32>
      %and3A_1028 = arith.andi %shift_right_logical3A_1025, %and3A_1027 : vector<16xi32>
      %and3A_1029 = arith.constant 8388607 : i32
      %and3A_1030 = vector.broadcast %and3A_1029 : i32 to vector<16xi32>
      %and3A_1031 = arith.andi %bitcast_convert_type3A_1022, %and3A_1030 : vector<16xi32>
      %eq3A_1032 = arith.constant 0 : i32
      %eq3A_1033 = vector.broadcast %eq3A_1032 : i32 to vector<16xi32>
      %eq3A_1034 = arith.cmpi eq, %and3A_1031, %eq3A_1033 : vector<16xi32>
      %sub3A_1035 = arith.constant 127 : i32
      %sub3A_1036 = vector.broadcast %sub3A_1035 : i32 to vector<16xi32>
      %sub3A_1037 = arith.subi %sub3A_1036, %and3A_1028 : vector<16xi32>
      %sub3A_1038 = arith.constant 126 : i32
      %sub3A_1039 = vector.broadcast %sub3A_1038 : i32 to vector<16xi32>
      %sub3A_1040 = arith.subi %sub3A_1039, %and3A_1028 : vector<16xi32>
      %select_n3A_1041 = arith.select %eq3A_1034, %sub3A_1037, %sub3A_1040 : vector<16xi1>, vector<16xi32>
      %max3A_1042 = arith.constant 0 : i32
      %max3A_1043 = vector.broadcast %max3A_1042 : i32 to vector<16xi32>
      %max3A_1044 = arith.maxsi %select_n3A_1041, %max3A_1043 : vector<16xi32>
      %min3A_1045 = arith.constant 6 : i32
      %min3A_1046 = vector.broadcast %min3A_1045 : i32 to vector<16xi32>
      %min3A_1047 = arith.minsi %max3A_1044, %min3A_1046 : vector<16xi32>
      %mul3A_1048 = arith.constant 256 : i32
      %mul3A_1049 = vector.broadcast %mul3A_1048 : i32 to vector<16xi32>
      %mul3A_1050 = arith.muli %min3A_1047, %mul3A_1049 : vector<16xi32>
      %add3A_1051 = arith.addi %mul3A_1050, %min3A_1016 : vector<16xi32>
      %swap3A_1052 = arith.constant 1 : i32
      %swap3A_1053 = arith.constant 0 : i32
      %swap3A_1054 = arith.index_cast %swap3A_1052 : i32 to index
      %swap3A_1055 = arith.index_cast %swap3A_1053 : i32 to index
      %swap3A_1056 = arith.constant 80 : index
      %swap3A_1057 = tpu.vector_load %arg8[%swap3A_1054, %swap3A_1055, %swap3A_1056] {strides = array<i32>} : memref<4x1x128xi32, #tpu.memory_space<vmem>>, vector<1x1x16xi32>,
      %swap3A_1058 = vector.shape_cast %swap3A_1057 : vector<1x1x16xi32> to vector<16xi32>
      %swap3A_1059 = vector.shape_cast %add3A_1051 : vector<16xi32> to vector<1x1x16xi32>
      tpu.vector_store %arg8[%swap3A_1054, %swap3A_1055, %swap3A_1056], %swap3A_1059 {strides = array<i32>} : memref<4x1x128xi32, #tpu.memory_space<vmem>>, vector<1x1x16xi32>,
      %get3A_1060 = arith.constant 1 : i32
      %get3A_1061 = arith.index_cast %get3A_1060 : i32 to index
      %get3A_1062 = arith.constant 96 : index
      %get3A_1063 = tpu.vector_load %arg6[%get3A_1061, %get3A_1062] {strides = array<i32>} : memref<4x128xf32, #tpu.memory_space<vmem>>, vector<1x16xf32>,
      %get3A_1064 = vector.shape_cast %get3A_1063 : vector<1x16xf32> to vector<16xf32>
      %mul3A_1065 = arith.constant 2.550000e+02 : f32
      %mul3A_1066 = vector.broadcast %mul3A_1065 : f32 to vector<16xf32>
      %mul3A_1067 = arith.mulf %get3A_1064, %mul3A_1066 : vector<16xf32>
      %convert_element_type3A_1068 = arith.fptosi %mul3A_1067 : vector<16xf32> to vector<16xi32>
      %max3A_1069 = arith.constant 0 : i32
      %max3A_1070 = vector.broadcast %max3A_1069 : i32 to vector<16xi32>
      %max3A_1071 = arith.maxsi %convert_element_type3A_1068, %max3A_1070 : vector<16xi32>
      %min3A_1072 = arith.constant 255 : i32
      %min3A_1073 = vector.broadcast %min3A_1072 : i32 to vector<16xi32>
      %min3A_1074 = arith.minsi %max3A_1071, %min3A_1073 : vector<16xi32>
      %get3A_1075 = arith.constant 1 : i32
      %get3A_1076 = arith.index_cast %get3A_1075 : i32 to index
      %get3A_1077 = arith.constant 96 : index
      %get3A_1078 = tpu.vector_load %arg7[%get3A_1076, %get3A_1077] {strides = array<i32>} : memref<4x128xf32, #tpu.memory_space<vmem>>, vector<1x16xf32>,
      %get3A_1079 = vector.shape_cast %get3A_1078 : vector<1x16xf32> to vector<16xf32>
      %bitcast_convert_type3A_1080 = tpu.bitcast %get3A_1079 : vector<16xf32> -> vector<16xi32>
      %shift_right_logical3A_1081 = arith.constant 23 : i32
      %shift_right_logical3A_1082 = vector.broadcast %shift_right_logical3A_1081 : i32 to vector<16xi32>
      %shift_right_logical3A_1083 = arith.shrui %bitcast_convert_type3A_1080, %shift_right_logical3A_1082 : vector<16xi32>
      %and3A_1084 = arith.constant 255 : i32
      %and3A_1085 = vector.broadcast %and3A_1084 : i32 to vector<16xi32>
      %and3A_1086 = arith.andi %shift_right_logical3A_1083, %and3A_1085 : vector<16xi32>
      %and3A_1087 = arith.constant 8388607 : i32
      %and3A_1088 = vector.broadcast %and3A_1087 : i32 to vector<16xi32>
      %and3A_1089 = arith.andi %bitcast_convert_type3A_1080, %and3A_1088 : vector<16xi32>
      %eq3A_1090 = arith.constant 0 : i32
      %eq3A_1091 = vector.broadcast %eq3A_1090 : i32 to vector<16xi32>
      %eq3A_1092 = arith.cmpi eq, %and3A_1089, %eq3A_1091 : vector<16xi32>
      %sub3A_1093 = arith.constant 127 : i32
      %sub3A_1094 = vector.broadcast %sub3A_1093 : i32 to vector<16xi32>
      %sub3A_1095 = arith.subi %sub3A_1094, %and3A_1086 : vector<16xi32>
      %sub3A_1096 = arith.constant 126 : i32
      %sub3A_1097 = vector.broadcast %sub3A_1096 : i32 to vector<16xi32>
      %sub3A_1098 = arith.subi %sub3A_1097, %and3A_1086 : vector<16xi32>
      %select_n3A_1099 = arith.select %eq3A_1092, %sub3A_1095, %sub3A_1098 : vector<16xi1>, vector<16xi32>
      %max3A_1100 = arith.constant 0 : i32
      %max3A_1101 = vector.broadcast %max3A_1100 : i32 to vector<16xi32>
      %max3A_1102 = arith.maxsi %select_n3A_1099, %max3A_1101 : vector<16xi32>
      %min3A_1103 = arith.constant 6 : i32
      %min3A_1104 = vector.broadcast %min3A_1103 : i32 to vector<16xi32>
      %min3A_1105 = arith.minsi %max3A_1102, %min3A_1104 : vector<16xi32>
      %mul3A_1106 = arith.constant 256 : i32
      %mul3A_1107 = vector.broadcast %mul3A_1106 : i32 to vector<16xi32>
      %mul3A_1108 = arith.muli %min3A_1105, %mul3A_1107 : vector<16xi32>
      %add3A_1109 = arith.addi %mul3A_1108, %min3A_1074 : vector<16xi32>
      %swap3A_1110 = arith.constant 1 : i32
      %swap3A_1111 = arith.constant 0 : i32
      %swap3A_1112 = arith.index_cast %swap3A_1110 : i32 to index
      %swap3A_1113 = arith.index_cast %swap3A_1111 : i32 to index
      %swap3A_1114 = arith.constant 96 : index
      %swap3A_1115 = tpu.vector_load %arg8[%swap3A_1112, %swap3A_1113, %swap3A_1114] {strides = array<i32>} : memref<4x1x128xi32, #tpu.memory_space<vmem>>, vector<1x1x16xi32>,
      %swap3A_1116 = vector.shape_cast %swap3A_1115 : vector<1x1x16xi32> to vector<16xi32>
      %swap3A_1117 = vector.shape_cast %add3A_1109 : vector<16xi32> to vector<1x1x16xi32>
      tpu.vector_store %arg8[%swap3A_1112, %swap3A_1113, %swap3A_1114], %swap3A_1117 {strides = array<i32>} : memref<4x1x128xi32, #tpu.memory_space<vmem>>, vector<1x1x16xi32>,
      %get3A_1118 = arith.constant 1 : i32
      %get3A_1119 = arith.index_cast %get3A_1118 : i32 to index
      %get3A_1120 = arith.constant 112 : index
      %get3A_1121 = tpu.vector_load %arg6[%get3A_1119, %get3A_1120] {strides = array<i32>} : memref<4x128xf32, #tpu.memory_space<vmem>>, vector<1x16xf32>,
      %get3A_1122 = vector.shape_cast %get3A_1121 : vector<1x16xf32> to vector<16xf32>
      %mul3A_1123 = arith.constant 2.550000e+02 : f32
      %mul3A_1124 = vector.broadcast %mul3A_1123 : f32 to vector<16xf32>
      %mul3A_1125 = arith.mulf %get3A_1122, %mul3A_1124 : vector<16xf32>
      %convert_element_type3A_1126 = arith.fptosi %mul3A_1125 : vector<16xf32> to vector<16xi32>
      %max3A_1127 = arith.constant 0 : i32
      %max3A_1128 = vector.broadcast %max3A_1127 : i32 to vector<16xi32>
      %max3A_1129 = arith.maxsi %convert_element_type3A_1126, %max3A_1128 : vector<16xi32>
      %min3A_1130 = arith.constant 255 : i32
      %min3A_1131 = vector.broadcast %min3A_1130 : i32 to vector<16xi32>
      %min3A_1132 = arith.minsi %max3A_1129, %min3A_1131 : vector<16xi32>
      %get3A_1133 = arith.constant 1 : i32
      %get3A_1134 = arith.index_cast %get3A_1133 : i32 to index
      %get3A_1135 = arith.constant 112 : index
      %get3A_1136 = tpu.vector_load %arg7[%get3A_1134, %get3A_1135] {strides = array<i32>} : memref<4x128xf32, #tpu.memory_space<vmem>>, vector<1x16xf32>,
      %get3A_1137 = vector.shape_cast %get3A_1136 : vector<1x16xf32> to vector<16xf32>
      %bitcast_convert_type3A_1138 = tpu.bitcast %get3A_1137 : vector<16xf32> -> vector<16xi32>
      %shift_right_logical3A_1139 = arith.constant 23 : i32
      %shift_right_logical3A_1140 = vector.broadcast %shift_right_logical3A_1139 : i32 to vector<16xi32>
      %shift_right_logical3A_1141 = arith.shrui %bitcast_convert_type3A_1138, %shift_right_logical3A_1140 : vector<16xi32>
      %and3A_1142 = arith.constant 255 : i32
      %and3A_1143 = vector.broadcast %and3A_1142 : i32 to vector<16xi32>
      %and3A_1144 = arith.andi %shift_right_logical3A_1141, %and3A_1143 : vector<16xi32>
      %and3A_1145 = arith.constant 8388607 : i32
      %and3A_1146 = vector.broadcast %and3A_1145 : i32 to vector<16xi32>
      %and3A_1147 = arith.andi %bitcast_convert_type3A_1138, %and3A_1146 : vector<16xi32>
      %eq3A_1148 = arith.constant 0 : i32
      %eq3A_1149 = vector.broadcast %eq3A_1148 : i32 to vector<16xi32>
      %eq3A_1150 = arith.cmpi eq, %and3A_1147, %eq3A_1149 : vector<16xi32>
      %sub3A_1151 = arith.constant 127 : i32
      %sub3A_1152 = vector.broadcast %sub3A_1151 : i32 to vector<16xi32>
      %sub3A_1153 = arith.subi %sub3A_1152, %and3A_1144 : vector<16xi32>
      %sub3A_1154 = arith.constant 126 : i32
      %sub3A_1155 = vector.broadcast %sub3A_1154 : i32 to vector<16xi32>
      %sub3A_1156 = arith.subi %sub3A_1155, %and3A_1144 : vector<16xi32>
      %select_n3A_1157 = arith.select %eq3A_1150, %sub3A_1153, %sub3A_1156 : vector<16xi1>, vector<16xi32>
      %max3A_1158 = arith.constant 0 : i32
      %max3A_1159 = vector.broadcast %max3A_1158 : i32 to vector<16xi32>
      %max3A_1160 = arith.maxsi %select_n3A_1157, %max3A_1159 : vector<16xi32>
      %min3A_1161 = arith.constant 6 : i32
      %min3A_1162 = vector.broadcast %min3A_1161 : i32 to vector<16xi32>
      %min3A_1163 = arith.minsi %max3A_1160, %min3A_1162 : vector<16xi32>
      %mul3A_1164 = arith.constant 256 : i32
      %mul3A_1165 = vector.broadcast %mul3A_1164 : i32 to vector<16xi32>
      %mul3A_1166 = arith.muli %min3A_1163, %mul3A_1165 : vector<16xi32>
      %add3A_1167 = arith.addi %mul3A_1166, %min3A_1132 : vector<16xi32>
      %swap3A_1168 = arith.constant 1 : i32
      %swap3A_1169 = arith.constant 0 : i32
      %swap3A_1170 = arith.index_cast %swap3A_1168 : i32 to index
      %swap3A_1171 = arith.index_cast %swap3A_1169 : i32 to index
      %swap3A_1172 = arith.constant 112 : index
      %swap3A_1173 = tpu.vector_load %arg8[%swap3A_1170, %swap3A_1171, %swap3A_1172] {strides = array<i32>} : memref<4x1x128xi32, #tpu.memory_space<vmem>>, vector<1x1x16xi32>,
      %swap3A_1174 = vector.shape_cast %swap3A_1173 : vector<1x1x16xi32> to vector<16xi32>
      %swap3A_1175 = vector.shape_cast %add3A_1167 : vector<16xi32> to vector<1x1x16xi32>
      tpu.vector_store %arg8[%swap3A_1170, %swap3A_1171, %swap3A_1172], %swap3A_1175 {strides = array<i32>} : memref<4x1x128xi32, #tpu.memory_space<vmem>>, vector<1x1x16xi32>,
      %gt3A_1176 = arith.constant 0 : i32
      %gt3A_1177 = arith.cmpi sgt, %scan3A_177, %gt3A_1176 : i32
      %convert_element_type3A_1178 = arith.extui %gt3A_1177 : i1 to i32
      %cond3A_1179 = arith.constant 0 : i32
      %cond3A_1180 = arith.cmpi ne, %convert_element_type3A_1178, %cond3A_1179 : i32
      scf.if %cond3A_1180 {
        %dma_wait3A_2319 = arith.constant 1 : i32
        %dma_wait3A_2320 = arith.constant 0 : i32
        %dma_wait3A_2321 = arith.constant 0 : i32
        %dma_wait3A_2322 = tpu.memref_slice %arg9[%dma_wait3A_2319, %dma_wait3A_2320, %dma_wait3A_2321] : memref<4x128x128xf32, #tpu.memory_space<vmem>> -> memref<1x128x128xf32, #tpu.memory_space<vmem>>
        %dma_wait3A_2323 = tpu.memref_squeeze %dma_wait3A_2322 : memref<1x128x128xf32, #tpu.memory_space<vmem>> -> memref<128x128xf32, #tpu.memory_space<vmem>>
        %dma_wait3A_2324 = arith.constant 0 : i32
        %dma_wait3A_2325 = arith.constant 0 : i32
        %dma_wait3A_2326 = tpu.memref_slice %arg5[%dma_wait3A_2324, %dma_wait3A_2325] : memref<819200x128xf32, #tpu.memory_space<hbm>> -> memref<128x128xf32, #tpu.memory_space<hbm>>
        %dma_wait3A_2327 = arith.constant 0 : i32
        %dma_wait3A_2328 = arith.constant 0 : i32
        %dma_wait3A_2329 = tpu.memref_slice %arg5[%dma_wait3A_2327, %dma_wait3A_2328] : memref<819200x128xf32, #tpu.memory_space<hbm>> -> memref<128x128xf32, #tpu.memory_space<hbm>>
        %dma_wait3A_2330 = arith.constant 0 : i32
        %dma_wait3A_2331 = arith.constant 0 : i32
        %dma_wait3A_2332 = tpu.memref_slice %arg9[%dma_wait3A_2319, %dma_wait3A_2330, %dma_wait3A_2331] : memref<4x128x128xf32, #tpu.memory_space<vmem>> -> memref<1x128x128xf32, #tpu.memory_space<vmem>>
        %dma_wait3A_2333 = tpu.memref_squeeze %dma_wait3A_2332 : memref<1x128x128xf32, #tpu.memory_space<vmem>> -> memref<128x128xf32, #tpu.memory_space<vmem>>
        tpu.wait_dma2 semaphore(%arg20 : memref<!tpu.dma_semaphore, #tpu.memory_space<semaphore_mem>>) src(%dma_wait3A_2333 : memref<128x128xf32, #tpu.memory_space<vmem>>) dst(%dma_wait3A_2329 : memref<128x128xf32, #tpu.memory_space<hbm>>)
      } else {
      }
      %dma_start3A_1181 = arith.constant 1 : i32
      %dma_start3A_1182 = arith.constant 0 : i32
      %dma_start3A_1183 = arith.constant 1 : i32
      %dma_start3A_1184 = arith.constant 0 : i32
      %dma_start3A_1185 = arith.constant 0 : i32
      %dma_start3A_1186 = tpu.memref_slice %arg9[%dma_start3A_1183, %dma_start3A_1184, %dma_start3A_1185] : memref<4x128x128xf32, #tpu.memory_space<vmem>> -> memref<1x128x128xf32, #tpu.memory_space<vmem>>
      %dma_start3A_1187 = tpu.memref_squeeze %dma_start3A_1186 : memref<1x128x128xf32, #tpu.memory_space<vmem>> -> memref<128x128xf32, #tpu.memory_space<vmem>>
      %dma_start3A_1188 = arith.constant 0 : i32
      %dma_start3A_1189 = tpu.memref_slice %arg8[%dma_start3A_1181, %dma_start3A_1182, %dma_start3A_1188] : memref<4x1x128xi32, #tpu.memory_space<vmem>> -> memref<1x1x128xi32, #tpu.memory_space<vmem>>
      %dma_start3A_1190 = tpu.memref_squeeze %dma_start3A_1189 : memref<1x1x128xi32, #tpu.memory_space<vmem>> -> memref<128xi32, #tpu.memory_space<vmem>>
      %dma_start3A_1191 = arith.constant 0 : i32
      %dma_start3A_1192 = arith.constant 0 : i32
      %dma_start3A_1193 = tpu.memref_slice %arg10[%dma_start3A_1191, %dma_start3A_1192] : memref<1792x128xf32, #tpu.memory_space<vmem_shared>> -> memref<1792x128xf32, #tpu.memory_space<vmem_shared>>
      tpu.enqueue_indirect_dma source(%dma_start3A_1193 : memref<1792x128xf32, #tpu.memory_space<vmem_shared>>) target(%dma_start3A_1187 : memref<128x128xf32, #tpu.memory_space<vmem>>) offsets(%dma_start3A_1190 : memref<128xi32, #tpu.memory_space<vmem>>) semaphore(%arg16 : memref<!tpu.dma_semaphore, #tpu.memory_space<semaphore_mem>>)
      %lt3A_1194 = arith.constant 49 : i32
      %lt3A_1195 = arith.cmpi slt, %scan3A_177, %lt3A_1194 : i32
      %convert_element_type3A_1196 = arith.extui %lt3A_1195 : i1 to i32
      %cond3A_1197 = arith.constant 0 : i32
      %cond3A_1198 = arith.cmpi ne, %convert_element_type3A_1196, %cond3A_1197 : i32
      scf.if %cond3A_1198 {
        %add3A_2319 = arith.constant 4 : i32
        %add3A_2320 = arith.addi %add3A_689, %add3A_2319 : i32
        %mul3A_2321 = arith.constant 128 : i32
        %mul3A_2322 = arith.muli %add3A_2320, %mul3A_2321 : i32
        %add3A_2323 = arith.addi %mul3A_2, %mul3A_2322 : i32
        %dma_start3A_2324 = arith.constant 1 : i32
        %dma_start3A_2325 = arith.constant 0 : i32
        %dma_start3A_2326 = tpu.memref_slice %arg6[%dma_start3A_2324, %dma_start3A_2325] : memref<4x128xf32, #tpu.memory_space<vmem>> -> memref<1x128xf32, #tpu.memory_space<vmem>>
        %dma_start3A_2327 = tpu.memref_squeeze %dma_start3A_2326 : memref<1x128xf32, #tpu.memory_space<vmem>> -> memref<128xf32, #tpu.memory_space<vmem>>
        %dma_start3A_2328 = tpu.memref_slice %arg2[%add3A_2323] : memref<819200xf32, #tpu.memory_space<hbm>> -> memref<128xf32, #tpu.memory_space<hbm>>
        %dma_start3A_2329 = arith.constant 0 : i32
        %dma_start3A_2330 = tpu.memref_slice %arg6[%dma_start3A_2324, %dma_start3A_2329] : memref<4x128xf32, #tpu.memory_space<vmem>> -> memref<1x128xf32, #tpu.memory_space<vmem>>
        %dma_start3A_2331 = tpu.memref_squeeze %dma_start3A_2330 : memref<1x128xf32, #tpu.memory_space<vmem>> -> memref<128xf32, #tpu.memory_space<vmem>>
        %dma_start3A_2332 = tpu.memref_slice %arg2[%add3A_2323] : memref<819200xf32, #tpu.memory_space<hbm>> -> memref<128xf32, #tpu.memory_space<hbm>>
        tpu.enqueue_dma source(%dma_start3A_2332 : memref<128xf32, #tpu.memory_space<hbm>>) target(%dma_start3A_2331 : memref<128xf32, #tpu.memory_space<vmem>>) target_semaphore(%arg12 : memref<!tpu.dma_semaphore, #tpu.memory_space<semaphore_mem>>)
        %dma_start3A_2333 = arith.constant 1 : i32
        %dma_start3A_2334 = arith.constant 0 : i32
        %dma_start3A_2335 = tpu.memref_slice %arg7[%dma_start3A_2333, %dma_start3A_2334] : memref<4x128xf32, #tpu.memory_space<vmem>> -> memref<1x128xf32, #tpu.memory_space<vmem>>
        %dma_start3A_2336 = tpu.memref_squeeze %dma_start3A_2335 : memref<1x128xf32, #tpu.memory_space<vmem>> -> memref<128xf32, #tpu.memory_space<vmem>>
        %dma_start3A_2337 = tpu.memref_slice %arg3[%add3A_2323] : memref<819200xf32, #tpu.memory_space<hbm>> -> memref<128xf32, #tpu.memory_space<hbm>>
        %dma_start3A_2338 = arith.constant 0 : i32
        %dma_start3A_2339 = tpu.memref_slice %arg7[%dma_start3A_2333, %dma_start3A_2338] : memref<4x128xf32, #tpu.memory_space<vmem>> -> memref<1x128xf32, #tpu.memory_space<vmem>>
        %dma_start3A_2340 = tpu.memref_squeeze %dma_start3A_2339 : memref<1x128xf32, #tpu.memory_space<vmem>> -> memref<128xf32, #tpu.memory_space<vmem>>
        %dma_start3A_2341 = tpu.memref_slice %arg3[%add3A_2323] : memref<819200xf32, #tpu.memory_space<hbm>> -> memref<128xf32, #tpu.memory_space<hbm>>
        tpu.enqueue_dma source(%dma_start3A_2341 : memref<128xf32, #tpu.memory_space<hbm>>) target(%dma_start3A_2340 : memref<128xf32, #tpu.memory_space<vmem>>) target_semaphore(%arg12 : memref<!tpu.dma_semaphore, #tpu.memory_space<semaphore_mem>>)
      } else {
      }
      %dma_wait3A_1199 = arith.constant 0 : i32
      %dma_wait3A_1200 = arith.constant 0 : i32
      %dma_wait3A_1201 = arith.constant 0 : i32
      %dma_wait3A_1202 = arith.constant 0 : i32
      %dma_wait3A_1203 = arith.constant 0 : i32
      %dma_wait3A_1204 = tpu.memref_slice %arg9[%dma_wait3A_1201, %dma_wait3A_1202, %dma_wait3A_1203] : memref<4x128x128xf32, #tpu.memory_space<vmem>> -> memref<1x128x128xf32, #tpu.memory_space<vmem>>
      %dma_wait3A_1205 = tpu.memref_squeeze %dma_wait3A_1204 : memref<1x128x128xf32, #tpu.memory_space<vmem>> -> memref<128x128xf32, #tpu.memory_space<vmem>>
      %dma_wait3A_1206 = arith.constant 0 : i32
      %dma_wait3A_1207 = tpu.memref_slice %arg8[%dma_wait3A_1199, %dma_wait3A_1200, %dma_wait3A_1206] : memref<4x1x128xi32, #tpu.memory_space<vmem>> -> memref<1x1x128xi32, #tpu.memory_space<vmem>>
      %dma_wait3A_1208 = tpu.memref_squeeze %dma_wait3A_1207 : memref<1x1x128xi32, #tpu.memory_space<vmem>> -> memref<128xi32, #tpu.memory_space<vmem>>
      %dma_wait3A_1209 = arith.constant 0 : i32
      %dma_wait3A_1210 = arith.constant 0 : i32
      %dma_wait3A_1211 = tpu.memref_slice %arg10[%dma_wait3A_1209, %dma_wait3A_1210] : memref<1792x128xf32, #tpu.memory_space<vmem_shared>> -> memref<1792x128xf32, #tpu.memory_space<vmem_shared>>
      tpu.wait_indirect_dma semaphore(%arg15 : memref<!tpu.dma_semaphore, #tpu.memory_space<semaphore_mem>>) src(%dma_wait3A_1211 : memref<1792x128xf32, #tpu.memory_space<vmem_shared>>) dst(%dma_wait3A_1205 : memref<128x128xf32, #tpu.memory_space<vmem>>)
      %sub3A_1212 = arith.constant 1 : i32
      %sub3A_1213 = arith.subi %add3A_689, %sub3A_1212 : i32
      %mul3A_1214 = arith.constant 128 : i32
      %mul3A_1215 = arith.muli %sub3A_1213, %mul3A_1214 : i32
      %add3A_1216 = arith.addi %mul3A_2, %mul3A_1215 : i32
      %dma_start3A_1217 = arith.constant 0 : i32
      %dma_start3A_1218 = arith.constant 0 : i32
      %dma_start3A_1219 = arith.constant 0 : i32
      %dma_start3A_1220 = tpu.memref_slice %arg9[%dma_start3A_1217, %dma_start3A_1218, %dma_start3A_1219] : memref<4x128x128xf32, #tpu.memory_space<vmem>> -> memref<1x128x128xf32, #tpu.memory_space<vmem>>
      %dma_start3A_1221 = tpu.memref_squeeze %dma_start3A_1220 : memref<1x128x128xf32, #tpu.memory_space<vmem>> -> memref<128x128xf32, #tpu.memory_space<vmem>>
      %dma_start3A_1222 = arith.constant 0 : i32
      %dma_start3A_1223 = tpu.memref_slice %arg5[%add3A_1216, %dma_start3A_1222] : memref<819200x128xf32, #tpu.memory_space<hbm>> -> memref<128x128xf32, #tpu.memory_space<hbm>>
      %dma_start3A_1224 = arith.constant 0 : i32
      %dma_start3A_1225 = tpu.memref_slice %arg5[%add3A_1216, %dma_start3A_1224] : memref<819200x128xf32, #tpu.memory_space<hbm>> -> memref<128x128xf32, #tpu.memory_space<hbm>>
      %dma_start3A_1226 = arith.constant 0 : i32
      %dma_start3A_1227 = arith.constant 0 : i32
      %dma_start3A_1228 = tpu.memref_slice %arg9[%dma_start3A_1217, %dma_start3A_1226, %dma_start3A_1227] : memref<4x128x128xf32, #tpu.memory_space<vmem>> -> memref<1x128x128xf32, #tpu.memory_space<vmem>>
      %dma_start3A_1229 = tpu.memref_squeeze %dma_start3A_1228 : memref<1x128x128xf32, #tpu.memory_space<vmem>> -> memref<128x128xf32, #tpu.memory_space<vmem>>
      tpu.enqueue_dma source(%dma_start3A_1229 : memref<128x128xf32, #tpu.memory_space<vmem>>) target(%dma_start3A_1225 : memref<128x128xf32, #tpu.memory_space<hbm>>) target_semaphore(%arg19 : memref<!tpu.dma_semaphore, #tpu.memory_space<semaphore_mem>>)
      %mul3A_1230 = arith.constant 4 : i32
      %mul3A_1231 = arith.muli %scan3A_177, %mul3A_1230 : i32
      %add3A_1232 = arith.constant 2 : i32
      %add3A_1233 = arith.addi %mul3A_1231, %add3A_1232 : i32
      %dma_wait3A_1234 = arith.constant 2 : i32
      %dma_wait3A_1235 = arith.constant 0 : i32
      %dma_wait3A_1236 = tpu.memref_slice %arg6[%dma_wait3A_1234, %dma_wait3A_1235] : memref<4x128xf32, #tpu.memory_space<vmem>> -> memref<1x128xf32, #tpu.memory_space<vmem>>
      %dma_wait3A_1237 = tpu.memref_squeeze %dma_wait3A_1236 : memref<1x128xf32, #tpu.memory_space<vmem>> -> memref<128xf32, #tpu.memory_space<vmem>>
      %dma_wait3A_1238 = arith.constant 0 : i32
      %dma_wait3A_1239 = tpu.memref_slice %arg2[%dma_wait3A_1238] : memref<819200xf32, #tpu.memory_space<hbm>> -> memref<128xf32, #tpu.memory_space<hbm>>
      %dma_wait3A_1240 = arith.constant 0 : i32
      %dma_wait3A_1241 = tpu.memref_slice %arg6[%dma_wait3A_1234, %dma_wait3A_1240] : memref<4x128xf32, #tpu.memory_space<vmem>> -> memref<1x128xf32, #tpu.memory_space<vmem>>
      %dma_wait3A_1242 = tpu.memref_squeeze %dma_wait3A_1241 : memref<1x128xf32, #tpu.memory_space<vmem>> -> memref<128xf32, #tpu.memory_space<vmem>>
      %dma_wait3A_1243 = arith.constant 0 : i32
      %dma_wait3A_1244 = tpu.memref_slice %arg2[%dma_wait3A_1243] : memref<819200xf32, #tpu.memory_space<hbm>> -> memref<128xf32, #tpu.memory_space<hbm>>
      tpu.wait_dma2 semaphore(%arg13 : memref<!tpu.dma_semaphore, #tpu.memory_space<semaphore_mem>>) src(%dma_wait3A_1244 : memref<128xf32, #tpu.memory_space<hbm>>) dst(%dma_wait3A_1242 : memref<128xf32, #tpu.memory_space<vmem>>)
      %dma_wait3A_1245 = arith.constant 2 : i32
      %dma_wait3A_1246 = arith.constant 0 : i32
      %dma_wait3A_1247 = tpu.memref_slice %arg7[%dma_wait3A_1245, %dma_wait3A_1246] : memref<4x128xf32, #tpu.memory_space<vmem>> -> memref<1x128xf32, #tpu.memory_space<vmem>>
      %dma_wait3A_1248 = tpu.memref_squeeze %dma_wait3A_1247 : memref<1x128xf32, #tpu.memory_space<vmem>> -> memref<128xf32, #tpu.memory_space<vmem>>
      %dma_wait3A_1249 = arith.constant 0 : i32
      %dma_wait3A_1250 = tpu.memref_slice %arg3[%dma_wait3A_1249] : memref<819200xf32, #tpu.memory_space<hbm>> -> memref<128xf32, #tpu.memory_space<hbm>>
      %dma_wait3A_1251 = arith.constant 0 : i32
      %dma_wait3A_1252 = tpu.memref_slice %arg7[%dma_wait3A_1245, %dma_wait3A_1251] : memref<4x128xf32, #tpu.memory_space<vmem>> -> memref<1x128xf32, #tpu.memory_space<vmem>>
      %dma_wait3A_1253 = tpu.memref_squeeze %dma_wait3A_1252 : memref<1x128xf32, #tpu.memory_space<vmem>> -> memref<128xf32, #tpu.memory_space<vmem>>
      %dma_wait3A_1254 = arith.constant 0 : i32
      %dma_wait3A_1255 = tpu.memref_slice %arg3[%dma_wait3A_1254] : memref<819200xf32, #tpu.memory_space<hbm>> -> memref<128xf32, #tpu.memory_space<hbm>>
      tpu.wait_dma2 semaphore(%arg13 : memref<!tpu.dma_semaphore, #tpu.memory_space<semaphore_mem>>) src(%dma_wait3A_1255 : memref<128xf32, #tpu.memory_space<hbm>>) dst(%dma_wait3A_1253 : memref<128xf32, #tpu.memory_space<vmem>>)
      %get3A_1256 = arith.constant 2 : i32
      %get3A_1257 = arith.index_cast %get3A_1256 : i32 to index
      %get3A_1258 = arith.constant 0 : index
      %get3A_1259 = tpu.vector_load %arg6[%get3A_1257, %get3A_1258] {strides = array<i32>} : memref<4x128xf32, #tpu.memory_space<vmem>>, vector<1x16xf32>,
      %get3A_1260 = vector.shape_cast %get3A_1259 : vector<1x16xf32> to vector<16xf32>
      %mul3A_1261 = arith.constant 2.550000e+02 : f32
      %mul3A_1262 = vector.broadcast %mul3A_1261 : f32 to vector<16xf32>
      %mul3A_1263 = arith.mulf %get3A_1260, %mul3A_1262 : vector<16xf32>
      %convert_element_type3A_1264 = arith.fptosi %mul3A_1263 : vector<16xf32> to vector<16xi32>
      %max3A_1265 = arith.constant 0 : i32
      %max3A_1266 = vector.broadcast %max3A_1265 : i32 to vector<16xi32>
      %max3A_1267 = arith.maxsi %convert_element_type3A_1264, %max3A_1266 : vector<16xi32>
      %min3A_1268 = arith.constant 255 : i32
      %min3A_1269 = vector.broadcast %min3A_1268 : i32 to vector<16xi32>
      %min3A_1270 = arith.minsi %max3A_1267, %min3A_1269 : vector<16xi32>
      %get3A_1271 = arith.constant 2 : i32
      %get3A_1272 = arith.index_cast %get3A_1271 : i32 to index
      %get3A_1273 = arith.constant 0 : index
      %get3A_1274 = tpu.vector_load %arg7[%get3A_1272, %get3A_1273] {strides = array<i32>} : memref<4x128xf32, #tpu.memory_space<vmem>>, vector<1x16xf32>,
      %get3A_1275 = vector.shape_cast %get3A_1274 : vector<1x16xf32> to vector<16xf32>
      %bitcast_convert_type3A_1276 = tpu.bitcast %get3A_1275 : vector<16xf32> -> vector<16xi32>
      %shift_right_logical3A_1277 = arith.constant 23 : i32
      %shift_right_logical3A_1278 = vector.broadcast %shift_right_logical3A_1277 : i32 to vector<16xi32>
      %shift_right_logical3A_1279 = arith.shrui %bitcast_convert_type3A_1276, %shift_right_logical3A_1278 : vector<16xi32>
      %and3A_1280 = arith.constant 255 : i32
      %and3A_1281 = vector.broadcast %and3A_1280 : i32 to vector<16xi32>
      %and3A_1282 = arith.andi %shift_right_logical3A_1279, %and3A_1281 : vector<16xi32>
      %and3A_1283 = arith.constant 8388607 : i32
      %and3A_1284 = vector.broadcast %and3A_1283 : i32 to vector<16xi32>
      %and3A_1285 = arith.andi %bitcast_convert_type3A_1276, %and3A_1284 : vector<16xi32>
      %eq3A_1286 = arith.constant 0 : i32
      %eq3A_1287 = vector.broadcast %eq3A_1286 : i32 to vector<16xi32>
      %eq3A_1288 = arith.cmpi eq, %and3A_1285, %eq3A_1287 : vector<16xi32>
      %sub3A_1289 = arith.constant 127 : i32
      %sub3A_1290 = vector.broadcast %sub3A_1289 : i32 to vector<16xi32>
      %sub3A_1291 = arith.subi %sub3A_1290, %and3A_1282 : vector<16xi32>
      %sub3A_1292 = arith.constant 126 : i32
      %sub3A_1293 = vector.broadcast %sub3A_1292 : i32 to vector<16xi32>
      %sub3A_1294 = arith.subi %sub3A_1293, %and3A_1282 : vector<16xi32>
      %select_n3A_1295 = arith.select %eq3A_1288, %sub3A_1291, %sub3A_1294 : vector<16xi1>, vector<16xi32>
      %max3A_1296 = arith.constant 0 : i32
      %max3A_1297 = vector.broadcast %max3A_1296 : i32 to vector<16xi32>
      %max3A_1298 = arith.maxsi %select_n3A_1295, %max3A_1297 : vector<16xi32>
      %min3A_1299 = arith.constant 6 : i32
      %min3A_1300 = vector.broadcast %min3A_1299 : i32 to vector<16xi32>
      %min3A_1301 = arith.minsi %max3A_1298, %min3A_1300 : vector<16xi32>
      %mul3A_1302 = arith.constant 256 : i32
      %mul3A_1303 = vector.broadcast %mul3A_1302 : i32 to vector<16xi32>
      %mul3A_1304 = arith.muli %min3A_1301, %mul3A_1303 : vector<16xi32>
      %add3A_1305 = arith.addi %mul3A_1304, %min3A_1270 : vector<16xi32>
      %swap3A_1306 = arith.constant 2 : i32
      %swap3A_1307 = arith.constant 0 : i32
      %swap3A_1308 = arith.index_cast %swap3A_1306 : i32 to index
      %swap3A_1309 = arith.index_cast %swap3A_1307 : i32 to index
      %swap3A_1310 = arith.constant 0 : index
      %swap3A_1311 = tpu.vector_load %arg8[%swap3A_1308, %swap3A_1309, %swap3A_1310] {strides = array<i32>} : memref<4x1x128xi32, #tpu.memory_space<vmem>>, vector<1x1x16xi32>,
      %swap3A_1312 = vector.shape_cast %swap3A_1311 : vector<1x1x16xi32> to vector<16xi32>
      %swap3A_1313 = vector.shape_cast %add3A_1305 : vector<16xi32> to vector<1x1x16xi32>
      tpu.vector_store %arg8[%swap3A_1308, %swap3A_1309, %swap3A_1310], %swap3A_1313 {strides = array<i32>} : memref<4x1x128xi32, #tpu.memory_space<vmem>>, vector<1x1x16xi32>,
      %get3A_1314 = arith.constant 2 : i32
      %get3A_1315 = arith.index_cast %get3A_1314 : i32 to index
      %get3A_1316 = arith.constant 16 : index
      %get3A_1317 = tpu.vector_load %arg6[%get3A_1315, %get3A_1316] {strides = array<i32>} : memref<4x128xf32, #tpu.memory_space<vmem>>, vector<1x16xf32>,
      %get3A_1318 = vector.shape_cast %get3A_1317 : vector<1x16xf32> to vector<16xf32>
      %mul3A_1319 = arith.constant 2.550000e+02 : f32
      %mul3A_1320 = vector.broadcast %mul3A_1319 : f32 to vector<16xf32>
      %mul3A_1321 = arith.mulf %get3A_1318, %mul3A_1320 : vector<16xf32>
      %convert_element_type3A_1322 = arith.fptosi %mul3A_1321 : vector<16xf32> to vector<16xi32>
      %max3A_1323 = arith.constant 0 : i32
      %max3A_1324 = vector.broadcast %max3A_1323 : i32 to vector<16xi32>
      %max3A_1325 = arith.maxsi %convert_element_type3A_1322, %max3A_1324 : vector<16xi32>
      %min3A_1326 = arith.constant 255 : i32
      %min3A_1327 = vector.broadcast %min3A_1326 : i32 to vector<16xi32>
      %min3A_1328 = arith.minsi %max3A_1325, %min3A_1327 : vector<16xi32>
      %get3A_1329 = arith.constant 2 : i32
      %get3A_1330 = arith.index_cast %get3A_1329 : i32 to index
      %get3A_1331 = arith.constant 16 : index
      %get3A_1332 = tpu.vector_load %arg7[%get3A_1330, %get3A_1331] {strides = array<i32>} : memref<4x128xf32, #tpu.memory_space<vmem>>, vector<1x16xf32>,
      %get3A_1333 = vector.shape_cast %get3A_1332 : vector<1x16xf32> to vector<16xf32>
      %bitcast_convert_type3A_1334 = tpu.bitcast %get3A_1333 : vector<16xf32> -> vector<16xi32>
      %shift_right_logical3A_1335 = arith.constant 23 : i32
      %shift_right_logical3A_1336 = vector.broadcast %shift_right_logical3A_1335 : i32 to vector<16xi32>
      %shift_right_logical3A_1337 = arith.shrui %bitcast_convert_type3A_1334, %shift_right_logical3A_1336 : vector<16xi32>
      %and3A_1338 = arith.constant 255 : i32
      %and3A_1339 = vector.broadcast %and3A_1338 : i32 to vector<16xi32>
      %and3A_1340 = arith.andi %shift_right_logical3A_1337, %and3A_1339 : vector<16xi32>
      %and3A_1341 = arith.constant 8388607 : i32
      %and3A_1342 = vector.broadcast %and3A_1341 : i32 to vector<16xi32>
      %and3A_1343 = arith.andi %bitcast_convert_type3A_1334, %and3A_1342 : vector<16xi32>
      %eq3A_1344 = arith.constant 0 : i32
      %eq3A_1345 = vector.broadcast %eq3A_1344 : i32 to vector<16xi32>
      %eq3A_1346 = arith.cmpi eq, %and3A_1343, %eq3A_1345 : vector<16xi32>
      %sub3A_1347 = arith.constant 127 : i32
      %sub3A_1348 = vector.broadcast %sub3A_1347 : i32 to vector<16xi32>
      %sub3A_1349 = arith.subi %sub3A_1348, %and3A_1340 : vector<16xi32>
      %sub3A_1350 = arith.constant 126 : i32
      %sub3A_1351 = vector.broadcast %sub3A_1350 : i32 to vector<16xi32>
      %sub3A_1352 = arith.subi %sub3A_1351, %and3A_1340 : vector<16xi32>
      %select_n3A_1353 = arith.select %eq3A_1346, %sub3A_1349, %sub3A_1352 : vector<16xi1>, vector<16xi32>
      %max3A_1354 = arith.constant 0 : i32
      %max3A_1355 = vector.broadcast %max3A_1354 : i32 to vector<16xi32>
      %max3A_1356 = arith.maxsi %select_n3A_1353, %max3A_1355 : vector<16xi32>
      %min3A_1357 = arith.constant 6 : i32
      %min3A_1358 = vector.broadcast %min3A_1357 : i32 to vector<16xi32>
      %min3A_1359 = arith.minsi %max3A_1356, %min3A_1358 : vector<16xi32>
      %mul3A_1360 = arith.constant 256 : i32
      %mul3A_1361 = vector.broadcast %mul3A_1360 : i32 to vector<16xi32>
      %mul3A_1362 = arith.muli %min3A_1359, %mul3A_1361 : vector<16xi32>
      %add3A_1363 = arith.addi %mul3A_1362, %min3A_1328 : vector<16xi32>
      %swap3A_1364 = arith.constant 2 : i32
      %swap3A_1365 = arith.constant 0 : i32
      %swap3A_1366 = arith.index_cast %swap3A_1364 : i32 to index
      %swap3A_1367 = arith.index_cast %swap3A_1365 : i32 to index
      %swap3A_1368 = arith.constant 16 : index
      %swap3A_1369 = tpu.vector_load %arg8[%swap3A_1366, %swap3A_1367, %swap3A_1368] {strides = array<i32>} : memref<4x1x128xi32, #tpu.memory_space<vmem>>, vector<1x1x16xi32>,
      %swap3A_1370 = vector.shape_cast %swap3A_1369 : vector<1x1x16xi32> to vector<16xi32>
      %swap3A_1371 = vector.shape_cast %add3A_1363 : vector<16xi32> to vector<1x1x16xi32>
      tpu.vector_store %arg8[%swap3A_1366, %swap3A_1367, %swap3A_1368], %swap3A_1371 {strides = array<i32>} : memref<4x1x128xi32, #tpu.memory_space<vmem>>, vector<1x1x16xi32>,
      %get3A_1372 = arith.constant 2 : i32
      %get3A_1373 = arith.index_cast %get3A_1372 : i32 to index
      %get3A_1374 = arith.constant 32 : index
      %get3A_1375 = tpu.vector_load %arg6[%get3A_1373, %get3A_1374] {strides = array<i32>} : memref<4x128xf32, #tpu.memory_space<vmem>>, vector<1x16xf32>,
      %get3A_1376 = vector.shape_cast %get3A_1375 : vector<1x16xf32> to vector<16xf32>
      %mul3A_1377 = arith.constant 2.550000e+02 : f32
      %mul3A_1378 = vector.broadcast %mul3A_1377 : f32 to vector<16xf32>
      %mul3A_1379 = arith.mulf %get3A_1376, %mul3A_1378 : vector<16xf32>
      %convert_element_type3A_1380 = arith.fptosi %mul3A_1379 : vector<16xf32> to vector<16xi32>
      %max3A_1381 = arith.constant 0 : i32
      %max3A_1382 = vector.broadcast %max3A_1381 : i32 to vector<16xi32>
      %max3A_1383 = arith.maxsi %convert_element_type3A_1380, %max3A_1382 : vector<16xi32>
      %min3A_1384 = arith.constant 255 : i32
      %min3A_1385 = vector.broadcast %min3A_1384 : i32 to vector<16xi32>
      %min3A_1386 = arith.minsi %max3A_1383, %min3A_1385 : vector<16xi32>
      %get3A_1387 = arith.constant 2 : i32
      %get3A_1388 = arith.index_cast %get3A_1387 : i32 to index
      %get3A_1389 = arith.constant 32 : index
      %get3A_1390 = tpu.vector_load %arg7[%get3A_1388, %get3A_1389] {strides = array<i32>} : memref<4x128xf32, #tpu.memory_space<vmem>>, vector<1x16xf32>,
      %get3A_1391 = vector.shape_cast %get3A_1390 : vector<1x16xf32> to vector<16xf32>
      %bitcast_convert_type3A_1392 = tpu.bitcast %get3A_1391 : vector<16xf32> -> vector<16xi32>
      %shift_right_logical3A_1393 = arith.constant 23 : i32
      %shift_right_logical3A_1394 = vector.broadcast %shift_right_logical3A_1393 : i32 to vector<16xi32>
      %shift_right_logical3A_1395 = arith.shrui %bitcast_convert_type3A_1392, %shift_right_logical3A_1394 : vector<16xi32>
      %and3A_1396 = arith.constant 255 : i32
      %and3A_1397 = vector.broadcast %and3A_1396 : i32 to vector<16xi32>
      %and3A_1398 = arith.andi %shift_right_logical3A_1395, %and3A_1397 : vector<16xi32>
      %and3A_1399 = arith.constant 8388607 : i32
      %and3A_1400 = vector.broadcast %and3A_1399 : i32 to vector<16xi32>
      %and3A_1401 = arith.andi %bitcast_convert_type3A_1392, %and3A_1400 : vector<16xi32>
      %eq3A_1402 = arith.constant 0 : i32
      %eq3A_1403 = vector.broadcast %eq3A_1402 : i32 to vector<16xi32>
      %eq3A_1404 = arith.cmpi eq, %and3A_1401, %eq3A_1403 : vector<16xi32>
      %sub3A_1405 = arith.constant 127 : i32
      %sub3A_1406 = vector.broadcast %sub3A_1405 : i32 to vector<16xi32>
      %sub3A_1407 = arith.subi %sub3A_1406, %and3A_1398 : vector<16xi32>
      %sub3A_1408 = arith.constant 126 : i32
      %sub3A_1409 = vector.broadcast %sub3A_1408 : i32 to vector<16xi32>
      %sub3A_1410 = arith.subi %sub3A_1409, %and3A_1398 : vector<16xi32>
      %select_n3A_1411 = arith.select %eq3A_1404, %sub3A_1407, %sub3A_1410 : vector<16xi1>, vector<16xi32>
      %max3A_1412 = arith.constant 0 : i32
      %max3A_1413 = vector.broadcast %max3A_1412 : i32 to vector<16xi32>
      %max3A_1414 = arith.maxsi %select_n3A_1411, %max3A_1413 : vector<16xi32>
      %min3A_1415 = arith.constant 6 : i32
      %min3A_1416 = vector.broadcast %min3A_1415 : i32 to vector<16xi32>
      %min3A_1417 = arith.minsi %max3A_1414, %min3A_1416 : vector<16xi32>
      %mul3A_1418 = arith.constant 256 : i32
      %mul3A_1419 = vector.broadcast %mul3A_1418 : i32 to vector<16xi32>
      %mul3A_1420 = arith.muli %min3A_1417, %mul3A_1419 : vector<16xi32>
      %add3A_1421 = arith.addi %mul3A_1420, %min3A_1386 : vector<16xi32>
      %swap3A_1422 = arith.constant 2 : i32
      %swap3A_1423 = arith.constant 0 : i32
      %swap3A_1424 = arith.index_cast %swap3A_1422 : i32 to index
      %swap3A_1425 = arith.index_cast %swap3A_1423 : i32 to index
      %swap3A_1426 = arith.constant 32 : index
      %swap3A_1427 = tpu.vector_load %arg8[%swap3A_1424, %swap3A_1425, %swap3A_1426] {strides = array<i32>} : memref<4x1x128xi32, #tpu.memory_space<vmem>>, vector<1x1x16xi32>,
      %swap3A_1428 = vector.shape_cast %swap3A_1427 : vector<1x1x16xi32> to vector<16xi32>
      %swap3A_1429 = vector.shape_cast %add3A_1421 : vector<16xi32> to vector<1x1x16xi32>
      tpu.vector_store %arg8[%swap3A_1424, %swap3A_1425, %swap3A_1426], %swap3A_1429 {strides = array<i32>} : memref<4x1x128xi32, #tpu.memory_space<vmem>>, vector<1x1x16xi32>,
      %get3A_1430 = arith.constant 2 : i32
      %get3A_1431 = arith.index_cast %get3A_1430 : i32 to index
      %get3A_1432 = arith.constant 48 : index
      %get3A_1433 = tpu.vector_load %arg6[%get3A_1431, %get3A_1432] {strides = array<i32>} : memref<4x128xf32, #tpu.memory_space<vmem>>, vector<1x16xf32>,
      %get3A_1434 = vector.shape_cast %get3A_1433 : vector<1x16xf32> to vector<16xf32>
      %mul3A_1435 = arith.constant 2.550000e+02 : f32
      %mul3A_1436 = vector.broadcast %mul3A_1435 : f32 to vector<16xf32>
      %mul3A_1437 = arith.mulf %get3A_1434, %mul3A_1436 : vector<16xf32>
      %convert_element_type3A_1438 = arith.fptosi %mul3A_1437 : vector<16xf32> to vector<16xi32>
      %max3A_1439 = arith.constant 0 : i32
      %max3A_1440 = vector.broadcast %max3A_1439 : i32 to vector<16xi32>
      %max3A_1441 = arith.maxsi %convert_element_type3A_1438, %max3A_1440 : vector<16xi32>
      %min3A_1442 = arith.constant 255 : i32
      %min3A_1443 = vector.broadcast %min3A_1442 : i32 to vector<16xi32>
      %min3A_1444 = arith.minsi %max3A_1441, %min3A_1443 : vector<16xi32>
      %get3A_1445 = arith.constant 2 : i32
      %get3A_1446 = arith.index_cast %get3A_1445 : i32 to index
      %get3A_1447 = arith.constant 48 : index
      %get3A_1448 = tpu.vector_load %arg7[%get3A_1446, %get3A_1447] {strides = array<i32>} : memref<4x128xf32, #tpu.memory_space<vmem>>, vector<1x16xf32>,
      %get3A_1449 = vector.shape_cast %get3A_1448 : vector<1x16xf32> to vector<16xf32>
      %bitcast_convert_type3A_1450 = tpu.bitcast %get3A_1449 : vector<16xf32> -> vector<16xi32>
      %shift_right_logical3A_1451 = arith.constant 23 : i32
      %shift_right_logical3A_1452 = vector.broadcast %shift_right_logical3A_1451 : i32 to vector<16xi32>
      %shift_right_logical3A_1453 = arith.shrui %bitcast_convert_type3A_1450, %shift_right_logical3A_1452 : vector<16xi32>
      %and3A_1454 = arith.constant 255 : i32
      %and3A_1455 = vector.broadcast %and3A_1454 : i32 to vector<16xi32>
      %and3A_1456 = arith.andi %shift_right_logical3A_1453, %and3A_1455 : vector<16xi32>
      %and3A_1457 = arith.constant 8388607 : i32
      %and3A_1458 = vector.broadcast %and3A_1457 : i32 to vector<16xi32>
      %and3A_1459 = arith.andi %bitcast_convert_type3A_1450, %and3A_1458 : vector<16xi32>
      %eq3A_1460 = arith.constant 0 : i32
      %eq3A_1461 = vector.broadcast %eq3A_1460 : i32 to vector<16xi32>
      %eq3A_1462 = arith.cmpi eq, %and3A_1459, %eq3A_1461 : vector<16xi32>
      %sub3A_1463 = arith.constant 127 : i32
      %sub3A_1464 = vector.broadcast %sub3A_1463 : i32 to vector<16xi32>
      %sub3A_1465 = arith.subi %sub3A_1464, %and3A_1456 : vector<16xi32>
      %sub3A_1466 = arith.constant 126 : i32
      %sub3A_1467 = vector.broadcast %sub3A_1466 : i32 to vector<16xi32>
      %sub3A_1468 = arith.subi %sub3A_1467, %and3A_1456 : vector<16xi32>
      %select_n3A_1469 = arith.select %eq3A_1462, %sub3A_1465, %sub3A_1468 : vector<16xi1>, vector<16xi32>
      %max3A_1470 = arith.constant 0 : i32
      %max3A_1471 = vector.broadcast %max3A_1470 : i32 to vector<16xi32>
      %max3A_1472 = arith.maxsi %select_n3A_1469, %max3A_1471 : vector<16xi32>
      %min3A_1473 = arith.constant 6 : i32
      %min3A_1474 = vector.broadcast %min3A_1473 : i32 to vector<16xi32>
      %min3A_1475 = arith.minsi %max3A_1472, %min3A_1474 : vector<16xi32>
      %mul3A_1476 = arith.constant 256 : i32
      %mul3A_1477 = vector.broadcast %mul3A_1476 : i32 to vector<16xi32>
      %mul3A_1478 = arith.muli %min3A_1475, %mul3A_1477 : vector<16xi32>
      %add3A_1479 = arith.addi %mul3A_1478, %min3A_1444 : vector<16xi32>
      %swap3A_1480 = arith.constant 2 : i32
      %swap3A_1481 = arith.constant 0 : i32
      %swap3A_1482 = arith.index_cast %swap3A_1480 : i32 to index
      %swap3A_1483 = arith.index_cast %swap3A_1481 : i32 to index
      %swap3A_1484 = arith.constant 48 : index
      %swap3A_1485 = tpu.vector_load %arg8[%swap3A_1482, %swap3A_1483, %swap3A_1484] {strides = array<i32>} : memref<4x1x128xi32, #tpu.memory_space<vmem>>, vector<1x1x16xi32>,
      %swap3A_1486 = vector.shape_cast %swap3A_1485 : vector<1x1x16xi32> to vector<16xi32>
      %swap3A_1487 = vector.shape_cast %add3A_1479 : vector<16xi32> to vector<1x1x16xi32>
      tpu.vector_store %arg8[%swap3A_1482, %swap3A_1483, %swap3A_1484], %swap3A_1487 {strides = array<i32>} : memref<4x1x128xi32, #tpu.memory_space<vmem>>, vector<1x1x16xi32>,
      %get3A_1488 = arith.constant 2 : i32
      %get3A_1489 = arith.index_cast %get3A_1488 : i32 to index
      %get3A_1490 = arith.constant 64 : index
      %get3A_1491 = tpu.vector_load %arg6[%get3A_1489, %get3A_1490] {strides = array<i32>} : memref<4x128xf32, #tpu.memory_space<vmem>>, vector<1x16xf32>,
      %get3A_1492 = vector.shape_cast %get3A_1491 : vector<1x16xf32> to vector<16xf32>
      %mul3A_1493 = arith.constant 2.550000e+02 : f32
      %mul3A_1494 = vector.broadcast %mul3A_1493 : f32 to vector<16xf32>
      %mul3A_1495 = arith.mulf %get3A_1492, %mul3A_1494 : vector<16xf32>
      %convert_element_type3A_1496 = arith.fptosi %mul3A_1495 : vector<16xf32> to vector<16xi32>
      %max3A_1497 = arith.constant 0 : i32
      %max3A_1498 = vector.broadcast %max3A_1497 : i32 to vector<16xi32>
      %max3A_1499 = arith.maxsi %convert_element_type3A_1496, %max3A_1498 : vector<16xi32>
      %min3A_1500 = arith.constant 255 : i32
      %min3A_1501 = vector.broadcast %min3A_1500 : i32 to vector<16xi32>
      %min3A_1502 = arith.minsi %max3A_1499, %min3A_1501 : vector<16xi32>
      %get3A_1503 = arith.constant 2 : i32
      %get3A_1504 = arith.index_cast %get3A_1503 : i32 to index
      %get3A_1505 = arith.constant 64 : index
      %get3A_1506 = tpu.vector_load %arg7[%get3A_1504, %get3A_1505] {strides = array<i32>} : memref<4x128xf32, #tpu.memory_space<vmem>>, vector<1x16xf32>,
      %get3A_1507 = vector.shape_cast %get3A_1506 : vector<1x16xf32> to vector<16xf32>
      %bitcast_convert_type3A_1508 = tpu.bitcast %get3A_1507 : vector<16xf32> -> vector<16xi32>
      %shift_right_logical3A_1509 = arith.constant 23 : i32
      %shift_right_logical3A_1510 = vector.broadcast %shift_right_logical3A_1509 : i32 to vector<16xi32>
      %shift_right_logical3A_1511 = arith.shrui %bitcast_convert_type3A_1508, %shift_right_logical3A_1510 : vector<16xi32>
      %and3A_1512 = arith.constant 255 : i32
      %and3A_1513 = vector.broadcast %and3A_1512 : i32 to vector<16xi32>
      %and3A_1514 = arith.andi %shift_right_logical3A_1511, %and3A_1513 : vector<16xi32>
      %and3A_1515 = arith.constant 8388607 : i32
      %and3A_1516 = vector.broadcast %and3A_1515 : i32 to vector<16xi32>
      %and3A_1517 = arith.andi %bitcast_convert_type3A_1508, %and3A_1516 : vector<16xi32>
      %eq3A_1518 = arith.constant 0 : i32
      %eq3A_1519 = vector.broadcast %eq3A_1518 : i32 to vector<16xi32>
      %eq3A_1520 = arith.cmpi eq, %and3A_1517, %eq3A_1519 : vector<16xi32>
      %sub3A_1521 = arith.constant 127 : i32
      %sub3A_1522 = vector.broadcast %sub3A_1521 : i32 to vector<16xi32>
      %sub3A_1523 = arith.subi %sub3A_1522, %and3A_1514 : vector<16xi32>
      %sub3A_1524 = arith.constant 126 : i32
      %sub3A_1525 = vector.broadcast %sub3A_1524 : i32 to vector<16xi32>
      %sub3A_1526 = arith.subi %sub3A_1525, %and3A_1514 : vector<16xi32>
      %select_n3A_1527 = arith.select %eq3A_1520, %sub3A_1523, %sub3A_1526 : vector<16xi1>, vector<16xi32>
      %max3A_1528 = arith.constant 0 : i32
      %max3A_1529 = vector.broadcast %max3A_1528 : i32 to vector<16xi32>
      %max3A_1530 = arith.maxsi %select_n3A_1527, %max3A_1529 : vector<16xi32>
      %min3A_1531 = arith.constant 6 : i32
      %min3A_1532 = vector.broadcast %min3A_1531 : i32 to vector<16xi32>
      %min3A_1533 = arith.minsi %max3A_1530, %min3A_1532 : vector<16xi32>
      %mul3A_1534 = arith.constant 256 : i32
      %mul3A_1535 = vector.broadcast %mul3A_1534 : i32 to vector<16xi32>
      %mul3A_1536 = arith.muli %min3A_1533, %mul3A_1535 : vector<16xi32>
      %add3A_1537 = arith.addi %mul3A_1536, %min3A_1502 : vector<16xi32>
      %swap3A_1538 = arith.constant 2 : i32
      %swap3A_1539 = arith.constant 0 : i32
      %swap3A_1540 = arith.index_cast %swap3A_1538 : i32 to index
      %swap3A_1541 = arith.index_cast %swap3A_1539 : i32 to index
      %swap3A_1542 = arith.constant 64 : index
      %swap3A_1543 = tpu.vector_load %arg8[%swap3A_1540, %swap3A_1541, %swap3A_1542] {strides = array<i32>} : memref<4x1x128xi32, #tpu.memory_space<vmem>>, vector<1x1x16xi32>,
      %swap3A_1544 = vector.shape_cast %swap3A_1543 : vector<1x1x16xi32> to vector<16xi32>
      %swap3A_1545 = vector.shape_cast %add3A_1537 : vector<16xi32> to vector<1x1x16xi32>
      tpu.vector_store %arg8[%swap3A_1540, %swap3A_1541, %swap3A_1542], %swap3A_1545 {strides = array<i32>} : memref<4x1x128xi32, #tpu.memory_space<vmem>>, vector<1x1x16xi32>,
      %get3A_1546 = arith.constant 2 : i32
      %get3A_1547 = arith.index_cast %get3A_1546 : i32 to index
      %get3A_1548 = arith.constant 80 : index
      %get3A_1549 = tpu.vector_load %arg6[%get3A_1547, %get3A_1548] {strides = array<i32>} : memref<4x128xf32, #tpu.memory_space<vmem>>, vector<1x16xf32>,
      %get3A_1550 = vector.shape_cast %get3A_1549 : vector<1x16xf32> to vector<16xf32>
      %mul3A_1551 = arith.constant 2.550000e+02 : f32
      %mul3A_1552 = vector.broadcast %mul3A_1551 : f32 to vector<16xf32>
      %mul3A_1553 = arith.mulf %get3A_1550, %mul3A_1552 : vector<16xf32>
      %convert_element_type3A_1554 = arith.fptosi %mul3A_1553 : vector<16xf32> to vector<16xi32>
      %max3A_1555 = arith.constant 0 : i32
      %max3A_1556 = vector.broadcast %max3A_1555 : i32 to vector<16xi32>
      %max3A_1557 = arith.maxsi %convert_element_type3A_1554, %max3A_1556 : vector<16xi32>
      %min3A_1558 = arith.constant 255 : i32
      %min3A_1559 = vector.broadcast %min3A_1558 : i32 to vector<16xi32>
      %min3A_1560 = arith.minsi %max3A_1557, %min3A_1559 : vector<16xi32>
      %get3A_1561 = arith.constant 2 : i32
      %get3A_1562 = arith.index_cast %get3A_1561 : i32 to index
      %get3A_1563 = arith.constant 80 : index
      %get3A_1564 = tpu.vector_load %arg7[%get3A_1562, %get3A_1563] {strides = array<i32>} : memref<4x128xf32, #tpu.memory_space<vmem>>, vector<1x16xf32>,
      %get3A_1565 = vector.shape_cast %get3A_1564 : vector<1x16xf32> to vector<16xf32>
      %bitcast_convert_type3A_1566 = tpu.bitcast %get3A_1565 : vector<16xf32> -> vector<16xi32>
      %shift_right_logical3A_1567 = arith.constant 23 : i32
      %shift_right_logical3A_1568 = vector.broadcast %shift_right_logical3A_1567 : i32 to vector<16xi32>
      %shift_right_logical3A_1569 = arith.shrui %bitcast_convert_type3A_1566, %shift_right_logical3A_1568 : vector<16xi32>
      %and3A_1570 = arith.constant 255 : i32
      %and3A_1571 = vector.broadcast %and3A_1570 : i32 to vector<16xi32>
      %and3A_1572 = arith.andi %shift_right_logical3A_1569, %and3A_1571 : vector<16xi32>
      %and3A_1573 = arith.constant 8388607 : i32
      %and3A_1574 = vector.broadcast %and3A_1573 : i32 to vector<16xi32>
      %and3A_1575 = arith.andi %bitcast_convert_type3A_1566, %and3A_1574 : vector<16xi32>
      %eq3A_1576 = arith.constant 0 : i32
      %eq3A_1577 = vector.broadcast %eq3A_1576 : i32 to vector<16xi32>
      %eq3A_1578 = arith.cmpi eq, %and3A_1575, %eq3A_1577 : vector<16xi32>
      %sub3A_1579 = arith.constant 127 : i32
      %sub3A_1580 = vector.broadcast %sub3A_1579 : i32 to vector<16xi32>
      %sub3A_1581 = arith.subi %sub3A_1580, %and3A_1572 : vector<16xi32>
      %sub3A_1582 = arith.constant 126 : i32
      %sub3A_1583 = vector.broadcast %sub3A_1582 : i32 to vector<16xi32>
      %sub3A_1584 = arith.subi %sub3A_1583, %and3A_1572 : vector<16xi32>
      %select_n3A_1585 = arith.select %eq3A_1578, %sub3A_1581, %sub3A_1584 : vector<16xi1>, vector<16xi32>
      %max3A_1586 = arith.constant 0 : i32
      %max3A_1587 = vector.broadcast %max3A_1586 : i32 to vector<16xi32>
      %max3A_1588 = arith.maxsi %select_n3A_1585, %max3A_1587 : vector<16xi32>
      %min3A_1589 = arith.constant 6 : i32
      %min3A_1590 = vector.broadcast %min3A_1589 : i32 to vector<16xi32>
      %min3A_1591 = arith.minsi %max3A_1588, %min3A_1590 : vector<16xi32>
      %mul3A_1592 = arith.constant 256 : i32
      %mul3A_1593 = vector.broadcast %mul3A_1592 : i32 to vector<16xi32>
      %mul3A_1594 = arith.muli %min3A_1591, %mul3A_1593 : vector<16xi32>
      %add3A_1595 = arith.addi %mul3A_1594, %min3A_1560 : vector<16xi32>
      %swap3A_1596 = arith.constant 2 : i32
      %swap3A_1597 = arith.constant 0 : i32
      %swap3A_1598 = arith.index_cast %swap3A_1596 : i32 to index
      %swap3A_1599 = arith.index_cast %swap3A_1597 : i32 to index
      %swap3A_1600 = arith.constant 80 : index
      %swap3A_1601 = tpu.vector_load %arg8[%swap3A_1598, %swap3A_1599, %swap3A_1600] {strides = array<i32>} : memref<4x1x128xi32, #tpu.memory_space<vmem>>, vector<1x1x16xi32>,
      %swap3A_1602 = vector.shape_cast %swap3A_1601 : vector<1x1x16xi32> to vector<16xi32>
      %swap3A_1603 = vector.shape_cast %add3A_1595 : vector<16xi32> to vector<1x1x16xi32>
      tpu.vector_store %arg8[%swap3A_1598, %swap3A_1599, %swap3A_1600], %swap3A_1603 {strides = array<i32>} : memref<4x1x128xi32, #tpu.memory_space<vmem>>, vector<1x1x16xi32>,
      %get3A_1604 = arith.constant 2 : i32
      %get3A_1605 = arith.index_cast %get3A_1604 : i32 to index
      %get3A_1606 = arith.constant 96 : index
      %get3A_1607 = tpu.vector_load %arg6[%get3A_1605, %get3A_1606] {strides = array<i32>} : memref<4x128xf32, #tpu.memory_space<vmem>>, vector<1x16xf32>,
      %get3A_1608 = vector.shape_cast %get3A_1607 : vector<1x16xf32> to vector<16xf32>
      %mul3A_1609 = arith.constant 2.550000e+02 : f32
      %mul3A_1610 = vector.broadcast %mul3A_1609 : f32 to vector<16xf32>
      %mul3A_1611 = arith.mulf %get3A_1608, %mul3A_1610 : vector<16xf32>
      %convert_element_type3A_1612 = arith.fptosi %mul3A_1611 : vector<16xf32> to vector<16xi32>
      %max3A_1613 = arith.constant 0 : i32
      %max3A_1614 = vector.broadcast %max3A_1613 : i32 to vector<16xi32>
      %max3A_1615 = arith.maxsi %convert_element_type3A_1612, %max3A_1614 : vector<16xi32>
      %min3A_1616 = arith.constant 255 : i32
      %min3A_1617 = vector.broadcast %min3A_1616 : i32 to vector<16xi32>
      %min3A_1618 = arith.minsi %max3A_1615, %min3A_1617 : vector<16xi32>
      %get3A_1619 = arith.constant 2 : i32
      %get3A_1620 = arith.index_cast %get3A_1619 : i32 to index
      %get3A_1621 = arith.constant 96 : index
      %get3A_1622 = tpu.vector_load %arg7[%get3A_1620, %get3A_1621] {strides = array<i32>} : memref<4x128xf32, #tpu.memory_space<vmem>>, vector<1x16xf32>,
      %get3A_1623 = vector.shape_cast %get3A_1622 : vector<1x16xf32> to vector<16xf32>
      %bitcast_convert_type3A_1624 = tpu.bitcast %get3A_1623 : vector<16xf32> -> vector<16xi32>
      %shift_right_logical3A_1625 = arith.constant 23 : i32
      %shift_right_logical3A_1626 = vector.broadcast %shift_right_logical3A_1625 : i32 to vector<16xi32>
      %shift_right_logical3A_1627 = arith.shrui %bitcast_convert_type3A_1624, %shift_right_logical3A_1626 : vector<16xi32>
      %and3A_1628 = arith.constant 255 : i32
      %and3A_1629 = vector.broadcast %and3A_1628 : i32 to vector<16xi32>
      %and3A_1630 = arith.andi %shift_right_logical3A_1627, %and3A_1629 : vector<16xi32>
      %and3A_1631 = arith.constant 8388607 : i32
      %and3A_1632 = vector.broadcast %and3A_1631 : i32 to vector<16xi32>
      %and3A_1633 = arith.andi %bitcast_convert_type3A_1624, %and3A_1632 : vector<16xi32>
      %eq3A_1634 = arith.constant 0 : i32
      %eq3A_1635 = vector.broadcast %eq3A_1634 : i32 to vector<16xi32>
      %eq3A_1636 = arith.cmpi eq, %and3A_1633, %eq3A_1635 : vector<16xi32>
      %sub3A_1637 = arith.constant 127 : i32
      %sub3A_1638 = vector.broadcast %sub3A_1637 : i32 to vector<16xi32>
      %sub3A_1639 = arith.subi %sub3A_1638, %and3A_1630 : vector<16xi32>
      %sub3A_1640 = arith.constant 126 : i32
      %sub3A_1641 = vector.broadcast %sub3A_1640 : i32 to vector<16xi32>
      %sub3A_1642 = arith.subi %sub3A_1641, %and3A_1630 : vector<16xi32>
      %select_n3A_1643 = arith.select %eq3A_1636, %sub3A_1639, %sub3A_1642 : vector<16xi1>, vector<16xi32>
      %max3A_1644 = arith.constant 0 : i32
      %max3A_1645 = vector.broadcast %max3A_1644 : i32 to vector<16xi32>
      %max3A_1646 = arith.maxsi %select_n3A_1643, %max3A_1645 : vector<16xi32>
      %min3A_1647 = arith.constant 6 : i32
      %min3A_1648 = vector.broadcast %min3A_1647 : i32 to vector<16xi32>
      %min3A_1649 = arith.minsi %max3A_1646, %min3A_1648 : vector<16xi32>
      %mul3A_1650 = arith.constant 256 : i32
      %mul3A_1651 = vector.broadcast %mul3A_1650 : i32 to vector<16xi32>
      %mul3A_1652 = arith.muli %min3A_1649, %mul3A_1651 : vector<16xi32>
      %add3A_1653 = arith.addi %mul3A_1652, %min3A_1618 : vector<16xi32>
      %swap3A_1654 = arith.constant 2 : i32
      %swap3A_1655 = arith.constant 0 : i32
      %swap3A_1656 = arith.index_cast %swap3A_1654 : i32 to index
      %swap3A_1657 = arith.index_cast %swap3A_1655 : i32 to index
      %swap3A_1658 = arith.constant 96 : index
      %swap3A_1659 = tpu.vector_load %arg8[%swap3A_1656, %swap3A_1657, %swap3A_1658] {strides = array<i32>} : memref<4x1x128xi32, #tpu.memory_space<vmem>>, vector<1x1x16xi32>,
      %swap3A_1660 = vector.shape_cast %swap3A_1659 : vector<1x1x16xi32> to vector<16xi32>
      %swap3A_1661 = vector.shape_cast %add3A_1653 : vector<16xi32> to vector<1x1x16xi32>
      tpu.vector_store %arg8[%swap3A_1656, %swap3A_1657, %swap3A_1658], %swap3A_1661 {strides = array<i32>} : memref<4x1x128xi32, #tpu.memory_space<vmem>>, vector<1x1x16xi32>,
      %get3A_1662 = arith.constant 2 : i32
      %get3A_1663 = arith.index_cast %get3A_1662 : i32 to index
      %get3A_1664 = arith.constant 112 : index
      %get3A_1665 = tpu.vector_load %arg6[%get3A_1663, %get3A_1664] {strides = array<i32>} : memref<4x128xf32, #tpu.memory_space<vmem>>, vector<1x16xf32>,
      %get3A_1666 = vector.shape_cast %get3A_1665 : vector<1x16xf32> to vector<16xf32>
      %mul3A_1667 = arith.constant 2.550000e+02 : f32
      %mul3A_1668 = vector.broadcast %mul3A_1667 : f32 to vector<16xf32>
      %mul3A_1669 = arith.mulf %get3A_1666, %mul3A_1668 : vector<16xf32>
      %convert_element_type3A_1670 = arith.fptosi %mul3A_1669 : vector<16xf32> to vector<16xi32>
      %max3A_1671 = arith.constant 0 : i32
      %max3A_1672 = vector.broadcast %max3A_1671 : i32 to vector<16xi32>
      %max3A_1673 = arith.maxsi %convert_element_type3A_1670, %max3A_1672 : vector<16xi32>
      %min3A_1674 = arith.constant 255 : i32
      %min3A_1675 = vector.broadcast %min3A_1674 : i32 to vector<16xi32>
      %min3A_1676 = arith.minsi %max3A_1673, %min3A_1675 : vector<16xi32>
      %get3A_1677 = arith.constant 2 : i32
      %get3A_1678 = arith.index_cast %get3A_1677 : i32 to index
      %get3A_1679 = arith.constant 112 : index
      %get3A_1680 = tpu.vector_load %arg7[%get3A_1678, %get3A_1679] {strides = array<i32>} : memref<4x128xf32, #tpu.memory_space<vmem>>, vector<1x16xf32>,
      %get3A_1681 = vector.shape_cast %get3A_1680 : vector<1x16xf32> to vector<16xf32>
      %bitcast_convert_type3A_1682 = tpu.bitcast %get3A_1681 : vector<16xf32> -> vector<16xi32>
      %shift_right_logical3A_1683 = arith.constant 23 : i32
      %shift_right_logical3A_1684 = vector.broadcast %shift_right_logical3A_1683 : i32 to vector<16xi32>
      %shift_right_logical3A_1685 = arith.shrui %bitcast_convert_type3A_1682, %shift_right_logical3A_1684 : vector<16xi32>
      %and3A_1686 = arith.constant 255 : i32
      %and3A_1687 = vector.broadcast %and3A_1686 : i32 to vector<16xi32>
      %and3A_1688 = arith.andi %shift_right_logical3A_1685, %and3A_1687 : vector<16xi32>
      %and3A_1689 = arith.constant 8388607 : i32
      %and3A_1690 = vector.broadcast %and3A_1689 : i32 to vector<16xi32>
      %and3A_1691 = arith.andi %bitcast_convert_type3A_1682, %and3A_1690 : vector<16xi32>
      %eq3A_1692 = arith.constant 0 : i32
      %eq3A_1693 = vector.broadcast %eq3A_1692 : i32 to vector<16xi32>
      %eq3A_1694 = arith.cmpi eq, %and3A_1691, %eq3A_1693 : vector<16xi32>
      %sub3A_1695 = arith.constant 127 : i32
      %sub3A_1696 = vector.broadcast %sub3A_1695 : i32 to vector<16xi32>
      %sub3A_1697 = arith.subi %sub3A_1696, %and3A_1688 : vector<16xi32>
      %sub3A_1698 = arith.constant 126 : i32
      %sub3A_1699 = vector.broadcast %sub3A_1698 : i32 to vector<16xi32>
      %sub3A_1700 = arith.subi %sub3A_1699, %and3A_1688 : vector<16xi32>
      %select_n3A_1701 = arith.select %eq3A_1694, %sub3A_1697, %sub3A_1700 : vector<16xi1>, vector<16xi32>
      %max3A_1702 = arith.constant 0 : i32
      %max3A_1703 = vector.broadcast %max3A_1702 : i32 to vector<16xi32>
      %max3A_1704 = arith.maxsi %select_n3A_1701, %max3A_1703 : vector<16xi32>
      %min3A_1705 = arith.constant 6 : i32
      %min3A_1706 = vector.broadcast %min3A_1705 : i32 to vector<16xi32>
      %min3A_1707 = arith.minsi %max3A_1704, %min3A_1706 : vector<16xi32>
      %mul3A_1708 = arith.constant 256 : i32
      %mul3A_1709 = vector.broadcast %mul3A_1708 : i32 to vector<16xi32>
      %mul3A_1710 = arith.muli %min3A_1707, %mul3A_1709 : vector<16xi32>
      %add3A_1711 = arith.addi %mul3A_1710, %min3A_1676 : vector<16xi32>
      %swap3A_1712 = arith.constant 2 : i32
      %swap3A_1713 = arith.constant 0 : i32
      %swap3A_1714 = arith.index_cast %swap3A_1712 : i32 to index
      %swap3A_1715 = arith.index_cast %swap3A_1713 : i32 to index
      %swap3A_1716 = arith.constant 112 : index
      %swap3A_1717 = tpu.vector_load %arg8[%swap3A_1714, %swap3A_1715, %swap3A_1716] {strides = array<i32>} : memref<4x1x128xi32, #tpu.memory_space<vmem>>, vector<1x1x16xi32>,
      %swap3A_1718 = vector.shape_cast %swap3A_1717 : vector<1x1x16xi32> to vector<16xi32>
      %swap3A_1719 = vector.shape_cast %add3A_1711 : vector<16xi32> to vector<1x1x16xi32>
      tpu.vector_store %arg8[%swap3A_1714, %swap3A_1715, %swap3A_1716], %swap3A_1719 {strides = array<i32>} : memref<4x1x128xi32, #tpu.memory_space<vmem>>, vector<1x1x16xi32>,
      %gt3A_1720 = arith.constant 0 : i32
      %gt3A_1721 = arith.cmpi sgt, %scan3A_177, %gt3A_1720 : i32
      %convert_element_type3A_1722 = arith.extui %gt3A_1721 : i1 to i32
      %cond3A_1723 = arith.constant 0 : i32
      %cond3A_1724 = arith.cmpi ne, %convert_element_type3A_1722, %cond3A_1723 : i32
      scf.if %cond3A_1724 {
        %dma_wait3A_2319 = arith.constant 2 : i32
        %dma_wait3A_2320 = arith.constant 0 : i32
        %dma_wait3A_2321 = arith.constant 0 : i32
        %dma_wait3A_2322 = tpu.memref_slice %arg9[%dma_wait3A_2319, %dma_wait3A_2320, %dma_wait3A_2321] : memref<4x128x128xf32, #tpu.memory_space<vmem>> -> memref<1x128x128xf32, #tpu.memory_space<vmem>>
        %dma_wait3A_2323 = tpu.memref_squeeze %dma_wait3A_2322 : memref<1x128x128xf32, #tpu.memory_space<vmem>> -> memref<128x128xf32, #tpu.memory_space<vmem>>
        %dma_wait3A_2324 = arith.constant 0 : i32
        %dma_wait3A_2325 = arith.constant 0 : i32
        %dma_wait3A_2326 = tpu.memref_slice %arg5[%dma_wait3A_2324, %dma_wait3A_2325] : memref<819200x128xf32, #tpu.memory_space<hbm>> -> memref<128x128xf32, #tpu.memory_space<hbm>>
        %dma_wait3A_2327 = arith.constant 0 : i32
        %dma_wait3A_2328 = arith.constant 0 : i32
        %dma_wait3A_2329 = tpu.memref_slice %arg5[%dma_wait3A_2327, %dma_wait3A_2328] : memref<819200x128xf32, #tpu.memory_space<hbm>> -> memref<128x128xf32, #tpu.memory_space<hbm>>
        %dma_wait3A_2330 = arith.constant 0 : i32
        %dma_wait3A_2331 = arith.constant 0 : i32
        %dma_wait3A_2332 = tpu.memref_slice %arg9[%dma_wait3A_2319, %dma_wait3A_2330, %dma_wait3A_2331] : memref<4x128x128xf32, #tpu.memory_space<vmem>> -> memref<1x128x128xf32, #tpu.memory_space<vmem>>
        %dma_wait3A_2333 = tpu.memref_squeeze %dma_wait3A_2332 : memref<1x128x128xf32, #tpu.memory_space<vmem>> -> memref<128x128xf32, #tpu.memory_space<vmem>>
        tpu.wait_dma2 semaphore(%arg21 : memref<!tpu.dma_semaphore, #tpu.memory_space<semaphore_mem>>) src(%dma_wait3A_2333 : memref<128x128xf32, #tpu.memory_space<vmem>>) dst(%dma_wait3A_2329 : memref<128x128xf32, #tpu.memory_space<hbm>>)
      } else {
      }
      %dma_start3A_1725 = arith.constant 2 : i32
      %dma_start3A_1726 = arith.constant 0 : i32
      %dma_start3A_1727 = arith.constant 2 : i32
      %dma_start3A_1728 = arith.constant 0 : i32
      %dma_start3A_1729 = arith.constant 0 : i32
      %dma_start3A_1730 = tpu.memref_slice %arg9[%dma_start3A_1727, %dma_start3A_1728, %dma_start3A_1729] : memref<4x128x128xf32, #tpu.memory_space<vmem>> -> memref<1x128x128xf32, #tpu.memory_space<vmem>>
      %dma_start3A_1731 = tpu.memref_squeeze %dma_start3A_1730 : memref<1x128x128xf32, #tpu.memory_space<vmem>> -> memref<128x128xf32, #tpu.memory_space<vmem>>
      %dma_start3A_1732 = arith.constant 0 : i32
      %dma_start3A_1733 = tpu.memref_slice %arg8[%dma_start3A_1725, %dma_start3A_1726, %dma_start3A_1732] : memref<4x1x128xi32, #tpu.memory_space<vmem>> -> memref<1x1x128xi32, #tpu.memory_space<vmem>>
      %dma_start3A_1734 = tpu.memref_squeeze %dma_start3A_1733 : memref<1x1x128xi32, #tpu.memory_space<vmem>> -> memref<128xi32, #tpu.memory_space<vmem>>
      %dma_start3A_1735 = arith.constant 0 : i32
      %dma_start3A_1736 = arith.constant 0 : i32
      %dma_start3A_1737 = tpu.memref_slice %arg10[%dma_start3A_1735, %dma_start3A_1736] : memref<1792x128xf32, #tpu.memory_space<vmem_shared>> -> memref<1792x128xf32, #tpu.memory_space<vmem_shared>>
      tpu.enqueue_indirect_dma source(%dma_start3A_1737 : memref<1792x128xf32, #tpu.memory_space<vmem_shared>>) target(%dma_start3A_1731 : memref<128x128xf32, #tpu.memory_space<vmem>>) offsets(%dma_start3A_1734 : memref<128xi32, #tpu.memory_space<vmem>>) semaphore(%arg17 : memref<!tpu.dma_semaphore, #tpu.memory_space<semaphore_mem>>)
      %lt3A_1738 = arith.constant 49 : i32
      %lt3A_1739 = arith.cmpi slt, %scan3A_177, %lt3A_1738 : i32
      %convert_element_type3A_1740 = arith.extui %lt3A_1739 : i1 to i32
      %cond3A_1741 = arith.constant 0 : i32
      %cond3A_1742 = arith.cmpi ne, %convert_element_type3A_1740, %cond3A_1741 : i32
      scf.if %cond3A_1742 {
        %add3A_2319 = arith.constant 4 : i32
        %add3A_2320 = arith.addi %add3A_1233, %add3A_2319 : i32
        %mul3A_2321 = arith.constant 128 : i32
        %mul3A_2322 = arith.muli %add3A_2320, %mul3A_2321 : i32
        %add3A_2323 = arith.addi %mul3A_2, %mul3A_2322 : i32
        %dma_start3A_2324 = arith.constant 2 : i32
        %dma_start3A_2325 = arith.constant 0 : i32
        %dma_start3A_2326 = tpu.memref_slice %arg6[%dma_start3A_2324, %dma_start3A_2325] : memref<4x128xf32, #tpu.memory_space<vmem>> -> memref<1x128xf32, #tpu.memory_space<vmem>>
        %dma_start3A_2327 = tpu.memref_squeeze %dma_start3A_2326 : memref<1x128xf32, #tpu.memory_space<vmem>> -> memref<128xf32, #tpu.memory_space<vmem>>
        %dma_start3A_2328 = tpu.memref_slice %arg2[%add3A_2323] : memref<819200xf32, #tpu.memory_space<hbm>> -> memref<128xf32, #tpu.memory_space<hbm>>
        %dma_start3A_2329 = arith.constant 0 : i32
        %dma_start3A_2330 = tpu.memref_slice %arg6[%dma_start3A_2324, %dma_start3A_2329] : memref<4x128xf32, #tpu.memory_space<vmem>> -> memref<1x128xf32, #tpu.memory_space<vmem>>
        %dma_start3A_2331 = tpu.memref_squeeze %dma_start3A_2330 : memref<1x128xf32, #tpu.memory_space<vmem>> -> memref<128xf32, #tpu.memory_space<vmem>>
        %dma_start3A_2332 = tpu.memref_slice %arg2[%add3A_2323] : memref<819200xf32, #tpu.memory_space<hbm>> -> memref<128xf32, #tpu.memory_space<hbm>>
        tpu.enqueue_dma source(%dma_start3A_2332 : memref<128xf32, #tpu.memory_space<hbm>>) target(%dma_start3A_2331 : memref<128xf32, #tpu.memory_space<vmem>>) target_semaphore(%arg13 : memref<!tpu.dma_semaphore, #tpu.memory_space<semaphore_mem>>)
        %dma_start3A_2333 = arith.constant 2 : i32
        %dma_start3A_2334 = arith.constant 0 : i32
        %dma_start3A_2335 = tpu.memref_slice %arg7[%dma_start3A_2333, %dma_start3A_2334] : memref<4x128xf32, #tpu.memory_space<vmem>> -> memref<1x128xf32, #tpu.memory_space<vmem>>
        %dma_start3A_2336 = tpu.memref_squeeze %dma_start3A_2335 : memref<1x128xf32, #tpu.memory_space<vmem>> -> memref<128xf32, #tpu.memory_space<vmem>>
        %dma_start3A_2337 = tpu.memref_slice %arg3[%add3A_2323] : memref<819200xf32, #tpu.memory_space<hbm>> -> memref<128xf32, #tpu.memory_space<hbm>>
        %dma_start3A_2338 = arith.constant 0 : i32
        %dma_start3A_2339 = tpu.memref_slice %arg7[%dma_start3A_2333, %dma_start3A_2338] : memref<4x128xf32, #tpu.memory_space<vmem>> -> memref<1x128xf32, #tpu.memory_space<vmem>>
        %dma_start3A_2340 = tpu.memref_squeeze %dma_start3A_2339 : memref<1x128xf32, #tpu.memory_space<vmem>> -> memref<128xf32, #tpu.memory_space<vmem>>
        %dma_start3A_2341 = tpu.memref_slice %arg3[%add3A_2323] : memref<819200xf32, #tpu.memory_space<hbm>> -> memref<128xf32, #tpu.memory_space<hbm>>
        tpu.enqueue_dma source(%dma_start3A_2341 : memref<128xf32, #tpu.memory_space<hbm>>) target(%dma_start3A_2340 : memref<128xf32, #tpu.memory_space<vmem>>) target_semaphore(%arg13 : memref<!tpu.dma_semaphore, #tpu.memory_space<semaphore_mem>>)
      } else {
      }
      %dma_wait3A_1743 = arith.constant 1 : i32
      %dma_wait3A_1744 = arith.constant 0 : i32
      %dma_wait3A_1745 = arith.constant 1 : i32
      %dma_wait3A_1746 = arith.constant 0 : i32
      %dma_wait3A_1747 = arith.constant 0 : i32
      %dma_wait3A_1748 = tpu.memref_slice %arg9[%dma_wait3A_1745, %dma_wait3A_1746, %dma_wait3A_1747] : memref<4x128x128xf32, #tpu.memory_space<vmem>> -> memref<1x128x128xf32, #tpu.memory_space<vmem>>
      %dma_wait3A_1749 = tpu.memref_squeeze %dma_wait3A_1748 : memref<1x128x128xf32, #tpu.memory_space<vmem>> -> memref<128x128xf32, #tpu.memory_space<vmem>>
      %dma_wait3A_1750 = arith.constant 0 : i32
      %dma_wait3A_1751 = tpu.memref_slice %arg8[%dma_wait3A_1743, %dma_wait3A_1744, %dma_wait3A_1750] : memref<4x1x128xi32, #tpu.memory_space<vmem>> -> memref<1x1x128xi32, #tpu.memory_space<vmem>>
      %dma_wait3A_1752 = tpu.memref_squeeze %dma_wait3A_1751 : memref<1x1x128xi32, #tpu.memory_space<vmem>> -> memref<128xi32, #tpu.memory_space<vmem>>
      %dma_wait3A_1753 = arith.constant 0 : i32
      %dma_wait3A_1754 = arith.constant 0 : i32
      %dma_wait3A_1755 = tpu.memref_slice %arg10[%dma_wait3A_1753, %dma_wait3A_1754] : memref<1792x128xf32, #tpu.memory_space<vmem_shared>> -> memref<1792x128xf32, #tpu.memory_space<vmem_shared>>
      tpu.wait_indirect_dma semaphore(%arg16 : memref<!tpu.dma_semaphore, #tpu.memory_space<semaphore_mem>>) src(%dma_wait3A_1755 : memref<1792x128xf32, #tpu.memory_space<vmem_shared>>) dst(%dma_wait3A_1749 : memref<128x128xf32, #tpu.memory_space<vmem>>)
      %sub3A_1756 = arith.constant 1 : i32
      %sub3A_1757 = arith.subi %add3A_1233, %sub3A_1756 : i32
      %mul3A_1758 = arith.constant 128 : i32
      %mul3A_1759 = arith.muli %sub3A_1757, %mul3A_1758 : i32
      %add3A_1760 = arith.addi %mul3A_2, %mul3A_1759 : i32
      %dma_start3A_1761 = arith.constant 1 : i32
      %dma_start3A_1762 = arith.constant 0 : i32
      %dma_start3A_1763 = arith.constant 0 : i32
      %dma_start3A_1764 = tpu.memref_slice %arg9[%dma_start3A_1761, %dma_start3A_1762, %dma_start3A_1763] : memref<4x128x128xf32, #tpu.memory_space<vmem>> -> memref<1x128x128xf32, #tpu.memory_space<vmem>>
      %dma_start3A_1765 = tpu.memref_squeeze %dma_start3A_1764 : memref<1x128x128xf32, #tpu.memory_space<vmem>> -> memref<128x128xf32, #tpu.memory_space<vmem>>
      %dma_start3A_1766 = arith.constant 0 : i32
      %dma_start3A_1767 = tpu.memref_slice %arg5[%add3A_1760, %dma_start3A_1766] : memref<819200x128xf32, #tpu.memory_space<hbm>> -> memref<128x128xf32, #tpu.memory_space<hbm>>
      %dma_start3A_1768 = arith.constant 0 : i32
      %dma_start3A_1769 = tpu.memref_slice %arg5[%add3A_1760, %dma_start3A_1768] : memref<819200x128xf32, #tpu.memory_space<hbm>> -> memref<128x128xf32, #tpu.memory_space<hbm>>
      %dma_start3A_1770 = arith.constant 0 : i32
      %dma_start3A_1771 = arith.constant 0 : i32
      %dma_start3A_1772 = tpu.memref_slice %arg9[%dma_start3A_1761, %dma_start3A_1770, %dma_start3A_1771] : memref<4x128x128xf32, #tpu.memory_space<vmem>> -> memref<1x128x128xf32, #tpu.memory_space<vmem>>
      %dma_start3A_1773 = tpu.memref_squeeze %dma_start3A_1772 : memref<1x128x128xf32, #tpu.memory_space<vmem>> -> memref<128x128xf32, #tpu.memory_space<vmem>>
      tpu.enqueue_dma source(%dma_start3A_1773 : memref<128x128xf32, #tpu.memory_space<vmem>>) target(%dma_start3A_1769 : memref<128x128xf32, #tpu.memory_space<hbm>>) target_semaphore(%arg20 : memref<!tpu.dma_semaphore, #tpu.memory_space<semaphore_mem>>)
      %mul3A_1774 = arith.constant 4 : i32
      %mul3A_1775 = arith.muli %scan3A_177, %mul3A_1774 : i32
      %add3A_1776 = arith.constant 3 : i32
      %add3A_1777 = arith.addi %mul3A_1775, %add3A_1776 : i32
      %dma_wait3A_1778 = arith.constant 3 : i32
      %dma_wait3A_1779 = arith.constant 0 : i32
      %dma_wait3A_1780 = tpu.memref_slice %arg6[%dma_wait3A_1778, %dma_wait3A_1779] : memref<4x128xf32, #tpu.memory_space<vmem>> -> memref<1x128xf32, #tpu.memory_space<vmem>>
      %dma_wait3A_1781 = tpu.memref_squeeze %dma_wait3A_1780 : memref<1x128xf32, #tpu.memory_space<vmem>> -> memref<128xf32, #tpu.memory_space<vmem>>
      %dma_wait3A_1782 = arith.constant 0 : i32
      %dma_wait3A_1783 = tpu.memref_slice %arg2[%dma_wait3A_1782] : memref<819200xf32, #tpu.memory_space<hbm>> -> memref<128xf32, #tpu.memory_space<hbm>>
      %dma_wait3A_1784 = arith.constant 0 : i32
      %dma_wait3A_1785 = tpu.memref_slice %arg6[%dma_wait3A_1778, %dma_wait3A_1784] : memref<4x128xf32, #tpu.memory_space<vmem>> -> memref<1x128xf32, #tpu.memory_space<vmem>>
      %dma_wait3A_1786 = tpu.memref_squeeze %dma_wait3A_1785 : memref<1x128xf32, #tpu.memory_space<vmem>> -> memref<128xf32, #tpu.memory_space<vmem>>
      %dma_wait3A_1787 = arith.constant 0 : i32
      %dma_wait3A_1788 = tpu.memref_slice %arg2[%dma_wait3A_1787] : memref<819200xf32, #tpu.memory_space<hbm>> -> memref<128xf32, #tpu.memory_space<hbm>>
      tpu.wait_dma2 semaphore(%arg14 : memref<!tpu.dma_semaphore, #tpu.memory_space<semaphore_mem>>) src(%dma_wait3A_1788 : memref<128xf32, #tpu.memory_space<hbm>>) dst(%dma_wait3A_1786 : memref<128xf32, #tpu.memory_space<vmem>>)
      %dma_wait3A_1789 = arith.constant 3 : i32
      %dma_wait3A_1790 = arith.constant 0 : i32
      %dma_wait3A_1791 = tpu.memref_slice %arg7[%dma_wait3A_1789, %dma_wait3A_1790] : memref<4x128xf32, #tpu.memory_space<vmem>> -> memref<1x128xf32, #tpu.memory_space<vmem>>
      %dma_wait3A_1792 = tpu.memref_squeeze %dma_wait3A_1791 : memref<1x128xf32, #tpu.memory_space<vmem>> -> memref<128xf32, #tpu.memory_space<vmem>>
      %dma_wait3A_1793 = arith.constant 0 : i32
      %dma_wait3A_1794 = tpu.memref_slice %arg3[%dma_wait3A_1793] : memref<819200xf32, #tpu.memory_space<hbm>> -> memref<128xf32, #tpu.memory_space<hbm>>
      %dma_wait3A_1795 = arith.constant 0 : i32
      %dma_wait3A_1796 = tpu.memref_slice %arg7[%dma_wait3A_1789, %dma_wait3A_1795] : memref<4x128xf32, #tpu.memory_space<vmem>> -> memref<1x128xf32, #tpu.memory_space<vmem>>
      %dma_wait3A_1797 = tpu.memref_squeeze %dma_wait3A_1796 : memref<1x128xf32, #tpu.memory_space<vmem>> -> memref<128xf32, #tpu.memory_space<vmem>>
      %dma_wait3A_1798 = arith.constant 0 : i32
      %dma_wait3A_1799 = tpu.memref_slice %arg3[%dma_wait3A_1798] : memref<819200xf32, #tpu.memory_space<hbm>> -> memref<128xf32, #tpu.memory_space<hbm>>
      tpu.wait_dma2 semaphore(%arg14 : memref<!tpu.dma_semaphore, #tpu.memory_space<semaphore_mem>>) src(%dma_wait3A_1799 : memref<128xf32, #tpu.memory_space<hbm>>) dst(%dma_wait3A_1797 : memref<128xf32, #tpu.memory_space<vmem>>)
      %get3A_1800 = arith.constant 3 : i32
      %get3A_1801 = arith.index_cast %get3A_1800 : i32 to index
      %get3A_1802 = arith.constant 0 : index
      %get3A_1803 = tpu.vector_load %arg6[%get3A_1801, %get3A_1802] {strides = array<i32>} : memref<4x128xf32, #tpu.memory_space<vmem>>, vector<1x16xf32>,
      %get3A_1804 = vector.shape_cast %get3A_1803 : vector<1x16xf32> to vector<16xf32>
      %mul3A_1805 = arith.constant 2.550000e+02 : f32
      %mul3A_1806 = vector.broadcast %mul3A_1805 : f32 to vector<16xf32>
      %mul3A_1807 = arith.mulf %get3A_1804, %mul3A_1806 : vector<16xf32>
      %convert_element_type3A_1808 = arith.fptosi %mul3A_1807 : vector<16xf32> to vector<16xi32>
      %max3A_1809 = arith.constant 0 : i32
      %max3A_1810 = vector.broadcast %max3A_1809 : i32 to vector<16xi32>
      %max3A_1811 = arith.maxsi %convert_element_type3A_1808, %max3A_1810 : vector<16xi32>
      %min3A_1812 = arith.constant 255 : i32
      %min3A_1813 = vector.broadcast %min3A_1812 : i32 to vector<16xi32>
      %min3A_1814 = arith.minsi %max3A_1811, %min3A_1813 : vector<16xi32>
      %get3A_1815 = arith.constant 3 : i32
      %get3A_1816 = arith.index_cast %get3A_1815 : i32 to index
      %get3A_1817 = arith.constant 0 : index
      %get3A_1818 = tpu.vector_load %arg7[%get3A_1816, %get3A_1817] {strides = array<i32>} : memref<4x128xf32, #tpu.memory_space<vmem>>, vector<1x16xf32>,
      %get3A_1819 = vector.shape_cast %get3A_1818 : vector<1x16xf32> to vector<16xf32>
      %bitcast_convert_type3A_1820 = tpu.bitcast %get3A_1819 : vector<16xf32> -> vector<16xi32>
      %shift_right_logical3A_1821 = arith.constant 23 : i32
      %shift_right_logical3A_1822 = vector.broadcast %shift_right_logical3A_1821 : i32 to vector<16xi32>
      %shift_right_logical3A_1823 = arith.shrui %bitcast_convert_type3A_1820, %shift_right_logical3A_1822 : vector<16xi32>
      %and3A_1824 = arith.constant 255 : i32
      %and3A_1825 = vector.broadcast %and3A_1824 : i32 to vector<16xi32>
      %and3A_1826 = arith.andi %shift_right_logical3A_1823, %and3A_1825 : vector<16xi32>
      %and3A_1827 = arith.constant 8388607 : i32
      %and3A_1828 = vector.broadcast %and3A_1827 : i32 to vector<16xi32>
      %and3A_1829 = arith.andi %bitcast_convert_type3A_1820, %and3A_1828 : vector<16xi32>
      %eq3A_1830 = arith.constant 0 : i32
      %eq3A_1831 = vector.broadcast %eq3A_1830 : i32 to vector<16xi32>
      %eq3A_1832 = arith.cmpi eq, %and3A_1829, %eq3A_1831 : vector<16xi32>
      %sub3A_1833 = arith.constant 127 : i32
      %sub3A_1834 = vector.broadcast %sub3A_1833 : i32 to vector<16xi32>
      %sub3A_1835 = arith.subi %sub3A_1834, %and3A_1826 : vector<16xi32>
      %sub3A_1836 = arith.constant 126 : i32
      %sub3A_1837 = vector.broadcast %sub3A_1836 : i32 to vector<16xi32>
      %sub3A_1838 = arith.subi %sub3A_1837, %and3A_1826 : vector<16xi32>
      %select_n3A_1839 = arith.select %eq3A_1832, %sub3A_1835, %sub3A_1838 : vector<16xi1>, vector<16xi32>
      %max3A_1840 = arith.constant 0 : i32
      %max3A_1841 = vector.broadcast %max3A_1840 : i32 to vector<16xi32>
      %max3A_1842 = arith.maxsi %select_n3A_1839, %max3A_1841 : vector<16xi32>
      %min3A_1843 = arith.constant 6 : i32
      %min3A_1844 = vector.broadcast %min3A_1843 : i32 to vector<16xi32>
      %min3A_1845 = arith.minsi %max3A_1842, %min3A_1844 : vector<16xi32>
      %mul3A_1846 = arith.constant 256 : i32
      %mul3A_1847 = vector.broadcast %mul3A_1846 : i32 to vector<16xi32>
      %mul3A_1848 = arith.muli %min3A_1845, %mul3A_1847 : vector<16xi32>
      %add3A_1849 = arith.addi %mul3A_1848, %min3A_1814 : vector<16xi32>
      %swap3A_1850 = arith.constant 3 : i32
      %swap3A_1851 = arith.constant 0 : i32
      %swap3A_1852 = arith.index_cast %swap3A_1850 : i32 to index
      %swap3A_1853 = arith.index_cast %swap3A_1851 : i32 to index
      %swap3A_1854 = arith.constant 0 : index
      %swap3A_1855 = tpu.vector_load %arg8[%swap3A_1852, %swap3A_1853, %swap3A_1854] {strides = array<i32>} : memref<4x1x128xi32, #tpu.memory_space<vmem>>, vector<1x1x16xi32>,
      %swap3A_1856 = vector.shape_cast %swap3A_1855 : vector<1x1x16xi32> to vector<16xi32>
      %swap3A_1857 = vector.shape_cast %add3A_1849 : vector<16xi32> to vector<1x1x16xi32>
      tpu.vector_store %arg8[%swap3A_1852, %swap3A_1853, %swap3A_1854], %swap3A_1857 {strides = array<i32>} : memref<4x1x128xi32, #tpu.memory_space<vmem>>, vector<1x1x16xi32>,
      %get3A_1858 = arith.constant 3 : i32
      %get3A_1859 = arith.index_cast %get3A_1858 : i32 to index
      %get3A_1860 = arith.constant 16 : index
      %get3A_1861 = tpu.vector_load %arg6[%get3A_1859, %get3A_1860] {strides = array<i32>} : memref<4x128xf32, #tpu.memory_space<vmem>>, vector<1x16xf32>,
      %get3A_1862 = vector.shape_cast %get3A_1861 : vector<1x16xf32> to vector<16xf32>
      %mul3A_1863 = arith.constant 2.550000e+02 : f32
      %mul3A_1864 = vector.broadcast %mul3A_1863 : f32 to vector<16xf32>
      %mul3A_1865 = arith.mulf %get3A_1862, %mul3A_1864 : vector<16xf32>
      %convert_element_type3A_1866 = arith.fptosi %mul3A_1865 : vector<16xf32> to vector<16xi32>
      %max3A_1867 = arith.constant 0 : i32
      %max3A_1868 = vector.broadcast %max3A_1867 : i32 to vector<16xi32>
      %max3A_1869 = arith.maxsi %convert_element_type3A_1866, %max3A_1868 : vector<16xi32>
      %min3A_1870 = arith.constant 255 : i32
      %min3A_1871 = vector.broadcast %min3A_1870 : i32 to vector<16xi32>
      %min3A_1872 = arith.minsi %max3A_1869, %min3A_1871 : vector<16xi32>
      %get3A_1873 = arith.constant 3 : i32
      %get3A_1874 = arith.index_cast %get3A_1873 : i32 to index
      %get3A_1875 = arith.constant 16 : index
      %get3A_1876 = tpu.vector_load %arg7[%get3A_1874, %get3A_1875] {strides = array<i32>} : memref<4x128xf32, #tpu.memory_space<vmem>>, vector<1x16xf32>,
      %get3A_1877 = vector.shape_cast %get3A_1876 : vector<1x16xf32> to vector<16xf32>
      %bitcast_convert_type3A_1878 = tpu.bitcast %get3A_1877 : vector<16xf32> -> vector<16xi32>
      %shift_right_logical3A_1879 = arith.constant 23 : i32
      %shift_right_logical3A_1880 = vector.broadcast %shift_right_logical3A_1879 : i32 to vector<16xi32>
      %shift_right_logical3A_1881 = arith.shrui %bitcast_convert_type3A_1878, %shift_right_logical3A_1880 : vector<16xi32>
      %and3A_1882 = arith.constant 255 : i32
      %and3A_1883 = vector.broadcast %and3A_1882 : i32 to vector<16xi32>
      %and3A_1884 = arith.andi %shift_right_logical3A_1881, %and3A_1883 : vector<16xi32>
      %and3A_1885 = arith.constant 8388607 : i32
      %and3A_1886 = vector.broadcast %and3A_1885 : i32 to vector<16xi32>
      %and3A_1887 = arith.andi %bitcast_convert_type3A_1878, %and3A_1886 : vector<16xi32>
      %eq3A_1888 = arith.constant 0 : i32
      %eq3A_1889 = vector.broadcast %eq3A_1888 : i32 to vector<16xi32>
      %eq3A_1890 = arith.cmpi eq, %and3A_1887, %eq3A_1889 : vector<16xi32>
      %sub3A_1891 = arith.constant 127 : i32
      %sub3A_1892 = vector.broadcast %sub3A_1891 : i32 to vector<16xi32>
      %sub3A_1893 = arith.subi %sub3A_1892, %and3A_1884 : vector<16xi32>
      %sub3A_1894 = arith.constant 126 : i32
      %sub3A_1895 = vector.broadcast %sub3A_1894 : i32 to vector<16xi32>
      %sub3A_1896 = arith.subi %sub3A_1895, %and3A_1884 : vector<16xi32>
      %select_n3A_1897 = arith.select %eq3A_1890, %sub3A_1893, %sub3A_1896 : vector<16xi1>, vector<16xi32>
      %max3A_1898 = arith.constant 0 : i32
      %max3A_1899 = vector.broadcast %max3A_1898 : i32 to vector<16xi32>
      %max3A_1900 = arith.maxsi %select_n3A_1897, %max3A_1899 : vector<16xi32>
      %min3A_1901 = arith.constant 6 : i32
      %min3A_1902 = vector.broadcast %min3A_1901 : i32 to vector<16xi32>
      %min3A_1903 = arith.minsi %max3A_1900, %min3A_1902 : vector<16xi32>
      %mul3A_1904 = arith.constant 256 : i32
      %mul3A_1905 = vector.broadcast %mul3A_1904 : i32 to vector<16xi32>
      %mul3A_1906 = arith.muli %min3A_1903, %mul3A_1905 : vector<16xi32>
      %add3A_1907 = arith.addi %mul3A_1906, %min3A_1872 : vector<16xi32>
      %swap3A_1908 = arith.constant 3 : i32
      %swap3A_1909 = arith.constant 0 : i32
      %swap3A_1910 = arith.index_cast %swap3A_1908 : i32 to index
      %swap3A_1911 = arith.index_cast %swap3A_1909 : i32 to index
      %swap3A_1912 = arith.constant 16 : index
      %swap3A_1913 = tpu.vector_load %arg8[%swap3A_1910, %swap3A_1911, %swap3A_1912] {strides = array<i32>} : memref<4x1x128xi32, #tpu.memory_space<vmem>>, vector<1x1x16xi32>,
      %swap3A_1914 = vector.shape_cast %swap3A_1913 : vector<1x1x16xi32> to vector<16xi32>
      %swap3A_1915 = vector.shape_cast %add3A_1907 : vector<16xi32> to vector<1x1x16xi32>
      tpu.vector_store %arg8[%swap3A_1910, %swap3A_1911, %swap3A_1912], %swap3A_1915 {strides = array<i32>} : memref<4x1x128xi32, #tpu.memory_space<vmem>>, vector<1x1x16xi32>,
      %get3A_1916 = arith.constant 3 : i32
      %get3A_1917 = arith.index_cast %get3A_1916 : i32 to index
      %get3A_1918 = arith.constant 32 : index
      %get3A_1919 = tpu.vector_load %arg6[%get3A_1917, %get3A_1918] {strides = array<i32>} : memref<4x128xf32, #tpu.memory_space<vmem>>, vector<1x16xf32>,
      %get3A_1920 = vector.shape_cast %get3A_1919 : vector<1x16xf32> to vector<16xf32>
      %mul3A_1921 = arith.constant 2.550000e+02 : f32
      %mul3A_1922 = vector.broadcast %mul3A_1921 : f32 to vector<16xf32>
      %mul3A_1923 = arith.mulf %get3A_1920, %mul3A_1922 : vector<16xf32>
      %convert_element_type3A_1924 = arith.fptosi %mul3A_1923 : vector<16xf32> to vector<16xi32>
      %max3A_1925 = arith.constant 0 : i32
      %max3A_1926 = vector.broadcast %max3A_1925 : i32 to vector<16xi32>
      %max3A_1927 = arith.maxsi %convert_element_type3A_1924, %max3A_1926 : vector<16xi32>
      %min3A_1928 = arith.constant 255 : i32
      %min3A_1929 = vector.broadcast %min3A_1928 : i32 to vector<16xi32>
      %min3A_1930 = arith.minsi %max3A_1927, %min3A_1929 : vector<16xi32>
      %get3A_1931 = arith.constant 3 : i32
      %get3A_1932 = arith.index_cast %get3A_1931 : i32 to index
      %get3A_1933 = arith.constant 32 : index
      %get3A_1934 = tpu.vector_load %arg7[%get3A_1932, %get3A_1933] {strides = array<i32>} : memref<4x128xf32, #tpu.memory_space<vmem>>, vector<1x16xf32>,
      %get3A_1935 = vector.shape_cast %get3A_1934 : vector<1x16xf32> to vector<16xf32>
      %bitcast_convert_type3A_1936 = tpu.bitcast %get3A_1935 : vector<16xf32> -> vector<16xi32>
      %shift_right_logical3A_1937 = arith.constant 23 : i32
      %shift_right_logical3A_1938 = vector.broadcast %shift_right_logical3A_1937 : i32 to vector<16xi32>
      %shift_right_logical3A_1939 = arith.shrui %bitcast_convert_type3A_1936, %shift_right_logical3A_1938 : vector<16xi32>
      %and3A_1940 = arith.constant 255 : i32
      %and3A_1941 = vector.broadcast %and3A_1940 : i32 to vector<16xi32>
      %and3A_1942 = arith.andi %shift_right_logical3A_1939, %and3A_1941 : vector<16xi32>
      %and3A_1943 = arith.constant 8388607 : i32
      %and3A_1944 = vector.broadcast %and3A_1943 : i32 to vector<16xi32>
      %and3A_1945 = arith.andi %bitcast_convert_type3A_1936, %and3A_1944 : vector<16xi32>
      %eq3A_1946 = arith.constant 0 : i32
      %eq3A_1947 = vector.broadcast %eq3A_1946 : i32 to vector<16xi32>
      %eq3A_1948 = arith.cmpi eq, %and3A_1945, %eq3A_1947 : vector<16xi32>
      %sub3A_1949 = arith.constant 127 : i32
      %sub3A_1950 = vector.broadcast %sub3A_1949 : i32 to vector<16xi32>
      %sub3A_1951 = arith.subi %sub3A_1950, %and3A_1942 : vector<16xi32>
      %sub3A_1952 = arith.constant 126 : i32
      %sub3A_1953 = vector.broadcast %sub3A_1952 : i32 to vector<16xi32>
      %sub3A_1954 = arith.subi %sub3A_1953, %and3A_1942 : vector<16xi32>
      %select_n3A_1955 = arith.select %eq3A_1948, %sub3A_1951, %sub3A_1954 : vector<16xi1>, vector<16xi32>
      %max3A_1956 = arith.constant 0 : i32
      %max3A_1957 = vector.broadcast %max3A_1956 : i32 to vector<16xi32>
      %max3A_1958 = arith.maxsi %select_n3A_1955, %max3A_1957 : vector<16xi32>
      %min3A_1959 = arith.constant 6 : i32
      %min3A_1960 = vector.broadcast %min3A_1959 : i32 to vector<16xi32>
      %min3A_1961 = arith.minsi %max3A_1958, %min3A_1960 : vector<16xi32>
      %mul3A_1962 = arith.constant 256 : i32
      %mul3A_1963 = vector.broadcast %mul3A_1962 : i32 to vector<16xi32>
      %mul3A_1964 = arith.muli %min3A_1961, %mul3A_1963 : vector<16xi32>
      %add3A_1965 = arith.addi %mul3A_1964, %min3A_1930 : vector<16xi32>
      %swap3A_1966 = arith.constant 3 : i32
      %swap3A_1967 = arith.constant 0 : i32
      %swap3A_1968 = arith.index_cast %swap3A_1966 : i32 to index
      %swap3A_1969 = arith.index_cast %swap3A_1967 : i32 to index
      %swap3A_1970 = arith.constant 32 : index
      %swap3A_1971 = tpu.vector_load %arg8[%swap3A_1968, %swap3A_1969, %swap3A_1970] {strides = array<i32>} : memref<4x1x128xi32, #tpu.memory_space<vmem>>, vector<1x1x16xi32>,
      %swap3A_1972 = vector.shape_cast %swap3A_1971 : vector<1x1x16xi32> to vector<16xi32>
      %swap3A_1973 = vector.shape_cast %add3A_1965 : vector<16xi32> to vector<1x1x16xi32>
      tpu.vector_store %arg8[%swap3A_1968, %swap3A_1969, %swap3A_1970], %swap3A_1973 {strides = array<i32>} : memref<4x1x128xi32, #tpu.memory_space<vmem>>, vector<1x1x16xi32>,
      %get3A_1974 = arith.constant 3 : i32
      %get3A_1975 = arith.index_cast %get3A_1974 : i32 to index
      %get3A_1976 = arith.constant 48 : index
      %get3A_1977 = tpu.vector_load %arg6[%get3A_1975, %get3A_1976] {strides = array<i32>} : memref<4x128xf32, #tpu.memory_space<vmem>>, vector<1x16xf32>,
      %get3A_1978 = vector.shape_cast %get3A_1977 : vector<1x16xf32> to vector<16xf32>
      %mul3A_1979 = arith.constant 2.550000e+02 : f32
      %mul3A_1980 = vector.broadcast %mul3A_1979 : f32 to vector<16xf32>
      %mul3A_1981 = arith.mulf %get3A_1978, %mul3A_1980 : vector<16xf32>
      %convert_element_type3A_1982 = arith.fptosi %mul3A_1981 : vector<16xf32> to vector<16xi32>
      %max3A_1983 = arith.constant 0 : i32
      %max3A_1984 = vector.broadcast %max3A_1983 : i32 to vector<16xi32>
      %max3A_1985 = arith.maxsi %convert_element_type3A_1982, %max3A_1984 : vector<16xi32>
      %min3A_1986 = arith.constant 255 : i32
      %min3A_1987 = vector.broadcast %min3A_1986 : i32 to vector<16xi32>
      %min3A_1988 = arith.minsi %max3A_1985, %min3A_1987 : vector<16xi32>
      %get3A_1989 = arith.constant 3 : i32
      %get3A_1990 = arith.index_cast %get3A_1989 : i32 to index
      %get3A_1991 = arith.constant 48 : index
      %get3A_1992 = tpu.vector_load %arg7[%get3A_1990, %get3A_1991] {strides = array<i32>} : memref<4x128xf32, #tpu.memory_space<vmem>>, vector<1x16xf32>,
      %get3A_1993 = vector.shape_cast %get3A_1992 : vector<1x16xf32> to vector<16xf32>
      %bitcast_convert_type3A_1994 = tpu.bitcast %get3A_1993 : vector<16xf32> -> vector<16xi32>
      %shift_right_logical3A_1995 = arith.constant 23 : i32
      %shift_right_logical3A_1996 = vector.broadcast %shift_right_logical3A_1995 : i32 to vector<16xi32>
      %shift_right_logical3A_1997 = arith.shrui %bitcast_convert_type3A_1994, %shift_right_logical3A_1996 : vector<16xi32>
      %and3A_1998 = arith.constant 255 : i32
      %and3A_1999 = vector.broadcast %and3A_1998 : i32 to vector<16xi32>
      %and3A_2000 = arith.andi %shift_right_logical3A_1997, %and3A_1999 : vector<16xi32>
      %and3A_2001 = arith.constant 8388607 : i32
      %and3A_2002 = vector.broadcast %and3A_2001 : i32 to vector<16xi32>
      %and3A_2003 = arith.andi %bitcast_convert_type3A_1994, %and3A_2002 : vector<16xi32>
      %eq3A_2004 = arith.constant 0 : i32
      %eq3A_2005 = vector.broadcast %eq3A_2004 : i32 to vector<16xi32>
      %eq3A_2006 = arith.cmpi eq, %and3A_2003, %eq3A_2005 : vector<16xi32>
      %sub3A_2007 = arith.constant 127 : i32
      %sub3A_2008 = vector.broadcast %sub3A_2007 : i32 to vector<16xi32>
      %sub3A_2009 = arith.subi %sub3A_2008, %and3A_2000 : vector<16xi32>
      %sub3A_2010 = arith.constant 126 : i32
      %sub3A_2011 = vector.broadcast %sub3A_2010 : i32 to vector<16xi32>
      %sub3A_2012 = arith.subi %sub3A_2011, %and3A_2000 : vector<16xi32>
      %select_n3A_2013 = arith.select %eq3A_2006, %sub3A_2009, %sub3A_2012 : vector<16xi1>, vector<16xi32>
      %max3A_2014 = arith.constant 0 : i32
      %max3A_2015 = vector.broadcast %max3A_2014 : i32 to vector<16xi32>
      %max3A_2016 = arith.maxsi %select_n3A_2013, %max3A_2015 : vector<16xi32>
      %min3A_2017 = arith.constant 6 : i32
      %min3A_2018 = vector.broadcast %min3A_2017 : i32 to vector<16xi32>
      %min3A_2019 = arith.minsi %max3A_2016, %min3A_2018 : vector<16xi32>
      %mul3A_2020 = arith.constant 256 : i32
      %mul3A_2021 = vector.broadcast %mul3A_2020 : i32 to vector<16xi32>
      %mul3A_2022 = arith.muli %min3A_2019, %mul3A_2021 : vector<16xi32>
      %add3A_2023 = arith.addi %mul3A_2022, %min3A_1988 : vector<16xi32>
      %swap3A_2024 = arith.constant 3 : i32
      %swap3A_2025 = arith.constant 0 : i32
      %swap3A_2026 = arith.index_cast %swap3A_2024 : i32 to index
      %swap3A_2027 = arith.index_cast %swap3A_2025 : i32 to index
      %swap3A_2028 = arith.constant 48 : index
      %swap3A_2029 = tpu.vector_load %arg8[%swap3A_2026, %swap3A_2027, %swap3A_2028] {strides = array<i32>} : memref<4x1x128xi32, #tpu.memory_space<vmem>>, vector<1x1x16xi32>,
      %swap3A_2030 = vector.shape_cast %swap3A_2029 : vector<1x1x16xi32> to vector<16xi32>
      %swap3A_2031 = vector.shape_cast %add3A_2023 : vector<16xi32> to vector<1x1x16xi32>
      tpu.vector_store %arg8[%swap3A_2026, %swap3A_2027, %swap3A_2028], %swap3A_2031 {strides = array<i32>} : memref<4x1x128xi32, #tpu.memory_space<vmem>>, vector<1x1x16xi32>,
      %get3A_2032 = arith.constant 3 : i32
      %get3A_2033 = arith.index_cast %get3A_2032 : i32 to index
      %get3A_2034 = arith.constant 64 : index
      %get3A_2035 = tpu.vector_load %arg6[%get3A_2033, %get3A_2034] {strides = array<i32>} : memref<4x128xf32, #tpu.memory_space<vmem>>, vector<1x16xf32>,
      %get3A_2036 = vector.shape_cast %get3A_2035 : vector<1x16xf32> to vector<16xf32>
      %mul3A_2037 = arith.constant 2.550000e+02 : f32
      %mul3A_2038 = vector.broadcast %mul3A_2037 : f32 to vector<16xf32>
      %mul3A_2039 = arith.mulf %get3A_2036, %mul3A_2038 : vector<16xf32>
      %convert_element_type3A_2040 = arith.fptosi %mul3A_2039 : vector<16xf32> to vector<16xi32>
      %max3A_2041 = arith.constant 0 : i32
      %max3A_2042 = vector.broadcast %max3A_2041 : i32 to vector<16xi32>
      %max3A_2043 = arith.maxsi %convert_element_type3A_2040, %max3A_2042 : vector<16xi32>
      %min3A_2044 = arith.constant 255 : i32
      %min3A_2045 = vector.broadcast %min3A_2044 : i32 to vector<16xi32>
      %min3A_2046 = arith.minsi %max3A_2043, %min3A_2045 : vector<16xi32>
      %get3A_2047 = arith.constant 3 : i32
      %get3A_2048 = arith.index_cast %get3A_2047 : i32 to index
      %get3A_2049 = arith.constant 64 : index
      %get3A_2050 = tpu.vector_load %arg7[%get3A_2048, %get3A_2049] {strides = array<i32>} : memref<4x128xf32, #tpu.memory_space<vmem>>, vector<1x16xf32>,
      %get3A_2051 = vector.shape_cast %get3A_2050 : vector<1x16xf32> to vector<16xf32>
      %bitcast_convert_type3A_2052 = tpu.bitcast %get3A_2051 : vector<16xf32> -> vector<16xi32>
      %shift_right_logical3A_2053 = arith.constant 23 : i32
      %shift_right_logical3A_2054 = vector.broadcast %shift_right_logical3A_2053 : i32 to vector<16xi32>
      %shift_right_logical3A_2055 = arith.shrui %bitcast_convert_type3A_2052, %shift_right_logical3A_2054 : vector<16xi32>
      %and3A_2056 = arith.constant 255 : i32
      %and3A_2057 = vector.broadcast %and3A_2056 : i32 to vector<16xi32>
      %and3A_2058 = arith.andi %shift_right_logical3A_2055, %and3A_2057 : vector<16xi32>
      %and3A_2059 = arith.constant 8388607 : i32
      %and3A_2060 = vector.broadcast %and3A_2059 : i32 to vector<16xi32>
      %and3A_2061 = arith.andi %bitcast_convert_type3A_2052, %and3A_2060 : vector<16xi32>
      %eq3A_2062 = arith.constant 0 : i32
      %eq3A_2063 = vector.broadcast %eq3A_2062 : i32 to vector<16xi32>
      %eq3A_2064 = arith.cmpi eq, %and3A_2061, %eq3A_2063 : vector<16xi32>
      %sub3A_2065 = arith.constant 127 : i32
      %sub3A_2066 = vector.broadcast %sub3A_2065 : i32 to vector<16xi32>
      %sub3A_2067 = arith.subi %sub3A_2066, %and3A_2058 : vector<16xi32>
      %sub3A_2068 = arith.constant 126 : i32
      %sub3A_2069 = vector.broadcast %sub3A_2068 : i32 to vector<16xi32>
      %sub3A_2070 = arith.subi %sub3A_2069, %and3A_2058 : vector<16xi32>
      %select_n3A_2071 = arith.select %eq3A_2064, %sub3A_2067, %sub3A_2070 : vector<16xi1>, vector<16xi32>
      %max3A_2072 = arith.constant 0 : i32
      %max3A_2073 = vector.broadcast %max3A_2072 : i32 to vector<16xi32>
      %max3A_2074 = arith.maxsi %select_n3A_2071, %max3A_2073 : vector<16xi32>
      %min3A_2075 = arith.constant 6 : i32
      %min3A_2076 = vector.broadcast %min3A_2075 : i32 to vector<16xi32>
      %min3A_2077 = arith.minsi %max3A_2074, %min3A_2076 : vector<16xi32>
      %mul3A_2078 = arith.constant 256 : i32
      %mul3A_2079 = vector.broadcast %mul3A_2078 : i32 to vector<16xi32>
      %mul3A_2080 = arith.muli %min3A_2077, %mul3A_2079 : vector<16xi32>
      %add3A_2081 = arith.addi %mul3A_2080, %min3A_2046 : vector<16xi32>
      %swap3A_2082 = arith.constant 3 : i32
      %swap3A_2083 = arith.constant 0 : i32
      %swap3A_2084 = arith.index_cast %swap3A_2082 : i32 to index
      %swap3A_2085 = arith.index_cast %swap3A_2083 : i32 to index
      %swap3A_2086 = arith.constant 64 : index
      %swap3A_2087 = tpu.vector_load %arg8[%swap3A_2084, %swap3A_2085, %swap3A_2086] {strides = array<i32>} : memref<4x1x128xi32, #tpu.memory_space<vmem>>, vector<1x1x16xi32>,
      %swap3A_2088 = vector.shape_cast %swap3A_2087 : vector<1x1x16xi32> to vector<16xi32>
      %swap3A_2089 = vector.shape_cast %add3A_2081 : vector<16xi32> to vector<1x1x16xi32>
      tpu.vector_store %arg8[%swap3A_2084, %swap3A_2085, %swap3A_2086], %swap3A_2089 {strides = array<i32>} : memref<4x1x128xi32, #tpu.memory_space<vmem>>, vector<1x1x16xi32>,
      %get3A_2090 = arith.constant 3 : i32
      %get3A_2091 = arith.index_cast %get3A_2090 : i32 to index
      %get3A_2092 = arith.constant 80 : index
      %get3A_2093 = tpu.vector_load %arg6[%get3A_2091, %get3A_2092] {strides = array<i32>} : memref<4x128xf32, #tpu.memory_space<vmem>>, vector<1x16xf32>,
      %get3A_2094 = vector.shape_cast %get3A_2093 : vector<1x16xf32> to vector<16xf32>
      %mul3A_2095 = arith.constant 2.550000e+02 : f32
      %mul3A_2096 = vector.broadcast %mul3A_2095 : f32 to vector<16xf32>
      %mul3A_2097 = arith.mulf %get3A_2094, %mul3A_2096 : vector<16xf32>
      %convert_element_type3A_2098 = arith.fptosi %mul3A_2097 : vector<16xf32> to vector<16xi32>
      %max3A_2099 = arith.constant 0 : i32
      %max3A_2100 = vector.broadcast %max3A_2099 : i32 to vector<16xi32>
      %max3A_2101 = arith.maxsi %convert_element_type3A_2098, %max3A_2100 : vector<16xi32>
      %min3A_2102 = arith.constant 255 : i32
      %min3A_2103 = vector.broadcast %min3A_2102 : i32 to vector<16xi32>
      %min3A_2104 = arith.minsi %max3A_2101, %min3A_2103 : vector<16xi32>
      %get3A_2105 = arith.constant 3 : i32
      %get3A_2106 = arith.index_cast %get3A_2105 : i32 to index
      %get3A_2107 = arith.constant 80 : index
      %get3A_2108 = tpu.vector_load %arg7[%get3A_2106, %get3A_2107] {strides = array<i32>} : memref<4x128xf32, #tpu.memory_space<vmem>>, vector<1x16xf32>,
      %get3A_2109 = vector.shape_cast %get3A_2108 : vector<1x16xf32> to vector<16xf32>
      %bitcast_convert_type3A_2110 = tpu.bitcast %get3A_2109 : vector<16xf32> -> vector<16xi32>
      %shift_right_logical3A_2111 = arith.constant 23 : i32
      %shift_right_logical3A_2112 = vector.broadcast %shift_right_logical3A_2111 : i32 to vector<16xi32>
      %shift_right_logical3A_2113 = arith.shrui %bitcast_convert_type3A_2110, %shift_right_logical3A_2112 : vector<16xi32>
      %and3A_2114 = arith.constant 255 : i32
      %and3A_2115 = vector.broadcast %and3A_2114 : i32 to vector<16xi32>
      %and3A_2116 = arith.andi %shift_right_logical3A_2113, %and3A_2115 : vector<16xi32>
      %and3A_2117 = arith.constant 8388607 : i32
      %and3A_2118 = vector.broadcast %and3A_2117 : i32 to vector<16xi32>
      %and3A_2119 = arith.andi %bitcast_convert_type3A_2110, %and3A_2118 : vector<16xi32>
      %eq3A_2120 = arith.constant 0 : i32
      %eq3A_2121 = vector.broadcast %eq3A_2120 : i32 to vector<16xi32>
      %eq3A_2122 = arith.cmpi eq, %and3A_2119, %eq3A_2121 : vector<16xi32>
      %sub3A_2123 = arith.constant 127 : i32
      %sub3A_2124 = vector.broadcast %sub3A_2123 : i32 to vector<16xi32>
      %sub3A_2125 = arith.subi %sub3A_2124, %and3A_2116 : vector<16xi32>
      %sub3A_2126 = arith.constant 126 : i32
      %sub3A_2127 = vector.broadcast %sub3A_2126 : i32 to vector<16xi32>
      %sub3A_2128 = arith.subi %sub3A_2127, %and3A_2116 : vector<16xi32>
      %select_n3A_2129 = arith.select %eq3A_2122, %sub3A_2125, %sub3A_2128 : vector<16xi1>, vector<16xi32>
      %max3A_2130 = arith.constant 0 : i32
      %max3A_2131 = vector.broadcast %max3A_2130 : i32 to vector<16xi32>
      %max3A_2132 = arith.maxsi %select_n3A_2129, %max3A_2131 : vector<16xi32>
      %min3A_2133 = arith.constant 6 : i32
      %min3A_2134 = vector.broadcast %min3A_2133 : i32 to vector<16xi32>
      %min3A_2135 = arith.minsi %max3A_2132, %min3A_2134 : vector<16xi32>
      %mul3A_2136 = arith.constant 256 : i32
      %mul3A_2137 = vector.broadcast %mul3A_2136 : i32 to vector<16xi32>
      %mul3A_2138 = arith.muli %min3A_2135, %mul3A_2137 : vector<16xi32>
      %add3A_2139 = arith.addi %mul3A_2138, %min3A_2104 : vector<16xi32>
      %swap3A_2140 = arith.constant 3 : i32
      %swap3A_2141 = arith.constant 0 : i32
      %swap3A_2142 = arith.index_cast %swap3A_2140 : i32 to index
      %swap3A_2143 = arith.index_cast %swap3A_2141 : i32 to index
      %swap3A_2144 = arith.constant 80 : index
      %swap3A_2145 = tpu.vector_load %arg8[%swap3A_2142, %swap3A_2143, %swap3A_2144] {strides = array<i32>} : memref<4x1x128xi32, #tpu.memory_space<vmem>>, vector<1x1x16xi32>,
      %swap3A_2146 = vector.shape_cast %swap3A_2145 : vector<1x1x16xi32> to vector<16xi32>
      %swap3A_2147 = vector.shape_cast %add3A_2139 : vector<16xi32> to vector<1x1x16xi32>
      tpu.vector_store %arg8[%swap3A_2142, %swap3A_2143, %swap3A_2144], %swap3A_2147 {strides = array<i32>} : memref<4x1x128xi32, #tpu.memory_space<vmem>>, vector<1x1x16xi32>,
      %get3A_2148 = arith.constant 3 : i32
      %get3A_2149 = arith.index_cast %get3A_2148 : i32 to index
      %get3A_2150 = arith.constant 96 : index
      %get3A_2151 = tpu.vector_load %arg6[%get3A_2149, %get3A_2150] {strides = array<i32>} : memref<4x128xf32, #tpu.memory_space<vmem>>, vector<1x16xf32>,
      %get3A_2152 = vector.shape_cast %get3A_2151 : vector<1x16xf32> to vector<16xf32>
      %mul3A_2153 = arith.constant 2.550000e+02 : f32
      %mul3A_2154 = vector.broadcast %mul3A_2153 : f32 to vector<16xf32>
      %mul3A_2155 = arith.mulf %get3A_2152, %mul3A_2154 : vector<16xf32>
      %convert_element_type3A_2156 = arith.fptosi %mul3A_2155 : vector<16xf32> to vector<16xi32>
      %max3A_2157 = arith.constant 0 : i32
      %max3A_2158 = vector.broadcast %max3A_2157 : i32 to vector<16xi32>
      %max3A_2159 = arith.maxsi %convert_element_type3A_2156, %max3A_2158 : vector<16xi32>
      %min3A_2160 = arith.constant 255 : i32
      %min3A_2161 = vector.broadcast %min3A_2160 : i32 to vector<16xi32>
      %min3A_2162 = arith.minsi %max3A_2159, %min3A_2161 : vector<16xi32>
      %get3A_2163 = arith.constant 3 : i32
      %get3A_2164 = arith.index_cast %get3A_2163 : i32 to index
      %get3A_2165 = arith.constant 96 : index
      %get3A_2166 = tpu.vector_load %arg7[%get3A_2164, %get3A_2165] {strides = array<i32>} : memref<4x128xf32, #tpu.memory_space<vmem>>, vector<1x16xf32>,
      %get3A_2167 = vector.shape_cast %get3A_2166 : vector<1x16xf32> to vector<16xf32>
      %bitcast_convert_type3A_2168 = tpu.bitcast %get3A_2167 : vector<16xf32> -> vector<16xi32>
      %shift_right_logical3A_2169 = arith.constant 23 : i32
      %shift_right_logical3A_2170 = vector.broadcast %shift_right_logical3A_2169 : i32 to vector<16xi32>
      %shift_right_logical3A_2171 = arith.shrui %bitcast_convert_type3A_2168, %shift_right_logical3A_2170 : vector<16xi32>
      %and3A_2172 = arith.constant 255 : i32
      %and3A_2173 = vector.broadcast %and3A_2172 : i32 to vector<16xi32>
      %and3A_2174 = arith.andi %shift_right_logical3A_2171, %and3A_2173 : vector<16xi32>
      %and3A_2175 = arith.constant 8388607 : i32
      %and3A_2176 = vector.broadcast %and3A_2175 : i32 to vector<16xi32>
      %and3A_2177 = arith.andi %bitcast_convert_type3A_2168, %and3A_2176 : vector<16xi32>
      %eq3A_2178 = arith.constant 0 : i32
      %eq3A_2179 = vector.broadcast %eq3A_2178 : i32 to vector<16xi32>
      %eq3A_2180 = arith.cmpi eq, %and3A_2177, %eq3A_2179 : vector<16xi32>
      %sub3A_2181 = arith.constant 127 : i32
      %sub3A_2182 = vector.broadcast %sub3A_2181 : i32 to vector<16xi32>
      %sub3A_2183 = arith.subi %sub3A_2182, %and3A_2174 : vector<16xi32>
      %sub3A_2184 = arith.constant 126 : i32
      %sub3A_2185 = vector.broadcast %sub3A_2184 : i32 to vector<16xi32>
      %sub3A_2186 = arith.subi %sub3A_2185, %and3A_2174 : vector<16xi32>
      %select_n3A_2187 = arith.select %eq3A_2180, %sub3A_2183, %sub3A_2186 : vector<16xi1>, vector<16xi32>
      %max3A_2188 = arith.constant 0 : i32
      %max3A_2189 = vector.broadcast %max3A_2188 : i32 to vector<16xi32>
      %max3A_2190 = arith.maxsi %select_n3A_2187, %max3A_2189 : vector<16xi32>
      %min3A_2191 = arith.constant 6 : i32
      %min3A_2192 = vector.broadcast %min3A_2191 : i32 to vector<16xi32>
      %min3A_2193 = arith.minsi %max3A_2190, %min3A_2192 : vector<16xi32>
      %mul3A_2194 = arith.constant 256 : i32
      %mul3A_2195 = vector.broadcast %mul3A_2194 : i32 to vector<16xi32>
      %mul3A_2196 = arith.muli %min3A_2193, %mul3A_2195 : vector<16xi32>
      %add3A_2197 = arith.addi %mul3A_2196, %min3A_2162 : vector<16xi32>
      %swap3A_2198 = arith.constant 3 : i32
      %swap3A_2199 = arith.constant 0 : i32
      %swap3A_2200 = arith.index_cast %swap3A_2198 : i32 to index
      %swap3A_2201 = arith.index_cast %swap3A_2199 : i32 to index
      %swap3A_2202 = arith.constant 96 : index
      %swap3A_2203 = tpu.vector_load %arg8[%swap3A_2200, %swap3A_2201, %swap3A_2202] {strides = array<i32>} : memref<4x1x128xi32, #tpu.memory_space<vmem>>, vector<1x1x16xi32>,
      %swap3A_2204 = vector.shape_cast %swap3A_2203 : vector<1x1x16xi32> to vector<16xi32>
      %swap3A_2205 = vector.shape_cast %add3A_2197 : vector<16xi32> to vector<1x1x16xi32>
      tpu.vector_store %arg8[%swap3A_2200, %swap3A_2201, %swap3A_2202], %swap3A_2205 {strides = array<i32>} : memref<4x1x128xi32, #tpu.memory_space<vmem>>, vector<1x1x16xi32>,
      %get3A_2206 = arith.constant 3 : i32
      %get3A_2207 = arith.index_cast %get3A_2206 : i32 to index
      %get3A_2208 = arith.constant 112 : index
      %get3A_2209 = tpu.vector_load %arg6[%get3A_2207, %get3A_2208] {strides = array<i32>} : memref<4x128xf32, #tpu.memory_space<vmem>>, vector<1x16xf32>,
      %get3A_2210 = vector.shape_cast %get3A_2209 : vector<1x16xf32> to vector<16xf32>
      %mul3A_2211 = arith.constant 2.550000e+02 : f32
      %mul3A_2212 = vector.broadcast %mul3A_2211 : f32 to vector<16xf32>
      %mul3A_2213 = arith.mulf %get3A_2210, %mul3A_2212 : vector<16xf32>
      %convert_element_type3A_2214 = arith.fptosi %mul3A_2213 : vector<16xf32> to vector<16xi32>
      %max3A_2215 = arith.constant 0 : i32
      %max3A_2216 = vector.broadcast %max3A_2215 : i32 to vector<16xi32>
      %max3A_2217 = arith.maxsi %convert_element_type3A_2214, %max3A_2216 : vector<16xi32>
      %min3A_2218 = arith.constant 255 : i32
      %min3A_2219 = vector.broadcast %min3A_2218 : i32 to vector<16xi32>
      %min3A_2220 = arith.minsi %max3A_2217, %min3A_2219 : vector<16xi32>
      %get3A_2221 = arith.constant 3 : i32
      %get3A_2222 = arith.index_cast %get3A_2221 : i32 to index
      %get3A_2223 = arith.constant 112 : index
      %get3A_2224 = tpu.vector_load %arg7[%get3A_2222, %get3A_2223] {strides = array<i32>} : memref<4x128xf32, #tpu.memory_space<vmem>>, vector<1x16xf32>,
      %get3A_2225 = vector.shape_cast %get3A_2224 : vector<1x16xf32> to vector<16xf32>
      %bitcast_convert_type3A_2226 = tpu.bitcast %get3A_2225 : vector<16xf32> -> vector<16xi32>
      %shift_right_logical3A_2227 = arith.constant 23 : i32
      %shift_right_logical3A_2228 = vector.broadcast %shift_right_logical3A_2227 : i32 to vector<16xi32>
      %shift_right_logical3A_2229 = arith.shrui %bitcast_convert_type3A_2226, %shift_right_logical3A_2228 : vector<16xi32>
      %and3A_2230 = arith.constant 255 : i32
      %and3A_2231 = vector.broadcast %and3A_2230 : i32 to vector<16xi32>
      %and3A_2232 = arith.andi %shift_right_logical3A_2229, %and3A_2231 : vector<16xi32>
      %and3A_2233 = arith.constant 8388607 : i32
      %and3A_2234 = vector.broadcast %and3A_2233 : i32 to vector<16xi32>
      %and3A_2235 = arith.andi %bitcast_convert_type3A_2226, %and3A_2234 : vector<16xi32>
      %eq3A_2236 = arith.constant 0 : i32
      %eq3A_2237 = vector.broadcast %eq3A_2236 : i32 to vector<16xi32>
      %eq3A_2238 = arith.cmpi eq, %and3A_2235, %eq3A_2237 : vector<16xi32>
      %sub3A_2239 = arith.constant 127 : i32
      %sub3A_2240 = vector.broadcast %sub3A_2239 : i32 to vector<16xi32>
      %sub3A_2241 = arith.subi %sub3A_2240, %and3A_2232 : vector<16xi32>
      %sub3A_2242 = arith.constant 126 : i32
      %sub3A_2243 = vector.broadcast %sub3A_2242 : i32 to vector<16xi32>
      %sub3A_2244 = arith.subi %sub3A_2243, %and3A_2232 : vector<16xi32>
      %select_n3A_2245 = arith.select %eq3A_2238, %sub3A_2241, %sub3A_2244 : vector<16xi1>, vector<16xi32>
      %max3A_2246 = arith.constant 0 : i32
      %max3A_2247 = vector.broadcast %max3A_2246 : i32 to vector<16xi32>
      %max3A_2248 = arith.maxsi %select_n3A_2245, %max3A_2247 : vector<16xi32>
      %min3A_2249 = arith.constant 6 : i32
      %min3A_2250 = vector.broadcast %min3A_2249 : i32 to vector<16xi32>
      %min3A_2251 = arith.minsi %max3A_2248, %min3A_2250 : vector<16xi32>
      %mul3A_2252 = arith.constant 256 : i32
      %mul3A_2253 = vector.broadcast %mul3A_2252 : i32 to vector<16xi32>
      %mul3A_2254 = arith.muli %min3A_2251, %mul3A_2253 : vector<16xi32>
      %add3A_2255 = arith.addi %mul3A_2254, %min3A_2220 : vector<16xi32>
      %swap3A_2256 = arith.constant 3 : i32
      %swap3A_2257 = arith.constant 0 : i32
      %swap3A_2258 = arith.index_cast %swap3A_2256 : i32 to index
      %swap3A_2259 = arith.index_cast %swap3A_2257 : i32 to index
      %swap3A_2260 = arith.constant 112 : index
      %swap3A_2261 = tpu.vector_load %arg8[%swap3A_2258, %swap3A_2259, %swap3A_2260] {strides = array<i32>} : memref<4x1x128xi32, #tpu.memory_space<vmem>>, vector<1x1x16xi32>,
      %swap3A_2262 = vector.shape_cast %swap3A_2261 : vector<1x1x16xi32> to vector<16xi32>
      %swap3A_2263 = vector.shape_cast %add3A_2255 : vector<16xi32> to vector<1x1x16xi32>
      tpu.vector_store %arg8[%swap3A_2258, %swap3A_2259, %swap3A_2260], %swap3A_2263 {strides = array<i32>} : memref<4x1x128xi32, #tpu.memory_space<vmem>>, vector<1x1x16xi32>,
      %gt3A_2264 = arith.constant 0 : i32
      %gt3A_2265 = arith.cmpi sgt, %scan3A_177, %gt3A_2264 : i32
      %convert_element_type3A_2266 = arith.extui %gt3A_2265 : i1 to i32
      %cond3A_2267 = arith.constant 0 : i32
      %cond3A_2268 = arith.cmpi ne, %convert_element_type3A_2266, %cond3A_2267 : i32
      scf.if %cond3A_2268 {
        %dma_wait3A_2319 = arith.constant 3 : i32
        %dma_wait3A_2320 = arith.constant 0 : i32
        %dma_wait3A_2321 = arith.constant 0 : i32
        %dma_wait3A_2322 = tpu.memref_slice %arg9[%dma_wait3A_2319, %dma_wait3A_2320, %dma_wait3A_2321] : memref<4x128x128xf32, #tpu.memory_space<vmem>> -> memref<1x128x128xf32, #tpu.memory_space<vmem>>
        %dma_wait3A_2323 = tpu.memref_squeeze %dma_wait3A_2322 : memref<1x128x128xf32, #tpu.memory_space<vmem>> -> memref<128x128xf32, #tpu.memory_space<vmem>>
        %dma_wait3A_2324 = arith.constant 0 : i32
        %dma_wait3A_2325 = arith.constant 0 : i32
        %dma_wait3A_2326 = tpu.memref_slice %arg5[%dma_wait3A_2324, %dma_wait3A_2325] : memref<819200x128xf32, #tpu.memory_space<hbm>> -> memref<128x128xf32, #tpu.memory_space<hbm>>
        %dma_wait3A_2327 = arith.constant 0 : i32
        %dma_wait3A_2328 = arith.constant 0 : i32
        %dma_wait3A_2329 = tpu.memref_slice %arg5[%dma_wait3A_2327, %dma_wait3A_2328] : memref<819200x128xf32, #tpu.memory_space<hbm>> -> memref<128x128xf32, #tpu.memory_space<hbm>>
        %dma_wait3A_2330 = arith.constant 0 : i32
        %dma_wait3A_2331 = arith.constant 0 : i32
        %dma_wait3A_2332 = tpu.memref_slice %arg9[%dma_wait3A_2319, %dma_wait3A_2330, %dma_wait3A_2331] : memref<4x128x128xf32, #tpu.memory_space<vmem>> -> memref<1x128x128xf32, #tpu.memory_space<vmem>>
        %dma_wait3A_2333 = tpu.memref_squeeze %dma_wait3A_2332 : memref<1x128x128xf32, #tpu.memory_space<vmem>> -> memref<128x128xf32, #tpu.memory_space<vmem>>
        tpu.wait_dma2 semaphore(%arg22 : memref<!tpu.dma_semaphore, #tpu.memory_space<semaphore_mem>>) src(%dma_wait3A_2333 : memref<128x128xf32, #tpu.memory_space<vmem>>) dst(%dma_wait3A_2329 : memref<128x128xf32, #tpu.memory_space<hbm>>)
      } else {
      }
      %dma_start3A_2269 = arith.constant 3 : i32
      %dma_start3A_2270 = arith.constant 0 : i32
      %dma_start3A_2271 = arith.constant 3 : i32
      %dma_start3A_2272 = arith.constant 0 : i32
      %dma_start3A_2273 = arith.constant 0 : i32
      %dma_start3A_2274 = tpu.memref_slice %arg9[%dma_start3A_2271, %dma_start3A_2272, %dma_start3A_2273] : memref<4x128x128xf32, #tpu.memory_space<vmem>> -> memref<1x128x128xf32, #tpu.memory_space<vmem>>
      %dma_start3A_2275 = tpu.memref_squeeze %dma_start3A_2274 : memref<1x128x128xf32, #tpu.memory_space<vmem>> -> memref<128x128xf32, #tpu.memory_space<vmem>>
      %dma_start3A_2276 = arith.constant 0 : i32
      %dma_start3A_2277 = tpu.memref_slice %arg8[%dma_start3A_2269, %dma_start3A_2270, %dma_start3A_2276] : memref<4x1x128xi32, #tpu.memory_space<vmem>> -> memref<1x1x128xi32, #tpu.memory_space<vmem>>
      %dma_start3A_2278 = tpu.memref_squeeze %dma_start3A_2277 : memref<1x1x128xi32, #tpu.memory_space<vmem>> -> memref<128xi32, #tpu.memory_space<vmem>>
      %dma_start3A_2279 = arith.constant 0 : i32
      %dma_start3A_2280 = arith.constant 0 : i32
      %dma_start3A_2281 = tpu.memref_slice %arg10[%dma_start3A_2279, %dma_start3A_2280] : memref<1792x128xf32, #tpu.memory_space<vmem_shared>> -> memref<1792x128xf32, #tpu.memory_space<vmem_shared>>
      tpu.enqueue_indirect_dma source(%dma_start3A_2281 : memref<1792x128xf32, #tpu.memory_space<vmem_shared>>) target(%dma_start3A_2275 : memref<128x128xf32, #tpu.memory_space<vmem>>) offsets(%dma_start3A_2278 : memref<128xi32, #tpu.memory_space<vmem>>) semaphore(%arg18 : memref<!tpu.dma_semaphore, #tpu.memory_space<semaphore_mem>>)
      %lt3A_2282 = arith.constant 49 : i32
      %lt3A_2283 = arith.cmpi slt, %scan3A_177, %lt3A_2282 : i32
      %convert_element_type3A_2284 = arith.extui %lt3A_2283 : i1 to i32
      %cond3A_2285 = arith.constant 0 : i32
      %cond3A_2286 = arith.cmpi ne, %convert_element_type3A_2284, %cond3A_2285 : i32
      scf.if %cond3A_2286 {
        %add3A_2319 = arith.constant 4 : i32
        %add3A_2320 = arith.addi %add3A_1777, %add3A_2319 : i32
        %mul3A_2321 = arith.constant 128 : i32
        %mul3A_2322 = arith.muli %add3A_2320, %mul3A_2321 : i32
        %add3A_2323 = arith.addi %mul3A_2, %mul3A_2322 : i32
        %dma_start3A_2324 = arith.constant 3 : i32
        %dma_start3A_2325 = arith.constant 0 : i32
        %dma_start3A_2326 = tpu.memref_slice %arg6[%dma_start3A_2324, %dma_start3A_2325] : memref<4x128xf32, #tpu.memory_space<vmem>> -> memref<1x128xf32, #tpu.memory_space<vmem>>
        %dma_start3A_2327 = tpu.memref_squeeze %dma_start3A_2326 : memref<1x128xf32, #tpu.memory_space<vmem>> -> memref<128xf32, #tpu.memory_space<vmem>>
        %dma_start3A_2328 = tpu.memref_slice %arg2[%add3A_2323] : memref<819200xf32, #tpu.memory_space<hbm>> -> memref<128xf32, #tpu.memory_space<hbm>>
        %dma_start3A_2329 = arith.constant 0 : i32
        %dma_start3A_2330 = tpu.memref_slice %arg6[%dma_start3A_2324, %dma_start3A_2329] : memref<4x128xf32, #tpu.memory_space<vmem>> -> memref<1x128xf32, #tpu.memory_space<vmem>>
        %dma_start3A_2331 = tpu.memref_squeeze %dma_start3A_2330 : memref<1x128xf32, #tpu.memory_space<vmem>> -> memref<128xf32, #tpu.memory_space<vmem>>
        %dma_start3A_2332 = tpu.memref_slice %arg2[%add3A_2323] : memref<819200xf32, #tpu.memory_space<hbm>> -> memref<128xf32, #tpu.memory_space<hbm>>
        tpu.enqueue_dma source(%dma_start3A_2332 : memref<128xf32, #tpu.memory_space<hbm>>) target(%dma_start3A_2331 : memref<128xf32, #tpu.memory_space<vmem>>) target_semaphore(%arg14 : memref<!tpu.dma_semaphore, #tpu.memory_space<semaphore_mem>>)
        %dma_start3A_2333 = arith.constant 3 : i32
        %dma_start3A_2334 = arith.constant 0 : i32
        %dma_start3A_2335 = tpu.memref_slice %arg7[%dma_start3A_2333, %dma_start3A_2334] : memref<4x128xf32, #tpu.memory_space<vmem>> -> memref<1x128xf32, #tpu.memory_space<vmem>>
        %dma_start3A_2336 = tpu.memref_squeeze %dma_start3A_2335 : memref<1x128xf32, #tpu.memory_space<vmem>> -> memref<128xf32, #tpu.memory_space<vmem>>
        %dma_start3A_2337 = tpu.memref_slice %arg3[%add3A_2323] : memref<819200xf32, #tpu.memory_space<hbm>> -> memref<128xf32, #tpu.memory_space<hbm>>
        %dma_start3A_2338 = arith.constant 0 : i32
        %dma_start3A_2339 = tpu.memref_slice %arg7[%dma_start3A_2333, %dma_start3A_2338] : memref<4x128xf32, #tpu.memory_space<vmem>> -> memref<1x128xf32, #tpu.memory_space<vmem>>
        %dma_start3A_2340 = tpu.memref_squeeze %dma_start3A_2339 : memref<1x128xf32, #tpu.memory_space<vmem>> -> memref<128xf32, #tpu.memory_space<vmem>>
        %dma_start3A_2341 = tpu.memref_slice %arg3[%add3A_2323] : memref<819200xf32, #tpu.memory_space<hbm>> -> memref<128xf32, #tpu.memory_space<hbm>>
        tpu.enqueue_dma source(%dma_start3A_2341 : memref<128xf32, #tpu.memory_space<hbm>>) target(%dma_start3A_2340 : memref<128xf32, #tpu.memory_space<vmem>>) target_semaphore(%arg14 : memref<!tpu.dma_semaphore, #tpu.memory_space<semaphore_mem>>)
      } else {
      }
      %dma_wait3A_2287 = arith.constant 2 : i32
      %dma_wait3A_2288 = arith.constant 0 : i32
      %dma_wait3A_2289 = arith.constant 2 : i32
      %dma_wait3A_2290 = arith.constant 0 : i32
      %dma_wait3A_2291 = arith.constant 0 : i32
      %dma_wait3A_2292 = tpu.memref_slice %arg9[%dma_wait3A_2289, %dma_wait3A_2290, %dma_wait3A_2291] : memref<4x128x128xf32, #tpu.memory_space<vmem>> -> memref<1x128x128xf32, #tpu.memory_space<vmem>>
      %dma_wait3A_2293 = tpu.memref_squeeze %dma_wait3A_2292 : memref<1x128x128xf32, #tpu.memory_space<vmem>> -> memref<128x128xf32, #tpu.memory_space<vmem>>
      %dma_wait3A_2294 = arith.constant 0 : i32
      %dma_wait3A_2295 = tpu.memref_slice %arg8[%dma_wait3A_2287, %dma_wait3A_2288, %dma_wait3A_2294] : memref<4x1x128xi32, #tpu.memory_space<vmem>> -> memref<1x1x128xi32, #tpu.memory_space<vmem>>
      %dma_wait3A_2296 = tpu.memref_squeeze %dma_wait3A_2295 : memref<1x1x128xi32, #tpu.memory_space<vmem>> -> memref<128xi32, #tpu.memory_space<vmem>>
      %dma_wait3A_2297 = arith.constant 0 : i32
      %dma_wait3A_2298 = arith.constant 0 : i32
      %dma_wait3A_2299 = tpu.memref_slice %arg10[%dma_wait3A_2297, %dma_wait3A_2298] : memref<1792x128xf32, #tpu.memory_space<vmem_shared>> -> memref<1792x128xf32, #tpu.memory_space<vmem_shared>>
      tpu.wait_indirect_dma semaphore(%arg17 : memref<!tpu.dma_semaphore, #tpu.memory_space<semaphore_mem>>) src(%dma_wait3A_2299 : memref<1792x128xf32, #tpu.memory_space<vmem_shared>>) dst(%dma_wait3A_2293 : memref<128x128xf32, #tpu.memory_space<vmem>>)
      %sub3A_2300 = arith.constant 1 : i32
      %sub3A_2301 = arith.subi %add3A_1777, %sub3A_2300 : i32
      %mul3A_2302 = arith.constant 128 : i32
      %mul3A_2303 = arith.muli %sub3A_2301, %mul3A_2302 : i32
      %add3A_2304 = arith.addi %mul3A_2, %mul3A_2303 : i32
      %dma_start3A_2305 = arith.constant 2 : i32
      %dma_start3A_2306 = arith.constant 0 : i32
      %dma_start3A_2307 = arith.constant 0 : i32
      %dma_start3A_2308 = tpu.memref_slice %arg9[%dma_start3A_2305, %dma_start3A_2306, %dma_start3A_2307] : memref<4x128x128xf32, #tpu.memory_space<vmem>> -> memref<1x128x128xf32, #tpu.memory_space<vmem>>
      %dma_start3A_2309 = tpu.memref_squeeze %dma_start3A_2308 : memref<1x128x128xf32, #tpu.memory_space<vmem>> -> memref<128x128xf32, #tpu.memory_space<vmem>>
      %dma_start3A_2310 = arith.constant 0 : i32
      %dma_start3A_2311 = tpu.memref_slice %arg5[%add3A_2304, %dma_start3A_2310] : memref<819200x128xf32, #tpu.memory_space<hbm>> -> memref<128x128xf32, #tpu.memory_space<hbm>>
      %dma_start3A_2312 = arith.constant 0 : i32
      %dma_start3A_2313 = tpu.memref_slice %arg5[%add3A_2304, %dma_start3A_2312] : memref<819200x128xf32, #tpu.memory_space<hbm>> -> memref<128x128xf32, #tpu.memory_space<hbm>>
      %dma_start3A_2314 = arith.constant 0 : i32
      %dma_start3A_2315 = arith.constant 0 : i32
      %dma_start3A_2316 = tpu.memref_slice %arg9[%dma_start3A_2305, %dma_start3A_2314, %dma_start3A_2315] : memref<4x128x128xf32, #tpu.memory_space<vmem>> -> memref<1x128x128xf32, #tpu.memory_space<vmem>>
      %dma_start3A_2317 = tpu.memref_squeeze %dma_start3A_2316 : memref<1x128x128xf32, #tpu.memory_space<vmem>> -> memref<128x128xf32, #tpu.memory_space<vmem>>
      tpu.enqueue_dma source(%dma_start3A_2317 : memref<128x128xf32, #tpu.memory_space<vmem>>) target(%dma_start3A_2313 : memref<128x128xf32, #tpu.memory_space<hbm>>) target_semaphore(%arg21 : memref<!tpu.dma_semaphore, #tpu.memory_space<semaphore_mem>>)
      %scan3A_2318 = arith.constant 0 : i32
      scf.yield %scan3A_2318 : i32
    }
    %scan3A_89 = arith.constant 50 : i32
    %dma_wait3A = arith.constant 3 : i32
    %dma_wait3A_90 = arith.constant 0 : i32
    %dma_wait3A_91 = arith.constant 3 : i32
    %dma_wait3A_92 = arith.constant 0 : i32
    %dma_wait3A_93 = arith.constant 0 : i32
    %dma_wait3A_94 = tpu.memref_slice %arg9[%dma_wait3A_91, %dma_wait3A_92, %dma_wait3A_93] : memref<4x128x128xf32, #tpu.memory_space<vmem>> -> memref<1x128x128xf32, #tpu.memory_space<vmem>>
    %dma_wait3A_95 = tpu.memref_squeeze %dma_wait3A_94 : memref<1x128x128xf32, #tpu.memory_space<vmem>> -> memref<128x128xf32, #tpu.memory_space<vmem>>
    %dma_wait3A_96 = arith.constant 0 : i32
    %dma_wait3A_97 = tpu.memref_slice %arg8[%dma_wait3A, %dma_wait3A_90, %dma_wait3A_96] : memref<4x1x128xi32, #tpu.memory_space<vmem>> -> memref<1x1x128xi32, #tpu.memory_space<vmem>>
    %dma_wait3A_98 = tpu.memref_squeeze %dma_wait3A_97 : memref<1x1x128xi32, #tpu.memory_space<vmem>> -> memref<128xi32, #tpu.memory_space<vmem>>
    %dma_wait3A_99 = arith.constant 0 : i32
    %dma_wait3A_100 = arith.constant 0 : i32
    %dma_wait3A_101 = tpu.memref_slice %arg10[%dma_wait3A_99, %dma_wait3A_100] : memref<1792x128xf32, #tpu.memory_space<vmem_shared>> -> memref<1792x128xf32, #tpu.memory_space<vmem_shared>>
    tpu.wait_indirect_dma semaphore(%arg18 : memref<!tpu.dma_semaphore, #tpu.memory_space<semaphore_mem>>) src(%dma_wait3A_101 : memref<1792x128xf32, #tpu.memory_space<vmem_shared>>) dst(%dma_wait3A_95 : memref<128x128xf32, #tpu.memory_space<vmem>>)
    %add3A_102 = arith.constant 25472 : i32
    %add3A_103 = arith.addi %mul3A_2, %add3A_102 : i32
    %dma_start3A_104 = arith.constant 3 : i32
    %dma_start3A_105 = arith.constant 0 : i32
    %dma_start3A_106 = arith.constant 0 : i32
    %dma_start3A_107 = tpu.memref_slice %arg9[%dma_start3A_104, %dma_start3A_105, %dma_start3A_106] : memref<4x128x128xf32, #tpu.memory_space<vmem>> -> memref<1x128x128xf32, #tpu.memory_space<vmem>>
    %dma_start3A_108 = tpu.memref_squeeze %dma_start3A_107 : memref<1x128x128xf32, #tpu.memory_space<vmem>> -> memref<128x128xf32, #tpu.memory_space<vmem>>
    %dma_start3A_109 = arith.constant 0 : i32
    %dma_start3A_110 = tpu.memref_slice %arg5[%add3A_103, %dma_start3A_109] : memref<819200x128xf32, #tpu.memory_space<hbm>> -> memref<128x128xf32, #tpu.memory_space<hbm>>
    %dma_start3A_111 = arith.constant 0 : i32
    %dma_start3A_112 = tpu.memref_slice %arg5[%add3A_103, %dma_start3A_111] : memref<819200x128xf32, #tpu.memory_space<hbm>> -> memref<128x128xf32, #tpu.memory_space<hbm>>
    %dma_start3A_113 = arith.constant 0 : i32
    %dma_start3A_114 = arith.constant 0 : i32
    %dma_start3A_115 = tpu.memref_slice %arg9[%dma_start3A_104, %dma_start3A_113, %dma_start3A_114] : memref<4x128x128xf32, #tpu.memory_space<vmem>> -> memref<1x128x128xf32, #tpu.memory_space<vmem>>
    %dma_start3A_116 = tpu.memref_squeeze %dma_start3A_115 : memref<1x128x128xf32, #tpu.memory_space<vmem>> -> memref<128x128xf32, #tpu.memory_space<vmem>>
    tpu.enqueue_dma source(%dma_start3A_116 : memref<128x128xf32, #tpu.memory_space<vmem>>) target(%dma_start3A_112 : memref<128x128xf32, #tpu.memory_space<hbm>>) target_semaphore(%arg22 : memref<!tpu.dma_semaphore, #tpu.memory_space<semaphore_mem>>)
    %dma_wait3A_117 = arith.constant 0 : i32
    %dma_wait3A_118 = arith.constant 0 : i32
    %dma_wait3A_119 = arith.constant 0 : i32
    %dma_wait3A_120 = tpu.memref_slice %arg9[%dma_wait3A_117, %dma_wait3A_118, %dma_wait3A_119] : memref<4x128x128xf32, #tpu.memory_space<vmem>> -> memref<1x128x128xf32, #tpu.memory_space<vmem>>
    %dma_wait3A_121 = tpu.memref_squeeze %dma_wait3A_120 : memref<1x128x128xf32, #tpu.memory_space<vmem>> -> memref<128x128xf32, #tpu.memory_space<vmem>>
    %dma_wait3A_122 = arith.constant 0 : i32
    %dma_wait3A_123 = arith.constant 0 : i32
    %dma_wait3A_124 = tpu.memref_slice %arg5[%dma_wait3A_122, %dma_wait3A_123] : memref<819200x128xf32, #tpu.memory_space<hbm>> -> memref<128x128xf32, #tpu.memory_space<hbm>>
    %dma_wait3A_125 = arith.constant 0 : i32
    %dma_wait3A_126 = arith.constant 0 : i32
    %dma_wait3A_127 = tpu.memref_slice %arg5[%dma_wait3A_125, %dma_wait3A_126] : memref<819200x128xf32, #tpu.memory_space<hbm>> -> memref<128x128xf32, #tpu.memory_space<hbm>>
    %dma_wait3A_128 = arith.constant 0 : i32
    %dma_wait3A_129 = arith.constant 0 : i32
    %dma_wait3A_130 = tpu.memref_slice %arg9[%dma_wait3A_117, %dma_wait3A_128, %dma_wait3A_129] : memref<4x128x128xf32, #tpu.memory_space<vmem>> -> memref<1x128x128xf32, #tpu.memory_space<vmem>>
    %dma_wait3A_131 = tpu.memref_squeeze %dma_wait3A_130 : memref<1x128x128xf32, #tpu.memory_space<vmem>> -> memref<128x128xf32, #tpu.memory_space<vmem>>
    tpu.wait_dma2 semaphore(%arg19 : memref<!tpu.dma_semaphore, #tpu.memory_space<semaphore_mem>>) src(%dma_wait3A_131 : memref<128x128xf32, #tpu.memory_space<vmem>>) dst(%dma_wait3A_127 : memref<128x128xf32, #tpu.memory_space<hbm>>)
    %dma_wait3A_132 = arith.constant 1 : i32
    %dma_wait3A_133 = arith.constant 0 : i32
    %dma_wait3A_134 = arith.constant 0 : i32
    %dma_wait3A_135 = tpu.memref_slice %arg9[%dma_wait3A_132, %dma_wait3A_133, %dma_wait3A_134] : memref<4x128x128xf32, #tpu.memory_space<vmem>> -> memref<1x128x128xf32, #tpu.memory_space<vmem>>
    %dma_wait3A_136 = tpu.memref_squeeze %dma_wait3A_135 : memref<1x128x128xf32, #tpu.memory_space<vmem>> -> memref<128x128xf32, #tpu.memory_space<vmem>>
    %dma_wait3A_137 = arith.constant 0 : i32
    %dma_wait3A_138 = arith.constant 0 : i32
    %dma_wait3A_139 = tpu.memref_slice %arg5[%dma_wait3A_137, %dma_wait3A_138] : memref<819200x128xf32, #tpu.memory_space<hbm>> -> memref<128x128xf32, #tpu.memory_space<hbm>>
    %dma_wait3A_140 = arith.constant 0 : i32
    %dma_wait3A_141 = arith.constant 0 : i32
    %dma_wait3A_142 = tpu.memref_slice %arg5[%dma_wait3A_140, %dma_wait3A_141] : memref<819200x128xf32, #tpu.memory_space<hbm>> -> memref<128x128xf32, #tpu.memory_space<hbm>>
    %dma_wait3A_143 = arith.constant 0 : i32
    %dma_wait3A_144 = arith.constant 0 : i32
    %dma_wait3A_145 = tpu.memref_slice %arg9[%dma_wait3A_132, %dma_wait3A_143, %dma_wait3A_144] : memref<4x128x128xf32, #tpu.memory_space<vmem>> -> memref<1x128x128xf32, #tpu.memory_space<vmem>>
    %dma_wait3A_146 = tpu.memref_squeeze %dma_wait3A_145 : memref<1x128x128xf32, #tpu.memory_space<vmem>> -> memref<128x128xf32, #tpu.memory_space<vmem>>
    tpu.wait_dma2 semaphore(%arg20 : memref<!tpu.dma_semaphore, #tpu.memory_space<semaphore_mem>>) src(%dma_wait3A_146 : memref<128x128xf32, #tpu.memory_space<vmem>>) dst(%dma_wait3A_142 : memref<128x128xf32, #tpu.memory_space<hbm>>)
    %dma_wait3A_147 = arith.constant 2 : i32
    %dma_wait3A_148 = arith.constant 0 : i32
    %dma_wait3A_149 = arith.constant 0 : i32
    %dma_wait3A_150 = tpu.memref_slice %arg9[%dma_wait3A_147, %dma_wait3A_148, %dma_wait3A_149] : memref<4x128x128xf32, #tpu.memory_space<vmem>> -> memref<1x128x128xf32, #tpu.memory_space<vmem>>
    %dma_wait3A_151 = tpu.memref_squeeze %dma_wait3A_150 : memref<1x128x128xf32, #tpu.memory_space<vmem>> -> memref<128x128xf32, #tpu.memory_space<vmem>>
    %dma_wait3A_152 = arith.constant 0 : i32
    %dma_wait3A_153 = arith.constant 0 : i32
    %dma_wait3A_154 = tpu.memref_slice %arg5[%dma_wait3A_152, %dma_wait3A_153] : memref<819200x128xf32, #tpu.memory_space<hbm>> -> memref<128x128xf32, #tpu.memory_space<hbm>>
    %dma_wait3A_155 = arith.constant 0 : i32
    %dma_wait3A_156 = arith.constant 0 : i32
    %dma_wait3A_157 = tpu.memref_slice %arg5[%dma_wait3A_155, %dma_wait3A_156] : memref<819200x128xf32, #tpu.memory_space<hbm>> -> memref<128x128xf32, #tpu.memory_space<hbm>>
    %dma_wait3A_158 = arith.constant 0 : i32
    %dma_wait3A_159 = arith.constant 0 : i32
    %dma_wait3A_160 = tpu.memref_slice %arg9[%dma_wait3A_147, %dma_wait3A_158, %dma_wait3A_159] : memref<4x128x128xf32, #tpu.memory_space<vmem>> -> memref<1x128x128xf32, #tpu.memory_space<vmem>>
    %dma_wait3A_161 = tpu.memref_squeeze %dma_wait3A_160 : memref<1x128x128xf32, #tpu.memory_space<vmem>> -> memref<128x128xf32, #tpu.memory_space<vmem>>
    tpu.wait_dma2 semaphore(%arg21 : memref<!tpu.dma_semaphore, #tpu.memory_space<semaphore_mem>>) src(%dma_wait3A_161 : memref<128x128xf32, #tpu.memory_space<vmem>>) dst(%dma_wait3A_157 : memref<128x128xf32, #tpu.memory_space<hbm>>)
    %dma_wait3A_162 = arith.constant 3 : i32
    %dma_wait3A_163 = arith.constant 0 : i32
    %dma_wait3A_164 = arith.constant 0 : i32
    %dma_wait3A_165 = tpu.memref_slice %arg9[%dma_wait3A_162, %dma_wait3A_163, %dma_wait3A_164] : memref<4x128x128xf32, #tpu.memory_space<vmem>> -> memref<1x128x128xf32, #tpu.memory_space<vmem>>
    %dma_wait3A_166 = tpu.memref_squeeze %dma_wait3A_165 : memref<1x128x128xf32, #tpu.memory_space<vmem>> -> memref<128x128xf32, #tpu.memory_space<vmem>>
    %dma_wait3A_167 = arith.constant 0 : i32
    %dma_wait3A_168 = arith.constant 0 : i32
    %dma_wait3A_169 = tpu.memref_slice %arg5[%dma_wait3A_167, %dma_wait3A_168] : memref<819200x128xf32, #tpu.memory_space<hbm>> -> memref<128x128xf32, #tpu.memory_space<hbm>>
    %dma_wait3A_170 = arith.constant 0 : i32
    %dma_wait3A_171 = arith.constant 0 : i32
    %dma_wait3A_172 = tpu.memref_slice %arg5[%dma_wait3A_170, %dma_wait3A_171] : memref<819200x128xf32, #tpu.memory_space<hbm>> -> memref<128x128xf32, #tpu.memory_space<hbm>>
    %dma_wait3A_173 = arith.constant 0 : i32
    %dma_wait3A_174 = arith.constant 0 : i32
    %dma_wait3A_175 = tpu.memref_slice %arg9[%dma_wait3A_162, %dma_wait3A_173, %dma_wait3A_174] : memref<4x128x128xf32, #tpu.memory_space<vmem>> -> memref<1x128x128xf32, #tpu.memory_space<vmem>>
    %dma_wait3A_176 = tpu.memref_squeeze %dma_wait3A_175 : memref<1x128x128xf32, #tpu.memory_space<vmem>> -> memref<128x128xf32, #tpu.memory_space<vmem>>
    tpu.wait_dma2 semaphore(%arg22 : memref<!tpu.dma_semaphore, #tpu.memory_space<semaphore_mem>>) src(%dma_wait3A_176 : memref<128x128xf32, #tpu.memory_space<vmem>>) dst(%dma_wait3A_172 : memref<128x128xf32, #tpu.memory_space<hbm>>)
    return
  }
}

module attributes {stable_mosaic.version = 14 : i64} {
  func.func @_concat_tables_body(%arg0: i32, %arg1: memref<256x64xf32, #tpu.memory_space<vmem>>, %arg2: memref<1x1x64xf32, #tpu.memory_space<vmem>>, %arg3: memref<1x256x128xf32, #tpu.memory_space<vmem>>) attributes {dimension_semantics = [#tpu.dimension_semantics<arbitrary>], iteration_bounds = array<i64: 7>, scalar_prefetch = 0 : i64, scratch_operands = 0 : i64, tpu.core_type = #tpu.core_type<tc>, window_params = [{pipeline_mode = #tpu.pipeline_mode<synchronous>, transform_indices = @transform_0, window_bounds = array<i64: 256, 64>}, {transform_indices = @transform_1, window_bounds = array<i64: 1, 1, 64>}, {transform_indices = @transform_2, window_bounds = array<i64: 1, 256, 128>}]} {
    %get3A = arith.constant 0 : index
    %get3A_0 = arith.constant 0 : index
    %get3A_1 = vector.load %arg1[%get3A, %get3A_0] : memref<256x64xf32, #tpu.memory_space<vmem>>, vector<256x64xf32>
    %swap3A = arith.constant 0 : index
    %swap3A_2 = arith.constant 0 : index
    %swap3A_3 = arith.constant 0 : index
    %swap3A_4 = vector.load %arg3[%swap3A, %swap3A_2, %swap3A_3] : memref<1x256x128xf32, #tpu.memory_space<vmem>>, vector<1x256x64xf32>
    %swap3A_5 = vector.shape_cast %swap3A_4 : vector<1x256x64xf32> to vector<256x64xf32>
    %swap3A_6 = vector.shape_cast %get3A_1 : vector<256x64xf32> to vector<1x256x64xf32>
    tpu.vector_store %arg3[%swap3A, %swap3A_2, %swap3A_3], %swap3A_6 {strides = array<i32>} : memref<1x256x128xf32, #tpu.memory_space<vmem>>, vector<1x256x64xf32>,
    %get3A_7 = arith.constant 0 : index
    %get3A_8 = arith.constant 0 : index
    %get3A_9 = arith.constant 0 : index
    %get3A_10 = vector.load %arg2[%get3A_7, %get3A_8, %get3A_9] : memref<1x1x64xf32, #tpu.memory_space<vmem>>, vector<1x1x64xf32>
    %get3A_11 = vector.shape_cast %get3A_10 : vector<1x1x64xf32> to vector<64xf32>
    %broadcast_in_dim3A = vector.shape_cast %get3A_11 : vector<64xf32> to vector<1x64xf32>
    %broadcast_in_dim3A_12 = vector.broadcast %broadcast_in_dim3A : vector<1x64xf32> to vector<256x64xf32>
    %swap3A_13 = arith.constant 0 : index
    %swap3A_14 = arith.constant 0 : index
    %swap3A_15 = arith.constant 64 : index
    %swap3A_16 = vector.load %arg3[%swap3A_13, %swap3A_14, %swap3A_15] : memref<1x256x128xf32, #tpu.memory_space<vmem>>, vector<1x256x64xf32>
    %swap3A_17 = vector.shape_cast %swap3A_16 : vector<1x256x64xf32> to vector<256x64xf32>
    %swap3A_18 = vector.shape_cast %broadcast_in_dim3A_12 : vector<256x64xf32> to vector<1x256x64xf32>
    tpu.vector_store %arg3[%swap3A_13, %swap3A_14, %swap3A_15], %swap3A_18 {strides = array<i32>} : memref<1x256x128xf32, #tpu.memory_space<vmem>>, vector<1x256x64xf32>,
    return
  }
  func.func @transform_0(%arg0: i32) -> (i32, i32) {
    %c0_i32 = arith.constant 0 : i32
    %c0_i32_0 = arith.constant 0 : i32
    %c0_i32_1 = arith.constant 0 : i32
    return %c0_i32, %c0_i32_0 : i32, i32
  }
  func.func @transform_1(%arg0: i32) -> (i32, i32, i32) {
    %c0_i32 = arith.constant 0 : i32
    %c0_i32_0 = arith.constant 0 : i32
    %c0_i32_1 = arith.constant 0 : i32
    return %arg0, %c0_i32, %c0_i32_0 : i32, i32, i32
  }
  func.func @transform_2(%arg0: i32) -> (i32, i32, i32) {
    %c0_i32 = arith.constant 0 : i32
    %c0_i32_0 = arith.constant 0 : i32
    %c0_i32_1 = arith.constant 0 : i32
    return %arg0, %c0_i32, %c0_i32_0 : i32, i32, i32
  }
}

</mosaic_0001>

<sc_bundles>
// kernel: kernel.4.cloned.1.call-start
scs
__scs_entry_jumppad:
0x0: {  	(pc) =	sbr.rel $0x88, $3  }
0x1: {  	(tag) =	ssettag $0x0;
	lr =	simm.s32 $0x1  }
0x2: {  	[smem:$0x3F9D] =	sst lr;
	_ =	strace $0xD0000000  }
0x3: {  	_ = 	snop  }
0x4: {  	_ = 	snop  }
0x5: {  	_ = 	snop  }
0x6: {  	_ = 	snop  }
0x7: {  	_ = 	snop  }
__scs_overlays_trampoline_lowered:
0x8: {  	[smem:$0x3FAC] =	sst s0  }
0x9: {  	[smem:$0x3FAD] =	sst s1  }
0xa: {  	[smem:$0x3FAE] =	sst s2  }
0xb: {  	[smem:$0x3FAF] =	sst s3  }
0xc: {  	[smem:$0x3FB0] =	sst s4  }
0xd: {  	[smem:$0x3FB1] =	sst s5  }
0xe: {  	[smem:$0x3FB2] =	sst s6  }
0xf: {  	[smem:$0x3FB3] =	sst s7  }
0x10: {  	[smem:$0x3FB4] =	sst s8  }
0x11: {  	[smem:$0x3FB5] =	sst s9;
	s0 =	simm.s32 @!p0 $0x0  }
0x12: {  	s1 =	sld [smem:$0x3F9B];
	s0 =	simm.s32 @p0 $0x1  }
0x13: {  	[smem:$0x3FB6] =	sst s0;
	s0 =	simm.s32 @!p1 $0x0  }
0x14: {  	s2 =	sld [smem:$0x3F9A];
	s0 =	simm.s32 @p1 $0x1  }
0x15: {  	[smem:$0x3FB7] =	sst s0;
	s0 =	simm.s32 @!p2 $0x0  }
0x16: {  	s3 =	sld [smem:$0x3FDB];
	s0 =	simm.s32 @p2 $0x1  }
0x17: {  	s4 =	simm.s32 $0x1BF5;
	[smem:$0x3FB9] =	sst s0  }
0x18: {  	s0 =	sld [smem:$0x3F9C];
	_ =	swait.ge [sflag:s4], $0x0  }
0x19: {  	s7 =	sld [smem:$0x3F9D]  }
0x1a: {  	s8 =	sadd.s32 $0xFFFFE003, lr  }
0x1b: {  	s9 =	sadd.s32 $0xFFFFFEF7, lr;
	s5 =	simm.s32 $0xFFFFFFFF;
	p2 =	slt.u32 s8, $0xFFFFF086  }
0x1c: {  	p1 =	slt.u32 s9, $0xF7A;
	s5 =	simm.s32 @!p2 $0x0  }
0x1d: {  	s5 =	simm.s32 @p1 $0x1;
	p0 =	seq.s32 s7, s2  }
0x1e: {  	s7 =	smul.u32 @!p0 $0xF7A, s2;
	p2 =	seq.s32 @!p0 s5, $0x0  }
0x1f: {  	s9 =	smul.u32 $0xF7A, s1;
	s8 =	simm.s32 @!p0 $0x1BF5;
	p2 =	por !p2, p0  }
0x20: {  	[sflag:s8] =	ssyncset.s32 @!p0 $0xFFFFF086;
	s6 =	sadd.s32 @!p0 s3, s7;
	s7 =	simm.s32 @!p0 $0x108  }
0x21: {  	s3 =	sadd.s32 s3, s9;
	s6 =	sadd.s32 @!p0 $0x88, s6;
	s7 =	simm.s32 @p2 $0x1082  }
0x22: {  	[simem:s7], [sflag:s8] =	dma.local @!p0 [hbm:s6], $0xF7A  }
0x23: {  	s9 =	sor.u32 $0xD0000000, s2;
	s6 =	simm.s32 $0x108;
	_ =	swait.ge @!p0 [sflag:s8], $0x0  }
0x24: {  	s3 =	sadd.s32 $0x88, s3;
	s6 =	simm.s32 @!p1 $0x1082;
	[sflag:s4] =	ssyncset.s32 $0xFFFFF086  }
0x25: {  	[simem:s6], [sflag:s4] =	dma.local [hbm:s3], $0xF7A  }
0x26: {  	[smem:$0x3F9D] =	sst s1;
	(tag) =	ssettag s2;
	_ =	strace s9  }
0x27: {  	s1 =	sld [smem:$0x3FAD]  }
0x28: {  	s2 =	sld [smem:$0x3FAE]  }
0x29: {  	s4 =	sld [smem:$0x3FB0]  }
0x2a: {  	p0 =	seq.s32 s5, $0x0;
	s5 =	sld [smem:$0x3FB1]  }
0x2b: {  	s6 =	sld [smem:$0x3FB2]  }
0x2c: {  	s7 =	sld [smem:$0x3FB3]  }
0x2d: {  	s3 =	simm.s32 $0x108;
	s8 =	sld [smem:$0x3FB4]  }
0x2e: {  	s3 =	simm.s32 @!p0 $0x1082;
	s9 =	sld [smem:$0x3FB5]  }
0x2f: {  	lr =	sadd.s32 s0, s3;
	s0 =	sld [smem:$0x3FAC]  }
0x30: {  	s3 =	sld [smem:$0x3FAF]  }
0x31: {  	[smem:$0x3FB8] =	sst s10  }
0x32: {  	s10 =	sld [smem:$0x3FB6];
	_ =	sdelay $0x3  }
0x33: {  	p0 =	seq.s32 s10, $0x1;
	s10 =	sld [smem:$0x3FB8];
	_ =	sdelay $0x3  }
0x34: {  	[smem:$0x3FB8] =	sst s10  }
0x35: {  	s10 =	sld [smem:$0x3FB7];
	_ =	sdelay $0x3  }
0x36: {  	p1 =	seq.s32 s10, $0x1;
	s10 =	sld [smem:$0x3FB8];
	_ =	sdelay $0x3  }
0x37: {  	[smem:$0x3FB8] =	sst s10  }
0x38: {  	s10 =	sld [smem:$0x3FB9]  }
0x39: {  	_ = 	snop;
	(pc) =	sbr.ind lr, $3  }
0x3a: {  	_ = 	snop  }
0x3b: {  	_ = 	snop  }
0x3c: {  	p2 =	seq.s32 s10, $0x1;
	s10 =	sld [smem:$0x3FB8]  }
0x3d: {  	_ =	shalt  }
0x3e: {  	_ =	shalt  }
0x3f: {  	_ =	shalt  }
0x40: {  	_ =	shalt  }
0x41: {  	_ =	shalt  }
0x42: {  	_ =	shalt  }
0x43: {  	_ =	shalt  }
0x44: {  	_ =	shalt  }
0x45: {  	_ =	shalt  }
0x46: {  	_ =	shalt  }
0x47: {  	_ =	shalt  }
0x48: {  	_ =	shalt  }
0x49: {  	_ =	shalt  }
0x4a: {  	_ =	shalt  }
0x4b: {  	_ =	shalt  }
0x4c: {  	_ =	shalt  }
0x4d: {  	_ =	shalt  }
0x4e: {  	_ =	shalt  }
0x4f: {  	_ =	shalt  }
0x50: {  	_ =	shalt  }
0x51: {  	_ =	shalt  }
0x52: {  	_ =	shalt  }
0x53: {  	_ =	shalt  }
0x54: {  	_ =	shalt  }
0x55: {  	_ =	shalt  }
0x56: {  	_ =	shalt  }
0x57: {  	_ =	shalt  }
0x58: {  	_ =	shalt  }
0x59: {  	_ =	shalt  }
0x5a: {  	_ =	shalt  }
0x5b: {  	_ =	shalt  }
0x5c: {  	_ =	shalt  }
0x5d: {  	_ =	shalt  }
0x5e: {  	_ =	shalt  }
0x5f: {  	_ =	shalt  }
0x60: {  	_ =	shalt  }
0x61: {  	_ =	shalt  }
0x62: {  	_ =	shalt  }
0x63: {  	_ =	shalt  }
0x64: {  	_ =	shalt  }
0x65: {  	_ =	shalt  }
0x66: {  	_ =	shalt  }
0x67: {  	_ =	shalt  }
0x68: {  	_ =	shalt  }
0x69: {  	_ =	shalt  }
0x6a: {  	_ =	shalt  }
0x6b: {  	_ =	shalt  }
0x6c: {  	_ =	shalt  }
0x6d: {  	_ =	shalt  }
0x6e: {  	_ =	shalt  }
0x6f: {  	_ =	shalt  }
0x70: {  	_ =	shalt  }
0x71: {  	_ =	shalt  }
0x72: {  	_ =	shalt  }
0x73: {  	_ =	shalt  }
0x74: {  	_ =	shalt  }
0x75: {  	_ =	shalt  }
0x76: {  	_ =	shalt  }
0x77: {  	_ =	shalt  }
0x78: {  	_ =	shalt  }
0x79: {  	_ =	shalt  }
0x7a: {  	_ =	shalt  }
0x7b: {  	_ =	shalt  }
0x7c: {  	_ =	shalt  }
0x7d: {  	_ =	shalt  }
0x7e: {  	_ =	shalt  }
0x7f: {  	_ =	shalt  }
0x80: {  	_ =	shalt  }
0x81: {  	_ =	shalt  }
0x82: {  	_ =	shalt  }
0x83: {  	_ =	shalt  }
0x84: {  	_ =	shalt  }
0x85: {  	_ =	shalt  }
0x86: {  	_ =	shalt  }
0x87: {  	_ =	shalt  }
.Lfunc_end0:
.L_simem_size_0:
called_computation_lowered:
.L_overlay_start_0:
0x88: {  	s2 =	sld [smem:$0x3FD9]  }
0x89: {  	s3 =	sld [smem:$0x3FFE];
	_ =	sdelay $0x1  }
0x8a: {  	s1 =	srdreg.scid  }
0x8b: {  	s0 =	sand.u32 $0x1, s1  }
0x8c: {  	s17 =	sshll.u32 s0, $0xA;
	s2 =	sadd.s32 s3, s2  }
0x8d: {  	s2 =	sadd.s32 s2, s17  }
0x8e: {  	[smem:$0x3FC4] =	sst s2  }
0x8f: {  	_ = 	snop  }
0x90: {  	s2 =	sld [smem:$0x3FD0];
	(tm) =	ssettm $0x1  }
0x91: {  	s18 =	sld [smem:$0x3FFB];
	_ =	sdelay $0x3  }
0x92: {  	_ =	strace s18  }
0x93: {  	s3 =	sld [smem:$0x3FFC];
	_ =	sdelay $0x3  }
0x94: {  	_ =	strace s3  }
0x95: {  	s3 =	sld [smem:$0x3FFD];
	_ =	sdelay $0x3  }
0x96: {  	_ =	strace s3  }
0x97: {  	_ =	strace $0x8FFFFFFF  }
0x98: {  	s19 =	sld [smem:$0x3FDB];
	_ =	sdelay $0x1  }
0x99: {  	s4 =	simm.s32 $_scs_section_size  }
0x9a: {  	s5 =	simm.s32 $_size__tile_overlayer_lowered;
	s6 =	simm.s32 $_tile_overlayer_lowered  }
0x9b: {  	s22 =	simm.s32 $0x1BFF;
	s21 =	sshll.u32 s6, $0x1;
	s3 =	sadd.s32 s4, s19  }
0x9c: {  	s7 =	simm.s32 $0x0;
	s20 =	sshll.u32 s5, $0x1;
	s5 =	sadd.s32 s21, s3  }
0x9d: {  	[timem:s7], [sflag:s22] =	dma.local [hbm:s5], s20  }
0x9e: {  	_ =	swait.ge [sflag:s22], s20  }
0x9f: {  	s4 =	ssub.s32 $0x0, s20;
	[sflag:s22] =	ssyncset.done $0x0  }
0xa0: {  	[sflag:s22] =	ssyncadd.s32 s4;
	_ =	sdelay $0x1  }
0xa1: {  	s23 =	simm.s32 $0x1B8B  }
0xa2: {  	_ =	swait.ge [sflag:s23], $0x1  }
0xa3: {  	[sflag:s23] =	ssyncset.done $0x0  }
0xa4: {  	s25 =	simm.s32 $0x1B8E;
	s24 =	sld [smem:$0x3FFE];
	[sflag:s23] =	ssyncadd.s32 $0xFFFFFFFF  }
0xa5: {  	s26 =	simm.s32 $execute0_lowered;
	[smem:$0x3FD2] =	sst s25  }
0xa6: {  	s5 =	sshll.u32 s26, $0x1;
	_ =	strace $0x80000046;
	[dreg:$0x1] =	wrdreg $0xFFFFFFFF  }
0xa7: {  	s28 =	simm.s32 $_size_execute0_lowered;
	s3 =	sadd.s32 s3, s5;
	[dreg:$0x0] =	wrdreg $0x0  }
0xa8: {  	s5 =	sshll.u32 s28, $0x1;
	[dreg:$0x2] =	wrdreg s3  }
0xa9: {  	[dreg:$0x3] =	wrdreg s5  }
0xaa: {  	[dreg:$0x4] =	wrdreg $0xC0  }
0xab: {  	_ =	task [dreg:s7], $0x5FFFF  }
0xac: {  	[dreg:$0x1] =	wrdreg $0xFFFFFFFF  }
0xad: {  	[dreg:$0x0] =	wrdreg $0x60  }
0xae: {  	[dreg:$0x2] =	wrdreg s24  }
0xaf: {  	[dreg:$0x3] =	wrdreg s2  }
0xb0: {  	[dreg:$0x4] =	wrdreg $0x106000  }
0xb1: {  	[dreg:$0x5] =	wrdreg $0x9  }
0xb2: {  	_ =	task.clear_ibuf [dreg:s7], $0x6FFFF;
	_ =	strace $0x90000046  }
0xb3: {  	s29 =	simm.s32 $0x9;
	_ =	strace $0x80000048  }
0xb4: {  	_ =	swait.ge [sflag:s29], $0x1  }
0xb5: {  	[sflag:s29] =	ssyncadd.s32 $0xFFFFFFFF  }
0xb6: {  	_ =	strace $0x90000048  }
0xb7: {  	_ =	sfence  }
0xb8: {  	s30 =	sld [smem:$0x0];
	_ =	sdelay $0x2  }
0xb9: {  	s31 =	sshll.u32 s1, $0xD;
	s1 =	sshrl.u32 s1, $0x2  }
0xba: {  	s3 =	sand.u32 $0x4000, s31;
	s1 =	sadd.s32 s1, s30  }
0xbb: {  	s0 =	sor.u32 s3, s0;
	s1 =	sshll.u32 s1, $0x11  }
0xbc: {  	s0 =	sor.u32 s1, s0  }
0xbd: {  	s0 =	sadd.s32 $0x8F2B, s0  }
0xbe: {  	[sflag:s0] =	ssyncadd.remote.s32 $0x1  }
0xbf: {  	_ =	sfence.sel $0xFFFF  }
0xc0: {  	[dreg:$0x0] =	wrdreg $0xFFFFFFFF;
	(pc) =	sbr.abs _section_cstart, $3  }
0xc1: {  	[dreg:$0x1] =	wrdreg $0xFFFFFFFF  }
0xc2: {  	_ =	task.clear_ibuf [dreg:s7], $0x2FFFF;
	_ =	strace $0x9FFFFFFF  }
0xc3: {  	(tm) =	ssettm $0x7FFFFFFF  }
tec
execute0_lowered:
.L_overlay_start_1:
0x0: {  	(tag) =	ssettag $0x1  }
0x1: {  	s0 =	rddreg [dreg:$0x0]  }
0x2: {  	s3 =	rddreg [dreg:$0x1]  }
0x3: {  	s1 =	rddreg [dreg:$0x2]  }
0x4: {  	s4 =	srdreg.scid;
	s5 =	stileid.u32  }
0x5: {  	s2 =	simm.s32 $0x0;
	s28 =	simm.s32 $0x600;
	s29 =	simm.s32 $0x2  }
0x6: {  	s31 =	simm.s32 $0x4600;
	s4 =	sand.u32 $0x1, s4;
	s6 =	sshll.u32 s5, $0x1  }
0x7: {  	[smem:$0x7FF] =	sst s2;
	s8 =	sadd.s32 $0x800, s0;
	s30 =	smul.u32 $0x640000, s5  }
0x8: {  	s9 =	sadd.s32 $0x19800, s0;
	s0 =	sadd.s32 $0x32800, s0;
	s14 =	smul.u32 $0xC8000, s5  }
0x9: {  	s15 =	smul.u32 $0xC800, s5;
	s6 =	sor.u32 s4, s6;
	s10 =	ssub.s32 $0x2, s4  }
0xa: {  	p0 =	sne.s32 s5, $0x0;
	s7 =	smul.u32 $0x6400, s6;
	s22 =	sshrl.u32 s10, $0x1  }
0xb: {  	_ =	strace $0x80000047;
	[dreg:$0x4] =	wrdreg s0;
	s0 =	ssub.s32 s10, s22  }
0xc: {  	s16 =	smul.u32 $0x6400, s4;
	s7 =	sshrl.u32 s7, $0x3;
	s0 =	smax.u32 s0, $0x1  }
0xd: {  	s6 =	smul.u32 $0x320000, s6;
	s23 =	sadd.s32 s8, s7;
	[dreg:$0xe] =	wrdreg s0  }
0xe: {  	s24 =	sor.u32 $0x10, s7;
	s11 =	sadd.s32 s9, s7;
	[dreg:$0x5] =	wrdreg s23  }
0xf: {  	s18 =	sadd.s32 s14, s3;
	[dreg:$0x6] =	wrdreg s11;
	s25 =	sadd.s32 s8, s24  }
0x10: {  	s26 =	sor.u32 $0x20, s7;
	s10 =	sadd.s32 s9, s24;
	[dreg:$0x7] =	wrdreg s25  }
0x11: {  	s7 =	sor.u32 $0x30, s7;
	s12 =	sadd.s32 s8, s26;
	[dreg:$0x8] =	wrdreg s10  }
0x12: {  	s6 =	sshrl.u32 s6, $0x3;
	s13 =	sadd.s32 s8, s7;
	[dreg:$0x9] =	wrdreg s12  }
0x13: {  	s6 =	sadd.s32 s3, s6;
	s7 =	sadd.s32 s9, s7;
	[dreg:$0xb] =	wrdreg s13  }
0x14: {  	s6 =	sadd.s32 $0x63800, s6;
	s11 =	simm.s32 $0x7;
	[dreg:$0xc] =	wrdreg s7  }
0x15: {  	s10 =	sadd.s32 s9, s26;
	s12 =	smul.u32 $0x320000, s4;
	[dreg:$0xd] =	wrdreg s6  }
0x16: {  	s4 =	smul.u32 $0x64000, s4;
	s6 =	sadd.s32 s16, s15;
	s7 =	simm.s32 $0x6  }
0x17: {  	s13 =	simm.s32 $0x9;
	s15 =	simm.s32 $0x0;
	[dreg:$0xa] =	wrdreg s10  }
0x18: {  	s20 =	sor.u32 $0x380, s6;
	s22 =	sor.u32 $0x300, s6;
	s24 =	sor.u32 $0x280, s6  }
0x19: {  	s25 =	sor.u32 $0x200, s6;
	s6 =	simm.s32 $0x8600;
	s10 =	simm.s32 $0xC600  }
0x1a: {  	s17 =	sadd.s32 s12, s30;
	s19 =	sadd.s32 s4, s18;
	s21 =	sshrl.u32 s20, $0x3  }
0x1b: {  	s23 =	sshrl.u32 s22, $0x3;
	s26 =	sshrl.u32 s24, $0x3;
	s30 =	sshrl.u32 s25, $0x3  }
0x1c: {  	s25 =	simm.s32 $0x80;
	s4 =	simm.s32 $0x3;
	s12 =	simm.s32 $0x8  }
0x1d: {  	s0 =	sshrl.u32 s17, $0x3;
	s16 =	sadd.s32 s21, s9;
	s17 =	sadd.s32 s21, s8  }
.Ltmp0:
0x1e: {  	s18 =	sadd.s32 s23, s9;
	s20 =	sadd.s32 s26, s9;
	(pc) =	sbr.rel .LBB2_1-.Ltmp0, $4  }
0x1f: {  	s21 =	sadd.s32 s26, s8;
	s22 =	sadd.s32 s30, s9;
	s0 =	sadd.s32 s0, s3  }
0x20: {  	s9 =	simm.s32 $0x580;
	s3 =	simm.s32 $0x5;
	[dreg:$0xf] =	wrdreg s0  }
0x21: {  	s0 =	sadd.s32 $0x1000, s19;
	s19 =	sadd.s32 s23, s8;
	s23 =	sadd.s32 s30, s8  }
0x22: {  	v0 =	vimm.s32 $0x7E;
	s8 =	simm.s32 $0x4;
	[dreg:$0x10] =	wrdreg s0;
	s0 =	simm.s32 $0x1  }
.LBB2_8:
0x23: {  	_ =	swait.ge [sflag:s12], $0x4000  }
0x24: {  	[sflag:s12] =	ssyncset.done $0x0  }
0x25: {  	s5 =	rddreg [dreg:$0xd];
	[sflag:s12] =	ssyncadd.s32 $0xFFFFC000  }
0x26: {  	[hbm4b:s5+s2] =	stream.linear.scatter [tilespmem:s10], [sflag:$0xC], $0x4000, $0x38;
	[tilespmem:$0x13E00] =	vst v63  }
0x27: {  	_ =	swait.ge [sflag:s13], $0x4000  }
0x28: {  	[sflag:s13] =	ssyncset.done $0x0  }
0x29: {  	s24 =	simm.s32 $0xA;
	[sflag:s13] =	ssyncadd.s32 $0xFFFFC000  }
0x2a: {  	_ =	swait.ge [sflag:s24], $0x4000  }
0x2b: {  	[sflag:s24] =	ssyncset.done $0x0  }
0x2c: {  	s26 =	simm.s32 $0xB;
	[sflag:s24] =	ssyncadd.s32 $0xFFFFC000  }
0x2d: {  	_ =	swait.ge [sflag:s26], $0x4000  }
0x2e: {  	[sflag:s26] =	ssyncset.done $0x0  }
0x2f: {  	s14 =	simm.s32 $0xC;
	[sflag:s26] =	ssyncadd.s32 $0xFFFFC000  }
0x30: {  	_ =	swait.ge [sflag:s14], $0x4000  }
0x31: {  	s15 =	rddreg [dreg:$0x11]  }
0x32: {  	s30 =	rddreg [dreg:$0xe];
	s15 =	sadd.s32 $0x1, s15  }
0x33: {  	p1 =	sne.s32 s15, s30  }
.Ltmp1:
0x34: {  	_ = 	snop;
	(pc) =	sbr.rel @!p1 .LBB2_9-.Ltmp1, $3  }
0x35: {  	_ =	sdelay $0x1  }
0x36: {  	[sflag:s14] =	ssyncset.done $0x0  }
0x37: {  	[sflag:s14] =	ssyncadd.s32 $0xFFFFC000  }
.LBB2_1:
0x38: {  	[dreg:$0x11] =	wrdreg s15  }
0x39: {  	s14 =	sshrl.u32 @!p0 s1, $0x3;
	s15 =	simm.s32 @!p0 $0x1C0D;
	s5 =	rddreg [dreg:$0x4]  }
0x3a: {  	[spmem:s14], [sflag:s15] =	dma.local @!p0 [hbm:s5], $0x7000  }
0x3b: {  	s14 =	simm.s32 @!p0 $0xD  }
0x3c: {  	_ =	swait.ge @!p0 [sflag:s14], $0x7000  }
0x3d: {  	[sflag:s14] =	ssyncset.done @!p0 $0x0  }
0x3e: {  	[sflag:s14] =	ssyncadd.s32 @!p0 $0xFFFF9000  }
0x3f: {  	[bflag:$0x0] =	sbarrier.arrive $0xFFFF  }
0x40: {  	s30 =	rddreg [dreg:$0x5]  }
0x41: {  	s14 =	rddreg [dreg:$0x6]  }
0x42: {  	[tilespmem:s2], [sflag:$0x1] =	stream.linear.gather [hbm4b:s30+s2], $0x80, $0x38;
	[tilespmem:$0x13E00] =	vst v63  }
0x43: {  	s15 =	simm.s32 $0x200;
	s24 =	rddreg [dreg:$0x7]  }
0x44: {  	[tilespmem:s15], [sflag:$0x1] =	stream.linear.gather [hbm4b:s14+s2], $0x80, $0x38;
	[tilespmem:$0x13E00] =	vst v63  }
0x45: {  	s26 =	rddreg [dreg:$0x8]  }
0x46: {  	[tilespmem:s25], [sflag:$0x2] =	stream.linear.gather [hbm4b:s24+s2], $0x80, $0x38;
	[tilespmem:$0x13E00] =	vst v63  }
0x47: {  	s30 =	simm.s32 $0x280;
	s15 =	rddreg [dreg:$0x9]  }
0x48: {  	[tilespmem:s30], [sflag:$0x2] =	stream.linear.gather [hbm4b:s26+s2], $0x80, $0x38;
	[tilespmem:$0x13E00] =	vst v63  }
0x49: {  	s14 =	rddreg [dreg:$0x10];
	s24 =	simm.s32 $0x100  }
0x4a: {  	[tilespmem:s24], [sflag:$0x3] =	stream.linear.gather [hbm4b:s15+s2], $0x80, $0x38;
	[tilespmem:$0x13E00] =	vst v63  }
0x4b: {  	s26 =	rddreg [dreg:$0xa];
	s30 =	simm.s32 $0x300  }
0x4c: {  	[tilespmem:s30], [sflag:$0x3] =	stream.linear.gather [hbm4b:s26+s2], $0x80, $0x38;
	[tilespmem:$0x13E00] =	vst v63  }
.Ltmp2:
0x4d: {  	s15 =	rddreg [dreg:$0xb];
	(pc) =	sbr.rel .LBB2_2-.Ltmp2, $4  }
0x4e: {  	s24 =	simm.s32 $0x180;
	s26 =	rddreg [dreg:$0xc]  }
0x4f: {  	[tilespmem:s24], [sflag:$0x4] =	stream.linear.gather [hbm4b:s15+s2], $0x80, $0x38;
	[tilespmem:$0x13E00] =	vst v63  }
0x50: {  	s30 =	simm.s32 $0x380;
	s15 =	rddreg [dreg:$0xf];
	s24 =	simm.s32 $0x0  }
0x51: {  	[tilespmem:s30], [sflag:$0x4] =	stream.linear.gather [hbm4b:s26+s2], $0x80, $0x38;
	[tilespmem:$0x13E00] =	vst v63  }
.LBB2_6:
0x52: {  	_ =	swait.ge [sflag:s12], $0x4000  }
0x53: {  	[sflag:s12] =	ssyncset.done $0x0  }
0x54: {  	s26 =	sadd.s32 $0xFFFFE800, s14;
	[sflag:s12] =	ssyncadd.s32 $0xFFFFC000  }
0x55: {  	[hbm4b:s26+s2] =	stream.linear.scatter [tilespmem:s10], [sflag:$0xC], $0x4000, $0x38;
	[tilespmem:$0x13E00] =	vst v63  }
.LBB2_7:
0x56: {  	_ =	swait.ge [sflag:s29], $0x80  }
0x57: {  	[sflag:s29] =	ssyncset.done $0x0  }
0x58: {  	[sflag:s29] =	ssyncadd.s32 $0xFFFFFF80  }
0x59: {  	_ =	swait.ge [sflag:s29], $0x80  }
0x5a: {  	[sflag:s29] =	ssyncset.done $0x0  }
0x5b: {  	[sflag:s29] =	ssyncadd.s32 $0xFFFFFF80  }
0x5c: {  	v1 =	vld [tilespmem:$0x80]  }
0x5d: {  	v2 =	vld [tilespmem:$0x280]  }
0x5e: {  	v3 =	vld [tilespmem:$0x90]  }
0x5f: {  	v58 =	vld [tilespmem:$0x290]  }
0x60: {  	v7 =	vld [tilespmem:$0x2A0]  }
0x61: {  	v63 =	vld [tilespmem:$0x2B0]  }
0x62: {  	v9 =	vld [tilespmem:$0xC0]  }
0x63: {  	v15 =	vld [tilespmem:$0x2C0]  }
0x64: {  	v16 =	vld [tilespmem:$0x2D0]  }
0x65: {  	v23 =	vld [tilespmem:$0x2E0]  }
0x66: {  	v24 =	vld [tilespmem:$0xF0]  }
0x67: {  	v1 =	vmul.f32 $2.550000000e+02, v1;
	v4 =	vand.u32 $0x7FFFFF, v2;
	v2 =	vshrl.u32 v2, $0x17  }
0x68: {  	v3 =	vmul.f32 $2.550000000e+02, v3;
	v6 =	vand.u32 $0x7FFFFF, v58;
	v61 =	vand.u32 $0x7FFFFF, v7  }
0x69: {  	v7 =	vshrl.u32 v7, $0x17;
	v12 =	vand.u32 $0x7FFFFF, v63;
	v13 =	vmul.f32 $2.550000000e+02, v9  }
0x6a: {  	v10 =	vshrl.u32 v15, $0x17;
	v19 =	vand.u32 $0x7FFFFF, v16;
	v9 =	vshrl.u32 v16, $0x17  }
0x6b: {  	v26 =	vshrl.u32 v23, $0x17;
	v27 =	vand.u32 $0x7FFFFF, v23;
	v29 =	vmul.f32 $2.550000000e+02, v24  }
0x6c: {  	vm0 =	veq.s32 v4, $0x0;
	v2 =	vand.u32 $0xFF, v2;
	v4 =	vshrl.u32 v58, $0x17  }
0x6d: {  	v59 =	vld [tilespmem:$0xA0];
	vm7 =	veq.s32 v6, $0x0;
	vm10 =	veq.s32 v61, $0x0;
	v7 =	vand.u32 $0xFF, v7  }
0x6e: {  	v62 =	vld [tilespmem:$0xB0];
	vm13 =	veq.s32 v12, $0x0;
	v10 =	vand.u32 $0xFF, v10;
	v9 =	vand.u32 $0xFF, v9  }
0x6f: {  	v1 =	vtrunc.f32 v1;
	v5 =	vsel vm0, $0x7F, v0;
	v3 =	vtrunc.f32 v3  }
0x70: {  	v4 =	vand.u32 $0xFF, v4;
	v6 =	vsel vm7, $0x7F, v0;
	v8 =	vsel vm10, $0x7F, v0  }
0x71: {  	v14 =	vsel vm13, $0x7F, v0;
	v1 =	vcvt.f32.s32 v1;
	v2 =	vsub.s32 v5, v2  }
0x72: {  	v3 =	vcvt.f32.s32 v3;
	v4 =	vsub.s32 v6, v4;
	v5 =	vmul.f32 $2.550000000e+02, v59  }
0x73: {  	v7 =	vsub.s32 v8, v7;
	v6 =	vmul.f32 $2.550000000e+02, v62;
	v8 =	vand.u32 $0x7FFFFF, v15  }
0x74: {  	vm6 =	vgt.s32 v2, $0x0;
	vm9 =	vgt.s32 v4, $0x0;
	vm12 =	vgt.s32 v7, $0x0  }
0x75: {  	vm5 =	vgt.s32 v1, $0x0;
	v2 =	vnsel vm6, $0x0, v2;
	vm8 =	vgt.s32 v3, $0x0  }
0x76: {  	v60 =	vtrunc.f32 v5;
	v11 =	vnsel vm12, $0x0, v7;
	v5 =	vshrl.u32 v63, $0x17  }
0x77: {  	v6 =	vtrunc.f32 v6;
	v7 =	vtrunc.f32 v13;
	vm6 =	veq.s32 v19, $0x0  }
0x78: {  	v1 =	vnsel vm5, $0x0, v1;
	v2 =	vmin.u32 v2, $0x6;
	v5 =	vand.u32 $0xFF, v5  }
0x79: {  	v6 =	vcvt.f32.s32 v6;
	v7 =	vcvt.f32.s32 v7;
	vm5 =	veq.s32 v8, $0x0  }
0x7a: {  	v21 =	vsel vm6, $0x7F, v0;
	v1 =	vmin.u32 v1, $0xFF;
	v2 =	vshll.u32 v2, $0x8  }
0x7b: {  	v18 =	vld [tilespmem:$0xD0];
	v5 =	vsub.s32 v14, v5;
	v12 =	vsel vm5, $0x7F, v0;
	v9 =	vsub.s32 v21, v9  }
0x7c: {  	v1 =	vor.u32 v1, v2;
	v2 =	vnsel vm8, $0x0, v3;
	v3 =	vnsel vm9, $0x0, v4  }
0x7d: {  	v4 =	vcvt.f32.s32 v60;
	vm14 =	vgt.s32 v5, $0x0;
	vm15 =	vgt.s32 v6, $0x0  }
0x7e: {  	vm4 =	vgt.s32 v7, $0x0;
	v20 =	vsub.s32 v12, v10;
	vm8 =	vgt.s32 v9, $0x0  }
0x7f: {  	v13 =	vld [tilespmem:$0x2F0];
	v2 =	vmin.u32 v2, $0xFF;
	v3 =	vmin.u32 v3, $0x6;
	v17 =	vnsel vm14, $0x0, v5  }
0x80: {  	v6 =	vnsel vm15, $0x0, v6;
	v7 =	vnsel vm4, $0x0, v7;
	v5 =	vmul.f32 $2.550000000e+02, v18  }
0x81: {  	vm7 =	vgt.s32 v20, $0x0;
	v9 =	vnsel vm8, $0x0, v9;
	[tilespmem:$0x480] =	vst v1;
	v1 =	vtrunc.f32 v29  }
0x82: {  	vm11 =	vgt.s32 v4, $0x0;
	v3 =	vshll.u32 v3, $0x8;
	v6 =	vmin.u32 v6, $0xFF  }
0x83: {  	v7 =	vmin.u32 v7, $0xFF;
	v8 =	vnsel vm7, $0x0, v20;
	v9 =	vmin.u32 v9, $0x6  }
0x84: {  	v30 =	vand.u32 $0x7FFFFF, v13;
	v31 =	vshrl.u32 v13, $0x17;
	v1 =	vcvt.f32.s32 v1  }
0x85: {  	v4 =	vnsel vm11, $0x0, v4;
	v2 =	vor.u32 v2, v3;
	v5 =	vtrunc.f32 v5  }
0x86: {  	v8 =	vmin.u32 v8, $0x6;
	v9 =	vshll.u32 v9, $0x8;
	vm11 =	veq.s32 v27, $0x0  }
0x87: {  	vm12 =	veq.s32 v30, $0x0;
	v3 =	vmin.u32 v4, $0xFF;
	v4 =	vmin.u32 v11, $0x6;
	v11 =	vld [tilespmem:$0xE0]  }
0x88: {  	v5 =	vcvt.f32.s32 v5;
	v8 =	vshll.u32 v8, $0x8;
	v32 =	vsel vm12, $0x7F, v0  }
0x89: {  	vm15 =	vgt.s32 v1, $0x0;
	v4 =	vshll.u32 v4, $0x8;
	v25 =	vor.u32 v7, v8  }
0x8a: {  	v7 =	vand.u32 $0xFF, v26;
	v8 =	vsel vm11, $0x7F, v0;
	v1 =	vnsel vm15, $0x0, v1  }
0x8b: {  	v3 =	vor.u32 v3, v4;
	v4 =	vmin.u32 v17, $0x6;
	vm9 =	vgt.s32 v5, $0x0  }
0x8c: {  	v7 =	vsub.s32 v8, v7;
	v8 =	vand.u32 $0xFF, v31;
	v22 =	vmul.f32 $2.550000000e+02, v11  }
0x8d: {  	v1 =	vmin.u32 v1, $0xFF;
	v4 =	vshll.u32 v4, $0x8;
	v5 =	vnsel vm9, $0x0, v5  }
0x8e: {  	[tilespmem:$0x490] =	vst v2;
	vm13 =	vgt.s32 v7, $0x0;
	v2 =	vsub.s32 v32, v8;
	v10 =	vtrunc.f32 v22  }
0x8f: {  	v5 =	vmin.u32 v5, $0xFF;
	vm14 =	vgt.s32 v2, $0x0;
	v10 =	vcvt.f32.s32 v10  }
0x90: {  	[tilespmem:$0x4C0] =	vst v25;
	v4 =	vor.u32 v6, v4;
	v7 =	vnsel vm13, $0x0, v7;
	v2 =	vnsel vm14, $0x0, v2  }
0x91: {  	[tilespmem:$0x4A0] =	vst v3;
	v5 =	vor.u32 v5, v9;
	v2 =	vmin.u32 v2, $0x6;
	vm10 =	vgt.s32 v10, $0x0  }
0x92: {  	[tilespmem:$0x4B0] =	vst v4;
	v33 =	vmin.u32 v7, $0x6;
	v2 =	vshll.u32 v2, $0x8;
	v28 =	vnsel vm10, $0x0, v10  }
0x93: {  	v4 =	vshll.u32 v33, $0x8;
	[tilespmem:$0x4D0] =	vst v5;
	v1 =	vor.u32 v1, v2;
	v3 =	vmin.u32 v28, $0xFF  }
0x94: {  	p2 =	seq.s32 s24, $0x0;
	[tilespmem:$0x4F0] =	vst v1;
	v3 =	vor.u32 v3, v4  }
0x95: {  	s26 =	simm.s32 @!p2 $0xA;
	[tilespmem:$0x4E0] =	vst v3  }
0x96: {  	_ =	swait.ge @!p2 [sflag:s26], $0x4000  }
0x97: {  	[sflag:s26] =	ssyncset.done @!p2 $0x0  }
0x98: {  	s5 =	simm.s32 $0x480;
	[sflag:s26] =	ssyncadd.s32 @!p2 $0xFFFFC000  }
0x99: {  	[tilespmem:s31], [sflag:$0x6] =	stream.indirect.gather [spmem:s1], $0x80, s5, s25, $0xb8;
	[tilespmem:$0x13E00] =	vst v63  }
0x9a: {  	s30 =	sadd.s32 @!p1 s24, s21;
	s26 =	simm.s32 @!p1 $0x0;
	s5 =	simm.s32 @!p1 $0x80  }
0x9b: {  	[tilespmem:s5], [sflag:$0x2] =	stream.linear.gather @!p1 [hbm4b:s30+s26], $0x80, $0x38;
	[tilespmem:$0x13E00] =	vst v63  }
0x9c: {  	s5 =	sadd.s32 @!p1 s24, s20;
	s30 =	simm.s32 @!p1 $0x280  }
0x9d: {  	[tilespmem:s30], [sflag:$0x2] =	stream.linear.gather @!p1 [hbm4b:s5+s26], $0x80, $0x38;
	[tilespmem:$0x13E00] =	vst v63  }
0x9e: {  	_ =	swait.ge [sflag:s3], $0x4000  }
0x9f: {  	[sflag:s3] =	ssyncset.done $0x0  }
0xa0: {  	[sflag:s3] =	ssyncadd.s32 $0xFFFFC000  }
0xa1: {  	[hbm4b:s15+s2] =	stream.linear.scatter [tilespmem:s28], [sflag:$0x9], $0x4000, $0x38;
	[tilespmem:$0x13E00] =	vst v63  }
0xa2: {  	_ =	swait.ge [sflag:s4], $0x80  }
0xa3: {  	[sflag:s4] =	ssyncset.done $0x0  }
0xa4: {  	[sflag:s4] =	ssyncadd.s32 $0xFFFFFF80  }
0xa5: {  	_ =	swait.ge [sflag:s4], $0x80  }
0xa6: {  	[sflag:s4] =	ssyncset.done $0x0  }
0xa7: {  	[sflag:s4] =	ssyncadd.s32 $0xFFFFFF80  }
0xa8: {  	v1 =	vld [tilespmem:$0x100]  }
0xa9: {  	v2 =	vld [tilespmem:$0x300]  }
0xaa: {  	v3 =	vld [tilespmem:$0x110]  }
0xab: {  	v35 =	vld [tilespmem:$0x310]  }
0xac: {  	v37 =	vld [tilespmem:$0x120]  }
0xad: {  	v39 =	vld [tilespmem:$0x320]  }
0xae: {  	v43 =	vld [tilespmem:$0x330]  }
0xaf: {  	v45 =	vld [tilespmem:$0x140]  }
0xb0: {  	v50 =	vld [tilespmem:$0x340]  }
0xb1: {  	v51 =	vld [tilespmem:$0x350]  }
0xb2: {  	v56 =	vld [tilespmem:$0x160]  }
0xb3: {  	v61 =	vld [tilespmem:$0x360]  }
0xb4: {  	v62 =	vld [tilespmem:$0x170];
	v1 =	vmul.f32 $2.550000000e+02, v1;
	v34 =	vand.u32 $0x7FFFFF, v2;
	v2 =	vshrl.u32 v2, $0x17  }
0xb5: {  	v63 =	vld [tilespmem:$0x370];
	v3 =	vmul.f32 $2.550000000e+02, v3;
	v38 =	vand.u32 $0x7FFFFF, v35;
	v4 =	vshrl.u32 v35, $0x17  }
0xb6: {  	v5 =	vmul.f32 $2.550000000e+02, v37;
	v41 =	vand.u32 $0x7FFFFF, v39;
	v7 =	vshrl.u32 v39, $0x17  }
0xb7: {  	v47 =	vand.u32 $0x7FFFFF, v43;
	v48 =	vmul.f32 $2.550000000e+02, v45;
	v54 =	vshrl.u32 v50, $0x17  }
0xb8: {  	v8 =	vand.u32 $0x7FFFFF, v50;
	v55 =	vand.u32 $0x7FFFFF, v51;
	v9 =	vshrl.u32 v51, $0x17  }
0xb9: {  	v60 =	vmul.f32 $2.550000000e+02, v56;
	v17 =	vshrl.u32 v61, $0x17;
	v18 =	vand.u32 $0x7FFFFF, v61  }
0xba: {  	v20 =	vmul.f32 $2.550000000e+02, v62;
	v21 =	vand.u32 $0x7FFFFF, v63;
	v22 =	vshrl.u32 v63, $0x17  }
0xbb: {  	vm4 =	veq.s32 v34, $0x0;
	v2 =	vand.u32 $0xFF, v2;
	vm7 =	veq.s32 v38, $0x0  }
0xbc: {  	v4 =	vand.u32 $0xFF, v4;
	vm10 =	veq.s32 v41, $0x0;
	v7 =	vand.u32 $0xFF, v7  }
0xbd: {  	v42 =	vld [tilespmem:$0x130];
	vm13 =	veq.s32 v47, $0x0;
	v10 =	vand.u32 $0xFF, v54;
	v9 =	vand.u32 $0xFF, v9  }
0xbe: {  	v1 =	vtrunc.f32 v1;
	v36 =	vsel vm4, $0x7F, v0;
	v3 =	vtrunc.f32 v3  }
0xbf: {  	v6 =	vsel vm7, $0x7F, v0;
	v40 =	vtrunc.f32 v5;
	v44 =	vsel vm10, $0x7F, v0  }
0xc0: {  	v5 =	vshrl.u32 v43, $0x17;
	v49 =	vsel vm13, $0x7F, v0;
	v1 =	vcvt.f32.s32 v1  }
0xc1: {  	v2 =	vsub.s32 v36, v2;
	v3 =	vcvt.f32.s32 v3;
	v4 =	vsub.s32 v6, v4  }
0xc2: {  	v7 =	vsub.s32 v44, v7;
	v6 =	vmul.f32 $2.550000000e+02, v42;
	v5 =	vand.u32 $0xFF, v5  }
0xc3: {  	vm6 =	vgt.s32 v2, $0x0;
	vm9 =	vgt.s32 v4, $0x0;
	vm12 =	vgt.s32 v7, $0x0  }
0xc4: {  	v53 =	vld [tilespmem:$0x150];
	v5 =	vsub.s32 v49, v5;
	vm5 =	vgt.s32 v1, $0x0;
	v2 =	vnsel vm6, $0x0, v2  }
0xc5: {  	vm8 =	vgt.s32 v3, $0x0;
	v46 =	vnsel vm12, $0x0, v7;
	v6 =	vtrunc.f32 v6  }
0xc6: {  	v7 =	vtrunc.f32 v48;
	vm14 =	vgt.s32 v5, $0x0;
	vm6 =	veq.s32 v55, $0x0  }
0xc7: {  	vm12 =	veq.s32 v21, $0x0;
	v1 =	vnsel vm5, $0x0, v1;
	v2 =	vmin.u32 v2, $0x6  }
0xc8: {  	v6 =	vcvt.f32.s32 v6;
	v7 =	vcvt.f32.s32 v7;
	v52 =	vnsel vm14, $0x0, v5  }
0xc9: {  	vm5 =	veq.s32 v8, $0x0;
	v5 =	vmul.f32 $2.550000000e+02, v53;
	v59 =	vsel vm6, $0x7F, v0  }
0xca: {  	v23 =	vsel vm12, $0x7F, v0;
	v1 =	vmin.u32 v1, $0xFF;
	v2 =	vshll.u32 v2, $0x8  }
0xcb: {  	v57 =	vsel vm5, $0x7F, v0;
	v9 =	vsub.s32 v59, v9;
	v1 =	vor.u32 v1, v2  }
0xcc: {  	v2 =	vnsel vm8, $0x0, v3;
	v3 =	vnsel vm9, $0x0, v4;
	v4 =	vcvt.f32.s32 v40  }
0xcd: {  	vm15 =	vgt.s32 v6, $0x0;
	vm4 =	vgt.s32 v7, $0x0;
	v58 =	vsub.s32 v57, v10  }
0xce: {  	v5 =	vtrunc.f32 v5;
	vm8 =	vgt.s32 v9, $0x0;
	v10 =	vtrunc.f32 v60  }
0xcf: {  	v2 =	vmin.u32 v2, $0xFF;
	v3 =	vmin.u32 v3, $0x6;
	v6 =	vnsel vm15, $0x0, v6  }
0xd0: {  	v7 =	vnsel vm4, $0x0, v7;
	vm7 =	vgt.s32 v58, $0x0;
	v5 =	vcvt.f32.s32 v5  }
0xd1: {  	v9 =	vnsel vm8, $0x0, v9;
	v10 =	vcvt.f32.s32 v10;
	[tilespmem:$0x500] =	vst v1;
	v1 =	vtrunc.f32 v20  }
0xd2: {  	vm11 =	vgt.s32 v4, $0x0;
	v3 =	vshll.u32 v3, $0x8;
	v6 =	vmin.u32 v6, $0xFF  }
0xd3: {  	v7 =	vmin.u32 v7, $0xFF;
	v8 =	vnsel vm7, $0x0, v58;
	v9 =	vmin.u32 v9, $0x6  }
0xd4: {  	v1 =	vcvt.f32.s32 v1;
	v4 =	vnsel vm11, $0x0, v4;
	v2 =	vor.u32 v2, v3  }
0xd5: {  	v8 =	vmin.u32 v8, $0x6;
	vm9 =	vgt.s32 v5, $0x0;
	v9 =	vshll.u32 v9, $0x8  }
0xd6: {  	vm10 =	vgt.s32 v10, $0x0;
	vm11 =	veq.s32 v18, $0x0;
	v3 =	vmin.u32 v4, $0xFF  }
0xd7: {  	v4 =	vmin.u32 v46, $0x6;
	v8 =	vshll.u32 v8, $0x8;
	v5 =	vnsel vm9, $0x0, v5  }
0xd8: {  	v19 =	vnsel vm10, $0x0, v10;
	vm15 =	vgt.s32 v1, $0x0;
	v4 =	vshll.u32 v4, $0x8  }
0xd9: {  	v5 =	vmin.u32 v5, $0xFF;
	v16 =	vor.u32 v7, v8;
	v7 =	vand.u32 $0xFF, v17  }
0xda: {  	v8 =	vsel vm11, $0x7F, v0;
	v1 =	vnsel vm15, $0x0, v1;
	v3 =	vor.u32 v3, v4  }
0xdb: {  	v4 =	vmin.u32 v52, $0x6;
	v7 =	vsub.s32 v8, v7;
	v8 =	vand.u32 $0xFF, v22  }
0xdc: {  	[tilespmem:$0x510] =	vst v2;
	v5 =	vor.u32 v5, v9;
	vm13 =	vgt.s32 v7, $0x0;
	v2 =	vsub.s32 v23, v8  }
0xdd: {  	[tilespmem:$0x540] =	vst v16;
	v4 =	vshll.u32 v4, $0x8;
	v7 =	vnsel vm13, $0x0, v7;
	vm14 =	vgt.s32 v2, $0x0  }
0xde: {  	[tilespmem:$0x520] =	vst v3;
	v4 =	vor.u32 v6, v4;
	v24 =	vmin.u32 v7, $0x6;
	v2 =	vnsel vm14, $0x0, v2  }
0xdf: {  	v3 =	vmin.u32 v19, $0xFF;
	[tilespmem:$0x530] =	vst v4;
	v4 =	vshll.u32 v24, $0x8;
	v2 =	vmin.u32 v2, $0x6  }
0xe0: {  	v1 =	vmin.u32 v1, $0xFF;
	[tilespmem:$0x550] =	vst v5;
	v3 =	vor.u32 v3, v4;
	v2 =	vshll.u32 v2, $0x8  }
0xe1: {  	[tilespmem:$0x560] =	vst v3;
	v1 =	vor.u32 v1, v2  }
0xe2: {  	s5 =	simm.s32 @!p2 $0xB;
	[tilespmem:$0x570] =	vst v1  }
0xe3: {  	_ =	swait.ge @!p2 [sflag:s5], $0x4000  }
0xe4: {  	[sflag:s5] =	ssyncset.done @!p2 $0x0  }
0xe5: {  	s30 =	simm.s32 $0x500;
	[sflag:s5] =	ssyncadd.s32 @!p2 $0xFFFFC000  }
0xe6: {  	[tilespmem:s6], [sflag:$0x7] =	stream.indirect.gather [spmem:s1], $0x80, s30, s25, $0xb8;
	[tilespmem:$0x13E00] =	vst v63  }
0xe7: {  	s5 =	sadd.s32 @!p1 s24, s19;
	s30 =	simm.s32 @!p1 $0x100  }
0xe8: {  	[tilespmem:s30], [sflag:$0x3] =	stream.linear.gather @!p1 [hbm4b:s5+s26], $0x80, $0x38;
	[tilespmem:$0x13E00] =	vst v63  }
0xe9: {  	s5 =	sadd.s32 @!p1 s24, s18;
	s30 =	simm.s32 @!p1 $0x300  }
0xea: {  	[tilespmem:s30], [sflag:$0x3] =	stream.linear.gather @!p1 [hbm4b:s5+s26], $0x80, $0x38;
	[tilespmem:$0x13E00] =	vst v63  }
0xeb: {  	_ =	swait.ge [sflag:s7], $0x4000  }
0xec: {  	[sflag:s7] =	ssyncset.done $0x0  }
0xed: {  	s30 =	sadd.s32 $0xFFFFF800, s14;
	[sflag:s7] =	ssyncadd.s32 $0xFFFFC000  }
0xee: {  	[hbm4b:s30+s2] =	stream.linear.scatter [tilespmem:s31], [sflag:$0xA], $0x4000, $0x38;
	[tilespmem:$0x13E00] =	vst v63  }
0xef: {  	_ =	swait.ge [sflag:s8], $0x80  }
0xf0: {  	[sflag:s8] =	ssyncset.done $0x0  }
0xf1: {  	[sflag:s8] =	ssyncadd.s32 $0xFFFFFF80  }
0xf2: {  	_ =	swait.ge [sflag:s8], $0x80  }
0xf3: {  	[sflag:s8] =	ssyncset.done $0x0  }
0xf4: {  	[sflag:s8] =	ssyncadd.s32 $0xFFFFFF80  }
0xf5: {  	v1 =	vld [tilespmem:$0x180]  }
0xf6: {  	v2 =	vld [tilespmem:$0x380]  }
0xf7: {  	v3 =	vld [tilespmem:$0x190]  }
0xf8: {  	v26 =	vld [tilespmem:$0x390]  }
0xf9: {  	v28 =	vld [tilespmem:$0x1A0]  }
0xfa: {  	v30 =	vld [tilespmem:$0x3A0]  }
0xfb: {  	v33 =	vld [tilespmem:$0x3B0]  }
0xfc: {  	v38 =	vld [tilespmem:$0x3C0]  }
0xfd: {  	v42 =	vld [tilespmem:$0x3D0]  }
0xfe: {  	v44 =	vld [tilespmem:$0x1D0]  }
0xff: {  	v45 =	vld [tilespmem:$0x3E0]  }
0x100: {  	v49 =	vld [tilespmem:$0x1E0]  }
0x101: {  	v50 =	vld [tilespmem:$0x3F0];
	v1 =	vmul.f32 $2.550000000e+02, v1;
	v25 =	vand.u32 $0x7FFFFF, v2;
	v2 =	vshrl.u32 v2, $0x17  }
0x102: {  	v54 =	vld [tilespmem:$0x1F0];
	v3 =	vmul.f32 $2.550000000e+02, v3;
	v29 =	vand.u32 $0x7FFFFF, v26;
	v4 =	vshrl.u32 v26, $0x17  }
0x103: {  	v5 =	vmul.f32 $2.550000000e+02, v28;
	v32 =	vand.u32 $0x7FFFFF, v30;
	v6 =	vshrl.u32 v30, $0x17  }
0x104: {  	v37 =	vand.u32 $0x7FFFFF, v33;
	v8 =	vshrl.u32 v33, $0x17;
	v41 =	vand.u32 $0x7FFFFF, v38  }
0x105: {  	v9 =	vshrl.u32 v38, $0x17;
	v48 =	vand.u32 $0x7FFFFF, v42;
	v10 =	vmul.f32 $2.550000000e+02, v44  }
0x106: {  	v53 =	vand.u32 $0x7FFFFF, v45;
	v11 =	vshrl.u32 v45, $0x17;
	v55 =	vmul.f32 $2.550000000e+02, v49  }
0x107: {  	v58 =	vand.u32 $0x7FFFFF, v50;
	v59 =	vmul.f32 $2.550000000e+02, v54;
	vm4 =	veq.s32 v25, $0x0  }
0x108: {  	v2 =	vand.u32 $0xFF, v2;
	vm7 =	veq.s32 v29, $0x0;
	v4 =	vand.u32 $0xFF, v4  }
0x109: {  	vm10 =	veq.s32 v32, $0x0;
	v6 =	vand.u32 $0xFF, v6;
	vm13 =	veq.s32 v37, $0x0  }
0x10a: {  	v39 =	vand.u32 $0xFF, v8;
	v9 =	vand.u32 $0xFF, v9;
	v8 =	vshrl.u32 v42, $0x17  }
0x10b: {  	v56 =	vand.u32 $0xFF, v11;
	v1 =	vtrunc.f32 v1;
	v27 =	vsel vm4, $0x7F, v0  }
0x10c: {  	v34 =	vld [tilespmem:$0x1C0];
	v3 =	vtrunc.f32 v3;
	v31 =	vsel vm7, $0x7F, v0;
	v5 =	vtrunc.f32 v5  }
0x10d: {  	v7 =	vsel vm10, $0x7F, v0;
	v40 =	vsel vm13, $0x7F, v0;
	vm4 =	veq.s32 v41, $0x0  }
0x10e: {  	vm7 =	veq.s32 v48, $0x0;
	v8 =	vand.u32 $0xFF, v8;
	v10 =	vtrunc.f32 v10  }
0x10f: {  	v11 =	vtrunc.f32 v59;
	v1 =	vcvt.f32.s32 v1;
	v2 =	vsub.s32 v27, v2  }
0x110: {  	v3 =	vcvt.f32.s32 v3;
	v4 =	vsub.s32 v31, v4;
	v5 =	vcvt.f32.s32 v5  }
0x111: {  	v6 =	vsub.s32 v7, v6;
	v7 =	vmul.f32 $2.550000000e+02, v34;
	v43 =	vsel vm4, $0x7F, v0  }
0x112: {  	v51 =	vsel vm7, $0x7F, v0;
	v10 =	vcvt.f32.s32 v10;
	v11 =	vcvt.f32.s32 v11  }
0x113: {  	vm6 =	vgt.s32 v2, $0x0;
	vm9 =	vgt.s32 v4, $0x0;
	vm12 =	vgt.s32 v6, $0x0  }
0x114: {  	v9 =	vsub.s32 v43, v9;
	v52 =	vsub.s32 v51, v8;
	v8 =	vtrunc.f32 v55  }
0x115: {  	vm5 =	vgt.s32 v1, $0x0;
	v2 =	vnsel vm6, $0x0, v2;
	vm8 =	vgt.s32 v3, $0x0  }
0x116: {  	v4 =	vnsel vm9, $0x0, v4;
	vm11 =	vgt.s32 v5, $0x0;
	v36 =	vnsel vm12, $0x0, v6  }
0x117: {  	v6 =	vsub.s32 v40, v39;
	v7 =	vtrunc.f32 v7;
	vm6 =	vgt.s32 v9, $0x0  }
0x118: {  	vm9 =	veq.s32 v58, $0x0;
	vm10 =	vgt.s32 v10, $0x0;
	v8 =	vcvt.f32.s32 v8  }
0x119: {  	v1 =	vnsel vm5, $0x0, v1;
	v2 =	vmin.u32 v2, $0x6;
	v4 =	vmin.u32 v4, $0x6  }
0x11a: {  	v5 =	vnsel vm11, $0x0, v5;
	v1 =	vmin.u32 v1, $0xFF;
	v2 =	vshll.u32 v2, $0x8  }
0x11b: {  	vm15 =	vgt.s32 v6, $0x0;
	v1 =	vor.u32 v1, v2;
	v2 =	vnsel vm8, $0x0, v3;
	v3 =	vld [tilespmem:$0x1B0]  }
0x11c: {  	v7 =	vcvt.f32.s32 v7;
	v46 =	vnsel vm6, $0x0, v9;
	v60 =	vsel vm9, $0x7F, v0  }
0x11d: {  	v10 =	vnsel vm10, $0x0, v10;
	vm11 =	vgt.s32 v52, $0x0;
	v4 =	vshll.u32 v4, $0x8  }
0x11e: {  	v35 =	vmin.u32 v5, $0xFF;
	v5 =	vmin.u32 v36, $0x6;
	v6 =	vnsel vm15, $0x0, v6  }
0x11f: {  	vm12 =	vgt.s32 v8, $0x0;
	v5 =	vshll.u32 v5, $0x8;
	v6 =	vmin.u32 v6, $0x6  }
0x120: {  	vm5 =	vgt.s32 v7, $0x0;
	vm8 =	veq.s32 v53, $0x0;
	v3 =	vmul.f32 $2.550000000e+02, v3  }
0x121: {  	v8 =	vnsel vm12, $0x0, v8;
	v2 =	vmin.u32 v2, $0xFF;
	v6 =	vshll.u32 v6, $0x8  }
0x122: {  	v7 =	vnsel vm5, $0x0, v7;
	v57 =	vsel vm8, $0x7F, v0;
	v3 =	vtrunc.f32 v3  }
0x123: {  	[tilespmem:$0x580] =	vst v1;
	v1 =	vmin.u32 v10, $0xFF;
	v63 =	vmin.u32 v8, $0xFF;
	v3 =	vcvt.f32.s32 v3  }
0x124: {  	v2 =	vor.u32 v2, v4;
	v4 =	vor.u32 v35, v5;
	v47 =	vmin.u32 v7, $0xFF  }
0x125: {  	v5 =	vmin.u32 v46, $0x6;
	v9 =	vsub.s32 v57, v56;
	vm14 =	vgt.s32 v3, $0x0  }
0x126: {  	v7 =	vshrl.u32 v50, $0x17;
	v5 =	vshll.u32 v5, $0x8;
	v3 =	vnsel vm14, $0x0, v3  }
0x127: {  	v7 =	vand.u32 $0xFF, v7;
	vm13 =	vgt.s32 v9, $0x0;
	v3 =	vmin.u32 v3, $0xFF  }
0x128: {  	v5 =	vor.u32 v47, v5;
	v3 =	vor.u32 v3, v6;
	v6 =	vnsel vm11, $0x0, v52  }
0x129: {  	[tilespmem:$0x590] =	vst v2;
	v7 =	vsub.s32 v60, v7;
	v61 =	vnsel vm13, $0x0, v9;
	v2 =	vmin.u32 v6, $0x6  }
0x12a: {  	[tilespmem:$0x5A0] =	vst v4;
	vm15 =	vgt.s32 v7, $0x0;
	vm14 =	vgt.s32 v11, $0x0;
	v2 =	vshll.u32 v2, $0x8  }
0x12b: {  	[tilespmem:$0x5B0] =	vst v3;
	v3 =	vmin.u32 v61, $0x6;
	v1 =	vor.u32 v1, v2;
	v2 =	vnsel vm15, $0x0, v7  }
0x12c: {  	[tilespmem:$0x5C0] =	vst v5;
	v62 =	vnsel vm14, $0x0, v11;
	v3 =	vshll.u32 v3, $0x8;
	v2 =	vmin.u32 v2, $0x6  }
0x12d: {  	[tilespmem:$0x5D0] =	vst v1;
	v1 =	vor.u32 v63, v3;
	v3 =	vmin.u32 v62, $0xFF;
	v2 =	vshll.u32 v2, $0x8  }
0x12e: {  	[tilespmem:$0x5E0] =	vst v1;
	v1 =	vor.u32 v3, v2  }
0x12f: {  	s5 =	simm.s32 @!p2 $0xC;
	[tilespmem:$0x5F0] =	vst v1  }
0x130: {  	_ =	swait.ge @!p2 [sflag:s5], $0x4000  }
0x131: {  	[sflag:s5] =	ssyncset.done @!p2 $0x0  }
0x132: {  	[sflag:s5] =	ssyncadd.s32 @!p2 $0xFFFFC000  }
0x133: {  	[tilespmem:s10], [sflag:$0x8] =	stream.indirect.gather [spmem:s1], $0x80, s9, s25, $0xb8;
	[tilespmem:$0x13E00] =	vst v63  }
0x134: {  	s30 =	simm.s32 @!p1 $0x180;
	s5 =	sadd.s32 @!p1 s24, s17  }
0x135: {  	[tilespmem:s30], [sflag:$0x4] =	stream.linear.gather @!p1 [hbm4b:s5+s26], $0x80, $0x38;
	[tilespmem:$0x13E00] =	vst v63  }
0x136: {  	s5 =	sadd.s32 @!p1 s24, s16;
	s30 =	simm.s32 @!p1 $0x380;
	s24 =	sadd.s32 $0x40, s24  }
0x137: {  	[tilespmem:s30], [sflag:$0x4] =	stream.linear.gather @!p1 [hbm4b:s5+s26], $0x80, $0x38;
	[tilespmem:$0x13E00] =	vst v63  }
0x138: {  	p1 =	sne.s32 s24, $0xC80  }
.Ltmp3:
0x139: {  	_ =	swait.ge [sflag:s11], $0x4000;
	(pc) =	sbr.rel @!p1 .LBB2_8-.Ltmp3, $4  }
0x13a: {  	[sflag:s11] =	ssyncset.done $0x0  }
0x13b: {  	[sflag:s11] =	ssyncadd.s32 $0xFFFFC000  }
0x13c: {  	[hbm4b:s14+s2] =	stream.linear.scatter [tilespmem:s6], [sflag:$0xB], $0x4000, $0x38;
	[tilespmem:$0x13E00] =	vst v63  }
0x13d: {  	s15 =	sadd.s32 $0x2000, s15;
	s14 =	sadd.s32 $0x2000, s14  }
.LBB2_2:
0x13e: {  	_ =	swait.ge [sflag:s0], $0x80  }
0x13f: {  	[sflag:s0] =	ssyncset.done $0x0  }
0x140: {  	[sflag:s0] =	ssyncadd.s32 $0xFFFFFF80  }
0x141: {  	_ =	swait.ge [sflag:s0], $0x80  }
0x142: {  	[sflag:s0] =	ssyncset.done $0x0  }
0x143: {  	[sflag:s0] =	ssyncadd.s32 $0xFFFFFF80  }
0x144: {  	v1 =	vld [tilespmem:$0x0]  }
0x145: {  	v2 =	vld [tilespmem:$0x200]  }
0x146: {  	v3 =	vld [tilespmem:$0x10]  }
0x147: {  	v34 =	vld [tilespmem:$0x210]  }
0x148: {  	v36 =	vld [tilespmem:$0x220]  }
0x149: {  	v8 =	vld [tilespmem:$0x230]  }
0x14a: {  	v9 =	vld [tilespmem:$0x240]  }
0x14b: {  	v45 =	vld [tilespmem:$0x250]  }
0x14c: {  	v11 =	vld [tilespmem:$0x260]  }
0x14d: {  	v50 =	vld [tilespmem:$0x60]  }
0x14e: {  	v51 =	vld [tilespmem:$0x270]  }
0x14f: {  	v54 =	vld [tilespmem:$0x70];
	v1 =	vmul.f32 $2.550000000e+02, v1;
	v4 =	vand.u32 $0x7FFFFF, v2;
	v2 =	vshrl.u32 v2, $0x17  }
0x150: {  	v3 =	vmul.f32 $2.550000000e+02, v3;
	v6 =	vand.u32 $0x7FFFFF, v34;
	v37 =	vand.u32 $0x7FFFFF, v36  }
0x151: {  	v41 =	vand.u32 $0x7FFFFF, v8;
	v8 =	vshrl.u32 v8, $0x17;
	v44 =	vand.u32 $0x7FFFFF, v9  }
0x152: {  	v9 =	vshrl.u32 v9, $0x17;
	v49 =	vand.u32 $0x7FFFFF, v45;
	v53 =	vand.u32 $0x7FFFFF, v11  }
0x153: {  	v11 =	vshrl.u32 v11, $0x17;
	v55 =	vmul.f32 $2.550000000e+02, v50;
	v58 =	vand.u32 $0x7FFFFF, v51  }
0x154: {  	v59 =	vmul.f32 $2.550000000e+02, v54;
	vm0 =	veq.s32 v4, $0x0;
	v2 =	vand.u32 $0xFF, v2  }
0x155: {  	v4 =	vshrl.u32 v34, $0x17;
	vm7 =	veq.s32 v6, $0x0;
	v6 =	vshrl.u32 v36, $0x17  }
0x156: {  	vm10 =	veq.s32 v37, $0x0;
	vm13 =	veq.s32 v41, $0x0;
	v42 =	vand.u32 $0xFF, v8  }
0x157: {  	vm4 =	veq.s32 v44, $0x0;
	v9 =	vand.u32 $0xFF, v9;
	v8 =	vshrl.u32 v45, $0x17  }
0x158: {  	v35 =	vld [tilespmem:$0x20];
	v56 =	vand.u32 $0xFF, v11;
	v1 =	vtrunc.f32 v1;
	v5 =	vsel vm0, $0x7F, v0  }
0x159: {  	v46 =	vld [tilespmem:$0x50];
	v3 =	vtrunc.f32 v3;
	v4 =	vand.u32 $0xFF, v4;
	v7 =	vsel vm7, $0x7F, v0  }
0x15a: {  	v6 =	vand.u32 $0xFF, v6;
	v43 =	vsel vm13, $0x7F, v0;
	v10 =	vsel vm4, $0x7F, v0  }
0x15b: {  	v38 =	vld [tilespmem:$0x40];
	vm7 =	veq.s32 v49, $0x0;
	v8 =	vand.u32 $0xFF, v8;
	v11 =	vtrunc.f32 v59  }
0x15c: {  	v1 =	vcvt.f32.s32 v1;
	v2 =	vsub.s32 v5, v2;
	v3 =	vcvt.f32.s32 v3  }
0x15d: {  	v4 =	vsub.s32 v7, v4;
	v5 =	vmul.f32 $2.550000000e+02, v35;
	v7 =	vsel vm10, $0x7F, v0  }
0x15e: {  	v9 =	vsub.s32 v10, v9;
	v10 =	vmul.f32 $2.550000000e+02, v46;
	v12 =	vsel vm7, $0x7F, v0  }
0x15f: {  	v11 =	vcvt.f32.s32 v11;
	vm6 =	vgt.s32 v2, $0x0;
	vm9 =	vgt.s32 v4, $0x0  }
0x160: {  	v6 =	vsub.s32 v7, v6;
	v7 =	vmul.f32 $2.550000000e+02, v38;
	v52 =	vsub.s32 v12, v8  }
0x161: {  	v8 =	vtrunc.f32 v55;
	vm5 =	vgt.s32 v1, $0x0;
	v2 =	vnsel vm6, $0x0, v2  }
0x162: {  	vm8 =	vgt.s32 v3, $0x0;
	v4 =	vnsel vm9, $0x0, v4;
	v5 =	vtrunc.f32 v5  }
0x163: {  	vm12 =	vgt.s32 v6, $0x0;
	vm6 =	vgt.s32 v9, $0x0;
	v10 =	vtrunc.f32 v10  }
0x164: {  	vm9 =	veq.s32 v58, $0x0;
	v8 =	vcvt.f32.s32 v8;
	v1 =	vnsel vm5, $0x0, v1  }
0x165: {  	v2 =	vmin.u32 v2, $0x6;
	v4 =	vmin.u32 v4, $0x6;
	v5 =	vcvt.f32.s32 v5  }
0x166: {  	v40 =	vnsel vm12, $0x0, v6;
	v6 =	vsub.s32 v43, v42;
	v7 =	vtrunc.f32 v7  }
0x167: {  	v47 =	vnsel vm6, $0x0, v9;
	v10 =	vcvt.f32.s32 v10;
	v60 =	vsel vm9, $0x7F, v0  }
0x168: {  	v1 =	vmin.u32 v1, $0xFF;
	v2 =	vshll.u32 v2, $0x8;
	v4 =	vshll.u32 v4, $0x8  }
0x169: {  	vm15 =	vgt.s32 v6, $0x0;
	v1 =	vor.u32 v1, v2;
	v2 =	vnsel vm8, $0x0, v3;
	v3 =	vld [tilespmem:$0x30]  }
0x16a: {  	v7 =	vcvt.f32.s32 v7;
	vm12 =	vgt.s32 v8, $0x0;
	vm11 =	vgt.s32 v5, $0x0  }
0x16b: {  	v6 =	vnsel vm15, $0x0, v6;
	vm8 =	veq.s32 v53, $0x0;
	vm10 =	vgt.s32 v10, $0x0  }
0x16c: {  	v8 =	vnsel vm12, $0x0, v8;
	v2 =	vmin.u32 v2, $0xFF;
	v5 =	vnsel vm11, $0x0, v5  }
0x16d: {  	v6 =	vmin.u32 v6, $0x6;
	vm5 =	vgt.s32 v7, $0x0;
	v57 =	vsel vm8, $0x7F, v0  }
0x16e: {  	v10 =	vnsel vm10, $0x0, v10;
	vm11 =	vgt.s32 v52, $0x0;
	v3 =	vmul.f32 $2.550000000e+02, v3  }
0x16f: {  	v63 =	vmin.u32 v8, $0xFF;
	v2 =	vor.u32 v2, v4;
	v39 =	vmin.u32 v5, $0xFF  }
0x170: {  	v5 =	vmin.u32 v40, $0x6;
	v6 =	vshll.u32 v6, $0x8;
	v3 =	vtrunc.f32 v3  }
0x171: {  	v7 =	vnsel vm5, $0x0, v7;
	v9 =	vsub.s32 v57, v56;
	v3 =	vcvt.f32.s32 v3  }
0x172: {  	[tilespmem:$0x400] =	vst v1;
	v1 =	vmin.u32 v10, $0xFF;
	v5 =	vshll.u32 v5, $0x8;
	v48 =	vmin.u32 v7, $0xFF  }
0x173: {  	v7 =	vshrl.u32 v51, $0x17;
	vm13 =	vgt.s32 v9, $0x0;
	vm14 =	vgt.s32 v3, $0x0  }
0x174: {  	v4 =	vor.u32 v39, v5;
	v5 =	vmin.u32 v47, $0x6;
	v3 =	vnsel vm14, $0x0, v3  }
0x175: {  	v7 =	vand.u32 $0xFF, v7;
	v61 =	vnsel vm13, $0x0, v9;
	v3 =	vmin.u32 v3, $0xFF  }
0x176: {  	v5 =	vshll.u32 v5, $0x8;
	v3 =	vor.u32 v3, v6;
	v6 =	vnsel vm11, $0x0, v52  }
0x177: {  	[tilespmem:$0x410] =	vst v2;
	v7 =	vsub.s32 v60, v7;
	v5 =	vor.u32 v48, v5;
	v2 =	vmin.u32 v6, $0x6  }
0x178: {  	p1 =	sne.s32 s24, $0x0;
	[tilespmem:$0x420] =	vst v4;
	vm15 =	vgt.s32 v7, $0x0;
	vm14 =	vgt.s32 v11, $0x0;
	v2 =	vshll.u32 v2, $0x8  }
.Ltmp4:
0x179: {  	[tilespmem:$0x430] =	vst v3;
	v3 =	vmin.u32 v61, $0x6;
	v1 =	vor.u32 v1, v2;
	v2 =	vnsel vm15, $0x0, v7;
	(pc) =	sbr.rel @!p1 .LBB2_3-.Ltmp4, $4  }
0x17a: {  	[tilespmem:$0x440] =	vst v5;
	v62 =	vnsel vm14, $0x0, v11;
	v3 =	vshll.u32 v3, $0x8;
	v2 =	vmin.u32 v2, $0x6  }
0x17b: {  	[tilespmem:$0x450] =	vst v1;
	v1 =	vor.u32 v63, v3;
	v3 =	vmin.u32 v62, $0xFF;
	v2 =	vshll.u32 v2, $0x8  }
0x17c: {  	[tilespmem:$0x460] =	vst v1;
	v1 =	vor.u32 v3, v2  }
0x17d: {  	[tilespmem:$0x470] =	vst v1  }
0x17e: {  	p2 =	seq.s32 s24, $0xC40  }
.Ltmp5:
0x17f: {  	_ = 	snop;
	(pc) =	sbr.rel @p2 .LBB2_6-.Ltmp5, $4  }
.Ltmp6:
0x180: {  	_ =	swait.ge [sflag:s13], $0x4000;
	(pc) =	sbr.rel @!p2 .LBB2_5-.Ltmp6, $4  }
0x181: {  	[sflag:s13] =	ssyncset.done $0x0  }
0x182: {  	s5 =	simm.s32 $0x400;
	p1 =	por $0x1, $0x1;
	[sflag:s13] =	ssyncadd.s32 $0xFFFFC000  }
0x183: {  	[tilespmem:s28], [sflag:$0x5] =	stream.indirect.gather [spmem:s1], $0x80, s5, s25, $0xb8;
	[tilespmem:$0x13E00] =	vst v63  }
0x184: {  	_ = 	snop  }
.LBB2_3:
0x185: {  	s5 =	simm.s32 $0x400  }
0x186: {  	[tilespmem:s28], [sflag:$0x5] =	stream.indirect.gather [spmem:s1], $0x80, s5, s25, $0xb8;
	[tilespmem:$0x13E00] =	vst v63  }
.LBB2_5:
0x187: {  	p2 =	seq.s32 s24, $0x0  }
.Ltmp7:
0x188: {  	_ = 	snop;
	(pc) =	sbr.rel @!p2 .LBB2_6-.Ltmp7, $4  }
.Ltmp8:
0x189: {  	s26 =	sadd.s32 s24, s23;
	(pc) =	sbr.rel @p2 .LBB2_7-.Ltmp8, $4  }
0x18a: {  	[tilespmem:s2], [sflag:$0x1] =	stream.linear.gather [hbm4b:s26+s2], $0x80, $0x38;
	[tilespmem:$0x13E00] =	vst v63  }
0x18b: {  	s30 =	sadd.s32 s24, s22;
	s5 =	simm.s32 $0x200;
	p1 =	por $0x0, $0x0  }
0x18c: {  	[tilespmem:s5], [sflag:$0x1] =	stream.linear.gather [hbm4b:s30+s2], $0x80, $0x38;
	[tilespmem:$0x13E00] =	vst v63  }
0x18d: {  	_ = 	snop  }
.LBB2_9:
0x18e: {  	_ =	sfence.sel $0x180000  }
0x18f: {  	[bflag:$0x0] =	sbarrier.arrive $0xFFFF  }
0x190: {  	_ =	strace $0x90000047  }
0x191: {  	[bflag:$0x2] =	sbarrier.arrive $0xFFFF  }
0x192: {  	s0 =	rddreg [dreg:$0x3]  }
0x193: {  	s0 =	sadd.s32 @!p0 $0x100000, s0  }
0x194: {  	[sflag:s0] =	ssyncadd.tile.s32 @!p0 $0x1;
	_ =	shalt  }
.Lfunc_end2:
_tile_overlayer_lowered:
.L_overlay_start_2:
0x195: {  	(tag) =	ssettag $0x2  }
0x196: {  	s0 =	rddreg [dreg:$0x0];
	s2 =	stileid.u32  }
0x197: {  	s1 =	rddreg [dreg:$0x1];
	p0 =	sne.s32 s2, $0x0  }
0x198: {  	s3 =	rddreg [dreg:$0x2];
	[bflag:$0x3] =	sbarrier.arrive $0xFFFF;
	s2 =	simm.s32 @!p0 $0x1C0D  }
0x199: {  	[timem:s3], [sflag:s2] =	dma.local @!p0 [hbm:s0], s1  }
0x19a: {  	s0 =	simm.s32 @!p0 $0xD  }
0x19b: {  	_ =	swait.ge @!p0 [sflag:s0], s1  }
0x19c: {  	s1 =	ssub.s32 @!p0 $0x0, s1;
	[sflag:s0] =	ssyncset.done @!p0 $0x0  }
0x19d: {  	[sflag:s0] =	ssyncadd.s32 @!p0 s1  }
0x19e: {  	[bflag:$0x3] =	sbarrier.arrive $0xFFFF  }
0x19f: {  	_ =	shalt  }

</sc_bundles>
